<compile_context>
chip_gen: v7x
topology: tpu7x:2x2x1
jax: 0.10.2.dev20260603
libtpu: 0.0.44.dev20260713+nightly
codegen_flags: <defaults>
</compile_context>

<pallas_src>
import functools

import jax
import jax.numpy as jnp
from jax import lax
from jax.experimental import pallas as pl
from jax.experimental.pallas import tpu as pltpu
from jax.experimental.pallas import tpu_sc as plsc

N_NODES = 10000
N_EDGES = 320000
D = 128
DIN = 144
DFF = 512
SCALE = 30.0
EPS = 1e-5


EDGE_BLOCK = 2560


def _edge_mlp_body(he_ref, w1_ref, b1_ref, w2_ref, b2_ref, w3_ref, b3_ref,
                   out_ref):
    ct = (((1,), (1,)), ((), ()))
    h = he_ref[...].astype(jnp.bfloat16)
    h = jax.lax.dot_general(h, w1_ref[...], (((0,), (1,)), ((), ())),
                            preferred_element_type=jnp.float32)
    h = jnp.maximum(h + b1_ref[...], 0.0).astype(jnp.bfloat16)
    h = jax.lax.dot_general(h, w2_ref[...], ct,
                            preferred_element_type=jnp.float32)
    h = jnp.maximum(h + b2_ref[...], 0.0).astype(jnp.bfloat16)
    h = jax.lax.dot_general(h, w3_ref[...], ct,
                            preferred_element_type=jnp.float32)
    out_ref[...] = h + b3_ref[...]


def _edge_mlp(h_E, W1_w, W1_b, W2_w, W2_b, W3_w, W3_b):
    grid = N_EDGES // EDGE_BLOCK
    full = lambda i: (0, 0)
    return pl.pallas_call(
        _edge_mlp_body,
        grid=(grid,),
        in_specs=[
            pl.BlockSpec((DIN, EDGE_BLOCK), lambda i: (0, i)),
            pl.BlockSpec((D, DIN), full),
            pl.BlockSpec((1, D), full),
            pl.BlockSpec((D, D), full),
            pl.BlockSpec((1, D), full),
            pl.BlockSpec((D, D), full),
            pl.BlockSpec((1, D), full),
        ],
        out_specs=pl.BlockSpec((EDGE_BLOCK, D), lambda i: (i, 0)),
        out_shape=jax.ShapeDtypeStruct((N_EDGES, D), jnp.float32),
    )(h_E.T, W1_w.astype(jnp.bfloat16), W1_b.reshape(1, D),
      W2_w.astype(jnp.bfloat16), W2_b.reshape(1, D),
      W3_w.astype(jnp.bfloat16), W3_b.reshape(1, D))



NC = 2
NS = 16
NW = NC * NS
EPW = N_EDGES // NW
CHUNK = 40
NCHUNK = EPW // CHUNK
N_PAD = 10240
ZROWS = 80
ROWS_PER_TILE = N_PAD // NS


NBUF = 5
NGROUP = NCHUNK // NBUF


def _sc_scatter_body(msg_hbm, src_hbm, out_hbm, idx_v, msg_v, zero_v, acc,
                     cp_sems, sc_sems):
    c = lax.axis_index("c")
    s = lax.axis_index("s")
    wid = c * NS + s
    ebase = wid * EPW

    def start_copies(b, off):
        pltpu.async_copy(src_hbm.at[pl.ds(off, CHUNK)], idx_v.at[b],
                         cp_sems.at[b])
        pltpu.async_copy(msg_hbm.at[pl.ds(off, CHUNK)], msg_v.at[b],
                         cp_sems.at[b])

    def wait_copies(b):
        pltpu.make_async_copy(src_hbm.at[pl.ds(0, CHUNK)], idx_v.at[b],
                              cp_sems.at[b]).wait()
        pltpu.make_async_copy(msg_hbm.at[pl.ds(0, CHUNK)], msg_v.at[b],
                              cp_sems.at[b]).wait()

    def start_scatter(b):
        pltpu.async_copy(msg_v.at[b], acc.at[idx_v.at[b]], sc_sems.at[b],
                         add=True)

    def wait_scatter(b):
        pltpu.make_async_copy(msg_v.at[b], acc.at[idx_v.at[b]],
                              sc_sems.at[b]).wait()

    for b in range(NBUF):
        start_copies(b, ebase + b * CHUNK)

    def zstore(k, carry):
        i = k // (D // 16)
        j = k % (D // 16)
        zero_v[i, pl.ds(j * 16, 16)] = jnp.zeros((16,), jnp.float32)
        return carry
    lax.fori_loop(0, ZROWS * (D // 16), zstore, 0)
    for r in range(ROWS_PER_TILE // ZROWS):
        pltpu.sync_copy(zero_v, acc.at[pl.ds(s * ROWS_PER_TILE + r * ZROWS,
                                             ZROWS)])
    plsc.subcore_barrier()

    def group_step(g, carry):
        for b in range(NBUF):
            wait_copies(b)
            start_scatter(b)
        for b in range(NBUF):
            wait_scatter(b)
            start_copies(b, ebase + ((g + 1) * NBUF + b) * CHUNK)
        return carry
    lax.fori_loop(0, NGROUP - 1, group_step, 0)
    for b in range(NBUF):
        wait_copies(b)
        start_scatter(b)
    for b in range(NBUF):
        wait_scatter(b)
    plsc.subcore_barrier()

    for r in range(ROWS_PER_TILE // ZROWS):
        rows = pl.ds(s * ROWS_PER_TILE + r * ZROWS, ZROWS)
        pltpu.sync_copy(acc.at[rows], out_hbm.at[c, rows])


def _sc_scatter(msg, src):
    mesh = plsc.VectorSubcoreMesh(core_axis_name="c", subcore_axis_name="s",
                                  num_cores=NC, num_subcores=NS)
    fn = pl.kernel(
        _sc_scatter_body,
        out_type=jax.ShapeDtypeStruct((NC, N_PAD, D), jnp.float32),
        mesh=mesh,
        scratch_types=[
            pltpu.VMEM((NBUF, CHUNK), jnp.int32),
            pltpu.VMEM((NBUF, CHUNK, D), jnp.float32),
            pltpu.VMEM((ZROWS, D), jnp.float32),
            pltpu.VMEM_SHARED((N_PAD, D), jnp.float32),
            pltpu.SemaphoreType.DMA((NBUF,)),
            pltpu.SemaphoreType.DMA((NBUF,)),
        ],
    )
    return fn(msg, src)



NODE_BLOCK = 2000


def _layer_norm_in_kernel(x, g, b):
    mu = jnp.mean(x, axis=-1, keepdims=True)
    xc = x - mu
    var = jnp.mean(xc * xc, axis=-1, keepdims=True)
    return xc * jax.lax.rsqrt(var + EPS) * g + b


def _node_body(p_ref, hv_ref, d1_ref, b1_ref, d2_ref, b2_ref, g1_ref, bb1_ref,
               g2_ref, bb2_ref, out_ref):
    ct = (((1,), (1,)), ((), ()))
    dh = (p_ref[0] + p_ref[1]) * (1.0 / SCALE)
    x = _layer_norm_in_kernel(hv_ref[...] + dh, g1_ref[...], bb1_ref[...])
    y = jax.lax.dot_general(x, d1_ref[...], ct,
                            preferred_element_type=jnp.float32)
    y = jnp.maximum(y + b1_ref[...], 0.0)
    y = jax.lax.dot_general(y, d2_ref[...], ct,
                            preferred_element_type=jnp.float32)
    x = x + y + b2_ref[...]
    out_ref[...] = _layer_norm_in_kernel(x, g2_ref[...], bb2_ref[...])


def _node_update(partials, h_V, D1_w, D1_b, D2_w, D2_b, ln1_g, ln1_b, ln2_g,
                 ln2_b):
    grid = N_NODES // NODE_BLOCK
    full = lambda i: (0, 0)
    return pl.pallas_call(
        _node_body,
        grid=(grid,),
        in_specs=[
            pl.BlockSpec((NC, NODE_BLOCK, D), lambda i: (0, i, 0)),
            pl.BlockSpec((NODE_BLOCK, D), lambda i: (i, 0)),
            pl.BlockSpec((DFF, D), full),
            pl.BlockSpec((1, DFF), full),
            pl.BlockSpec((D, DFF), full),
            pl.BlockSpec((1, D), full),
            pl.BlockSpec((1, D), full),
            pl.BlockSpec((1, D), full),
            pl.BlockSpec((1, D), full),
            pl.BlockSpec((1, D), full),
        ],
        out_specs=pl.BlockSpec((NODE_BLOCK, D), lambda i: (i, 0)),
        out_shape=jax.ShapeDtypeStruct((N_NODES, D), jnp.float32),
    )(partials, h_V, D1_w, D1_b.reshape(1, DFF), D2_w, D2_b.reshape(1, D),
      ln1_g.reshape(1, D), ln1_b.reshape(1, D), ln2_g.reshape(1, D),
      ln2_b.reshape(1, D))


def kernel(h_V, h_E, edge_idx, W1_w, W1_b, W2_w, W2_b, W3_w, W3_b, D1_w, D1_b,
           D2_w, D2_b, ln1_g, ln1_b, ln2_g, ln2_b):
    msg = _edge_mlp(h_E, W1_w, W1_b, W2_w, W2_b, W3_w, W3_b)
    partials = _sc_scatter(msg, edge_idx[0])
    return _node_update(partials, h_V, D1_w, D1_b, D2_w, D2_b, ln1_g, ln1_b,
                        ln2_g, ln2_b)

# --- scband reference (transcript-rebuilt; emitter-appended) ---
"""Pipeline reference for scband-mpnnblock-38302518346486 (READ-ONLY COPY).

The authoritative reference and input builder live on the scoring server;
editing this copy changes nothing except your own understanding.
"""

import jax, jax.numpy as jnp
import numpy as np

NUM_HIDDEN = 128
NUM_IN = 16
N_NODES = 10000
N_EDGES = 320000
SCALE = 30.0


def _layer_norm(x, g, b, eps=1e-5):
    mu = jnp.mean(x, axis=-1, keepdims=True)
    var = jnp.var(x, axis=-1, keepdims=True)
    return (x - mu) / jnp.sqrt(var + eps) * g + b


def setup_inputs(seed: int = 0) -> dict:
    key = jax.random.key(seed)
    ks = jax.random.split(key, 12)
    d = NUM_HIDDEN
    din = d + NUM_IN
    inp = {}
    inp["h_V"] = jax.random.normal(ks[0], (N_NODES, d), dtype=jnp.float32)
    inp["h_E"] = jax.random.normal(ks[1], (N_EDGES, din), dtype=jnp.float32)
    inp["edge_idx"] = jax.random.randint(ks[2], (2, N_EDGES), 0, N_NODES, dtype=jnp.int64 if jax.config.jax_enable_x64 else jnp.int32).astype(jnp.int32)
    inp["W1_w"] = jax.random.normal(ks[3], (d, din), dtype=jnp.float32) * 0.02
    inp["W1_b"] = jnp.zeros((d,), dtype=jnp.float32)
    inp["W2_w"] = jax.random.normal(ks[4], (d, d), dtype=jnp.float32) * 0.02
    inp["W2_b"] = jnp.zeros((d,), dtype=jnp.float32)
    inp["W3_w"] = jax.random.normal(ks[5], (d, d), dtype=jnp.float32) * 0.02
    inp["W3_b"] = jnp.zeros((d,), dtype=jnp.float32)
    inp["D1_w"] = jax.random.normal(ks[6], (4 * d, d), dtype=jnp.float32) * 0.02
    inp["D1_b"] = jnp.zeros((4 * d,), dtype=jnp.float32)
    inp["D2_w"] = jax.random.normal(ks[7], (d, 4 * d), dtype=jnp.float32) * 0.02
    inp["D2_b"] = jnp.zeros((d,), dtype=jnp.float32)
    inp["ln1_g"] = jnp.ones((d,), dtype=jnp.float32)
    inp["ln1_b"] = jnp.zeros((d,), dtype=jnp.float32)
    inp["ln2_g"] = jnp.ones((d,), dtype=jnp.float32)
    inp["ln2_b"] = jnp.zeros((d,), dtype=jnp.float32)
    return inp


def reference(h_V, h_E, edge_idx, W1_w, W1_b, W2_w, W2_b, W3_w, W3_b, D1_w, D1_b, D2_w, D2_b, ln1_g, ln1_b, ln2_g, ln2_b):
    src_idx = edge_idx[0]
    # message MLP: W3(relu(W2(relu(W1(h_E)))))
    h = jax.nn.relu(h_E @ W1_w.T + W1_b)
    h = jax.nn.relu(h @ W2_w.T + W2_b)
    h_message = h @ W3_w.T + W3_b
    # scatter_sum over source node index (dim=0)
    dh = jax.ops.segment_sum(h_message, src_idx, num_segments=h_V.shape[0]) / SCALE
    # dropout in eval mode = identity
    h_V = _layer_norm(h_V + dh, ln1_g, ln1_b)
    dh = jax.nn.relu(h_V @ D1_w.T + D1_b) @ D2_w.T + D2_b
    h_V = _layer_norm(h_V + dh, ln2_g, ln2_b)
    return h_V

if __name__ == "__main__":
    import jax
    _d = setup_inputs()
    print(jax.jit(kernel)(*tuple(_d.values())))

</pallas_src>

<mosaic_0001>
#map = affine_map<(d0, d1) -> (0, 0)>
#map1 = affine_map<(d0, d1) -> (0)>
#map2 = affine_map<(d0, d1) -> (0, 0, 0)>
module attributes {stable_mosaic.version = 14 : i64} {
  func.func @_sc_scatter_body(%arg0: i32, %arg1: i32, %arg2: memref<320000x128xf32, #tpu.memory_space<hbm>>, %arg3: memref<320000xi32, #tpu.memory_space<hbm>>, %arg4: memref<2x10240x128xf32, #tpu.memory_space<hbm>>, %arg5: memref<5x40xi32, #tpu.memory_space<vmem>>, %arg6: memref<5x40x128xf32, #tpu.memory_space<vmem>>, %arg7: memref<80x128xf32, #tpu.memory_space<vmem>>, %arg8: memref<10240x128xf32, #tpu.memory_space<vmem_shared>>, %arg9: memref<5x!tpu.dma_semaphore, #tpu.memory_space<semaphore_mem>>, %arg10: memref<5x!tpu.dma_semaphore, #tpu.memory_space<semaphore_mem>>) attributes {dimension_semantics = [#tpu.dimension_semantics<core_parallel>, #tpu.dimension_semantics<subcore_parallel>], iteration_bounds = array<i64: 2, 16>, scalar_prefetch = 0 : i64, scratch_operands = 6 : i64, tpu.core_type = #tpu.core_type<sc_vector_subcore>, window_params = [{transform_indices = #map}, {transform_indices = #map1}, {transform_indices = #map2}]} {
    %mul3A = arith.constant 16 : i32
    %mul3A_0 = arith.muli %arg0, %mul3A : i32
    %add3A = arith.addi %mul3A_0, %arg1 : i32
    %mul3A_1 = arith.constant 10000 : i32
    %mul3A_2 = arith.muli %add3A, %mul3A_1 : i32
    %add3A_3 = arith.constant 0 : i32
    %add3A_4 = arith.addi %mul3A_2, %add3A_3 : i32
    %dma_start3A = arith.constant 0 : i32
    %dma_start3A_5 = arith.constant 0 : i32
    %dma_start3A_6 = arith.constant 0 : i32
    %dma_start3A_7 = tpu.memref_slice %arg5[%dma_start3A, %dma_start3A_6] : memref<5x40xi32, #tpu.memory_space<vmem>> -> memref<1x40xi32, #tpu.memory_space<vmem>>
    %dma_start3A_8 = tpu.memref_squeeze %dma_start3A_7 : memref<1x40xi32, #tpu.memory_space<vmem>> -> memref<40xi32, #tpu.memory_space<vmem>>
    %dma_start3A_9 = tpu.memref_slice %arg3[%add3A_4] : memref<320000xi32, #tpu.memory_space<hbm>> -> memref<40xi32, #tpu.memory_space<hbm>>
    %dma_start3A_10 = tpu.memref_slice %arg9[%dma_start3A_5] : memref<5x!tpu.dma_semaphore, #tpu.memory_space<semaphore_mem>> -> memref<1x!tpu.dma_semaphore, #tpu.memory_space<semaphore_mem>>
    %dma_start3A_11 = tpu.memref_squeeze %dma_start3A_10 : memref<1x!tpu.dma_semaphore, #tpu.memory_space<semaphore_mem>> -> memref<!tpu.dma_semaphore, #tpu.memory_space<semaphore_mem>>
    %dma_start3A_12 = arith.constant 0 : i32
    %dma_start3A_13 = tpu.memref_slice %arg5[%dma_start3A, %dma_start3A_12] : memref<5x40xi32, #tpu.memory_space<vmem>> -> memref<1x40xi32, #tpu.memory_space<vmem>>
    %dma_start3A_14 = tpu.memref_squeeze %dma_start3A_13 : memref<1x40xi32, #tpu.memory_space<vmem>> -> memref<40xi32, #tpu.memory_space<vmem>>
    %dma_start3A_15 = tpu.memref_slice %arg3[%add3A_4] : memref<320000xi32, #tpu.memory_space<hbm>> -> memref<40xi32, #tpu.memory_space<hbm>>
    tpu.enqueue_dma source(%dma_start3A_15 : memref<40xi32, #tpu.memory_space<hbm>>) target(%dma_start3A_14 : memref<40xi32, #tpu.memory_space<vmem>>) target_semaphore(%dma_start3A_11 : memref<!tpu.dma_semaphore, #tpu.memory_space<semaphore_mem>>)
    %dma_start3A_16 = arith.constant 0 : i32
    %dma_start3A_17 = arith.constant 0 : i32
    %dma_start3A_18 = arith.constant 0 : i32
    %dma_start3A_19 = arith.constant 0 : i32
    %dma_start3A_20 = tpu.memref_slice %arg6[%dma_start3A_16, %dma_start3A_18, %dma_start3A_19] : memref<5x40x128xf32, #tpu.memory_space<vmem>> -> memref<1x40x128xf32, #tpu.memory_space<vmem>>
    %dma_start3A_21 = tpu.memref_squeeze %dma_start3A_20 : memref<1x40x128xf32, #tpu.memory_space<vmem>> -> memref<40x128xf32, #tpu.memory_space<vmem>>
    %dma_start3A_22 = arith.constant 0 : i32
    %dma_start3A_23 = tpu.memref_slice %arg2[%add3A_4, %dma_start3A_22] : memref<320000x128xf32, #tpu.memory_space<hbm>> -> memref<40x128xf32, #tpu.memory_space<hbm>>
    %dma_start3A_24 = tpu.memref_slice %arg9[%dma_start3A_17] : memref<5x!tpu.dma_semaphore, #tpu.memory_space<semaphore_mem>> -> memref<1x!tpu.dma_semaphore, #tpu.memory_space<semaphore_mem>>
    %dma_start3A_25 = tpu.memref_squeeze %dma_start3A_24 : memref<1x!tpu.dma_semaphore, #tpu.memory_space<semaphore_mem>> -> memref<!tpu.dma_semaphore, #tpu.memory_space<semaphore_mem>>
    %dma_start3A_26 = arith.constant 0 : i32
    %dma_start3A_27 = arith.constant 0 : i32
    %dma_start3A_28 = tpu.memref_slice %arg6[%dma_start3A_16, %dma_start3A_26, %dma_start3A_27] : memref<5x40x128xf32, #tpu.memory_space<vmem>> -> memref<1x40x128xf32, #tpu.memory_space<vmem>>
    %dma_start3A_29 = tpu.memref_squeeze %dma_start3A_28 : memref<1x40x128xf32, #tpu.memory_space<vmem>> -> memref<40x128xf32, #tpu.memory_space<vmem>>
    %dma_start3A_30 = arith.constant 0 : i32
    %dma_start3A_31 = tpu.memref_slice %arg2[%add3A_4, %dma_start3A_30] : memref<320000x128xf32, #tpu.memory_space<hbm>> -> memref<40x128xf32, #tpu.memory_space<hbm>>
    tpu.enqueue_dma source(%dma_start3A_31 : memref<40x128xf32, #tpu.memory_space<hbm>>) target(%dma_start3A_29 : memref<40x128xf32, #tpu.memory_space<vmem>>) target_semaphore(%dma_start3A_25 : memref<!tpu.dma_semaphore, #tpu.memory_space<semaphore_mem>>)
    %add3A_32 = arith.constant 40 : i32
    %add3A_33 = arith.addi %mul3A_2, %add3A_32 : i32
    %dma_start3A_34 = arith.constant 1 : i32
    %dma_start3A_35 = arith.constant 1 : i32
    %dma_start3A_36 = arith.constant 0 : i32
    %dma_start3A_37 = tpu.memref_slice %arg5[%dma_start3A_34, %dma_start3A_36] : memref<5x40xi32, #tpu.memory_space<vmem>> -> memref<1x40xi32, #tpu.memory_space<vmem>>
    %dma_start3A_38 = tpu.memref_squeeze %dma_start3A_37 : memref<1x40xi32, #tpu.memory_space<vmem>> -> memref<40xi32, #tpu.memory_space<vmem>>
    %dma_start3A_39 = tpu.memref_slice %arg3[%add3A_33] : memref<320000xi32, #tpu.memory_space<hbm>> -> memref<40xi32, #tpu.memory_space<hbm>>
    %dma_start3A_40 = tpu.memref_slice %arg9[%dma_start3A_35] : memref<5x!tpu.dma_semaphore, #tpu.memory_space<semaphore_mem>> -> memref<1x!tpu.dma_semaphore, #tpu.memory_space<semaphore_mem>>
    %dma_start3A_41 = tpu.memref_squeeze %dma_start3A_40 : memref<1x!tpu.dma_semaphore, #tpu.memory_space<semaphore_mem>> -> memref<!tpu.dma_semaphore, #tpu.memory_space<semaphore_mem>>
    %dma_start3A_42 = arith.constant 0 : i32
    %dma_start3A_43 = tpu.memref_slice %arg5[%dma_start3A_34, %dma_start3A_42] : memref<5x40xi32, #tpu.memory_space<vmem>> -> memref<1x40xi32, #tpu.memory_space<vmem>>
    %dma_start3A_44 = tpu.memref_squeeze %dma_start3A_43 : memref<1x40xi32, #tpu.memory_space<vmem>> -> memref<40xi32, #tpu.memory_space<vmem>>
    %dma_start3A_45 = tpu.memref_slice %arg3[%add3A_33] : memref<320000xi32, #tpu.memory_space<hbm>> -> memref<40xi32, #tpu.memory_space<hbm>>
    tpu.enqueue_dma source(%dma_start3A_45 : memref<40xi32, #tpu.memory_space<hbm>>) target(%dma_start3A_44 : memref<40xi32, #tpu.memory_space<vmem>>) target_semaphore(%dma_start3A_41 : memref<!tpu.dma_semaphore, #tpu.memory_space<semaphore_mem>>)
    %dma_start3A_46 = arith.constant 1 : i32
    %dma_start3A_47 = arith.constant 1 : i32
    %dma_start3A_48 = arith.constant 0 : i32
    %dma_start3A_49 = arith.constant 0 : i32
    %dma_start3A_50 = tpu.memref_slice %arg6[%dma_start3A_46, %dma_start3A_48, %dma_start3A_49] : memref<5x40x128xf32, #tpu.memory_space<vmem>> -> memref<1x40x128xf32, #tpu.memory_space<vmem>>
    %dma_start3A_51 = tpu.memref_squeeze %dma_start3A_50 : memref<1x40x128xf32, #tpu.memory_space<vmem>> -> memref<40x128xf32, #tpu.memory_space<vmem>>
    %dma_start3A_52 = arith.constant 0 : i32
    %dma_start3A_53 = tpu.memref_slice %arg2[%add3A_33, %dma_start3A_52] : memref<320000x128xf32, #tpu.memory_space<hbm>> -> memref<40x128xf32, #tpu.memory_space<hbm>>
    %dma_start3A_54 = tpu.memref_slice %arg9[%dma_start3A_47] : memref<5x!tpu.dma_semaphore, #tpu.memory_space<semaphore_mem>> -> memref<1x!tpu.dma_semaphore, #tpu.memory_space<semaphore_mem>>
    %dma_start3A_55 = tpu.memref_squeeze %dma_start3A_54 : memref<1x!tpu.dma_semaphore, #tpu.memory_space<semaphore_mem>> -> memref<!tpu.dma_semaphore, #tpu.memory_space<semaphore_mem>>
    %dma_start3A_56 = arith.constant 0 : i32
    %dma_start3A_57 = arith.constant 0 : i32
    %dma_start3A_58 = tpu.memref_slice %arg6[%dma_start3A_46, %dma_start3A_56, %dma_start3A_57] : memref<5x40x128xf32, #tpu.memory_space<vmem>> -> memref<1x40x128xf32, #tpu.memory_space<vmem>>
    %dma_start3A_59 = tpu.memref_squeeze %dma_start3A_58 : memref<1x40x128xf32, #tpu.memory_space<vmem>> -> memref<40x128xf32, #tpu.memory_space<vmem>>
    %dma_start3A_60 = arith.constant 0 : i32
    %dma_start3A_61 = tpu.memref_slice %arg2[%add3A_33, %dma_start3A_60] : memref<320000x128xf32, #tpu.memory_space<hbm>> -> memref<40x128xf32, #tpu.memory_space<hbm>>
    tpu.enqueue_dma source(%dma_start3A_61 : memref<40x128xf32, #tpu.memory_space<hbm>>) target(%dma_start3A_59 : memref<40x128xf32, #tpu.memory_space<vmem>>) target_semaphore(%dma_start3A_55 : memref<!tpu.dma_semaphore, #tpu.memory_space<semaphore_mem>>)
    %add3A_62 = arith.constant 80 : i32
    %add3A_63 = arith.addi %mul3A_2, %add3A_62 : i32
    %dma_start3A_64 = arith.constant 2 : i32
    %dma_start3A_65 = arith.constant 2 : i32
    %dma_start3A_66 = arith.constant 0 : i32
    %dma_start3A_67 = tpu.memref_slice %arg5[%dma_start3A_64, %dma_start3A_66] : memref<5x40xi32, #tpu.memory_space<vmem>> -> memref<1x40xi32, #tpu.memory_space<vmem>>
    %dma_start3A_68 = tpu.memref_squeeze %dma_start3A_67 : memref<1x40xi32, #tpu.memory_space<vmem>> -> memref<40xi32, #tpu.memory_space<vmem>>
    %dma_start3A_69 = tpu.memref_slice %arg3[%add3A_63] : memref<320000xi32, #tpu.memory_space<hbm>> -> memref<40xi32, #tpu.memory_space<hbm>>
    %dma_start3A_70 = tpu.memref_slice %arg9[%dma_start3A_65] : memref<5x!tpu.dma_semaphore, #tpu.memory_space<semaphore_mem>> -> memref<1x!tpu.dma_semaphore, #tpu.memory_space<semaphore_mem>>
    %dma_start3A_71 = tpu.memref_squeeze %dma_start3A_70 : memref<1x!tpu.dma_semaphore, #tpu.memory_space<semaphore_mem>> -> memref<!tpu.dma_semaphore, #tpu.memory_space<semaphore_mem>>
    %dma_start3A_72 = arith.constant 0 : i32
    %dma_start3A_73 = tpu.memref_slice %arg5[%dma_start3A_64, %dma_start3A_72] : memref<5x40xi32, #tpu.memory_space<vmem>> -> memref<1x40xi32, #tpu.memory_space<vmem>>
    %dma_start3A_74 = tpu.memref_squeeze %dma_start3A_73 : memref<1x40xi32, #tpu.memory_space<vmem>> -> memref<40xi32, #tpu.memory_space<vmem>>
    %dma_start3A_75 = tpu.memref_slice %arg3[%add3A_63] : memref<320000xi32, #tpu.memory_space<hbm>> -> memref<40xi32, #tpu.memory_space<hbm>>
    tpu.enqueue_dma source(%dma_start3A_75 : memref<40xi32, #tpu.memory_space<hbm>>) target(%dma_start3A_74 : memref<40xi32, #tpu.memory_space<vmem>>) target_semaphore(%dma_start3A_71 : memref<!tpu.dma_semaphore, #tpu.memory_space<semaphore_mem>>)
    %dma_start3A_76 = arith.constant 2 : i32
    %dma_start3A_77 = arith.constant 2 : i32
    %dma_start3A_78 = arith.constant 0 : i32
    %dma_start3A_79 = arith.constant 0 : i32
    %dma_start3A_80 = tpu.memref_slice %arg6[%dma_start3A_76, %dma_start3A_78, %dma_start3A_79] : memref<5x40x128xf32, #tpu.memory_space<vmem>> -> memref<1x40x128xf32, #tpu.memory_space<vmem>>
    %dma_start3A_81 = tpu.memref_squeeze %dma_start3A_80 : memref<1x40x128xf32, #tpu.memory_space<vmem>> -> memref<40x128xf32, #tpu.memory_space<vmem>>
    %dma_start3A_82 = arith.constant 0 : i32
    %dma_start3A_83 = tpu.memref_slice %arg2[%add3A_63, %dma_start3A_82] : memref<320000x128xf32, #tpu.memory_space<hbm>> -> memref<40x128xf32, #tpu.memory_space<hbm>>
    %dma_start3A_84 = tpu.memref_slice %arg9[%dma_start3A_77] : memref<5x!tpu.dma_semaphore, #tpu.memory_space<semaphore_mem>> -> memref<1x!tpu.dma_semaphore, #tpu.memory_space<semaphore_mem>>
    %dma_start3A_85 = tpu.memref_squeeze %dma_start3A_84 : memref<1x!tpu.dma_semaphore, #tpu.memory_space<semaphore_mem>> -> memref<!tpu.dma_semaphore, #tpu.memory_space<semaphore_mem>>
    %dma_start3A_86 = arith.constant 0 : i32
    %dma_start3A_87 = arith.constant 0 : i32
    %dma_start3A_88 = tpu.memref_slice %arg6[%dma_start3A_76, %dma_start3A_86, %dma_start3A_87] : memref<5x40x128xf32, #tpu.memory_space<vmem>> -> memref<1x40x128xf32, #tpu.memory_space<vmem>>
    %dma_start3A_89 = tpu.memref_squeeze %dma_start3A_88 : memref<1x40x128xf32, #tpu.memory_space<vmem>> -> memref<40x128xf32, #tpu.memory_space<vmem>>
    %dma_start3A_90 = arith.constant 0 : i32
    %dma_start3A_91 = tpu.memref_slice %arg2[%add3A_63, %dma_start3A_90] : memref<320000x128xf32, #tpu.memory_space<hbm>> -> memref<40x128xf32, #tpu.memory_space<hbm>>
    tpu.enqueue_dma source(%dma_start3A_91 : memref<40x128xf32, #tpu.memory_space<hbm>>) target(%dma_start3A_89 : memref<40x128xf32, #tpu.memory_space<vmem>>) target_semaphore(%dma_start3A_85 : memref<!tpu.dma_semaphore, #tpu.memory_space<semaphore_mem>>)
    %add3A_92 = arith.constant 120 : i32
    %add3A_93 = arith.addi %mul3A_2, %add3A_92 : i32
    %dma_start3A_94 = arith.constant 3 : i32
    %dma_start3A_95 = arith.constant 3 : i32
    %dma_start3A_96 = arith.constant 0 : i32
    %dma_start3A_97 = tpu.memref_slice %arg5[%dma_start3A_94, %dma_start3A_96] : memref<5x40xi32, #tpu.memory_space<vmem>> -> memref<1x40xi32, #tpu.memory_space<vmem>>
    %dma_start3A_98 = tpu.memref_squeeze %dma_start3A_97 : memref<1x40xi32, #tpu.memory_space<vmem>> -> memref<40xi32, #tpu.memory_space<vmem>>
    %dma_start3A_99 = tpu.memref_slice %arg3[%add3A_93] : memref<320000xi32, #tpu.memory_space<hbm>> -> memref<40xi32, #tpu.memory_space<hbm>>
    %dma_start3A_100 = tpu.memref_slice %arg9[%dma_start3A_95] : memref<5x!tpu.dma_semaphore, #tpu.memory_space<semaphore_mem>> -> memref<1x!tpu.dma_semaphore, #tpu.memory_space<semaphore_mem>>
    %dma_start3A_101 = tpu.memref_squeeze %dma_start3A_100 : memref<1x!tpu.dma_semaphore, #tpu.memory_space<semaphore_mem>> -> memref<!tpu.dma_semaphore, #tpu.memory_space<semaphore_mem>>
    %dma_start3A_102 = arith.constant 0 : i32
    %dma_start3A_103 = tpu.memref_slice %arg5[%dma_start3A_94, %dma_start3A_102] : memref<5x40xi32, #tpu.memory_space<vmem>> -> memref<1x40xi32, #tpu.memory_space<vmem>>
    %dma_start3A_104 = tpu.memref_squeeze %dma_start3A_103 : memref<1x40xi32, #tpu.memory_space<vmem>> -> memref<40xi32, #tpu.memory_space<vmem>>
    %dma_start3A_105 = tpu.memref_slice %arg3[%add3A_93] : memref<320000xi32, #tpu.memory_space<hbm>> -> memref<40xi32, #tpu.memory_space<hbm>>
    tpu.enqueue_dma source(%dma_start3A_105 : memref<40xi32, #tpu.memory_space<hbm>>) target(%dma_start3A_104 : memref<40xi32, #tpu.memory_space<vmem>>) target_semaphore(%dma_start3A_101 : memref<!tpu.dma_semaphore, #tpu.memory_space<semaphore_mem>>)
    %dma_start3A_106 = arith.constant 3 : i32
    %dma_start3A_107 = arith.constant 3 : i32
    %dma_start3A_108 = arith.constant 0 : i32
    %dma_start3A_109 = arith.constant 0 : i32
    %dma_start3A_110 = tpu.memref_slice %arg6[%dma_start3A_106, %dma_start3A_108, %dma_start3A_109] : memref<5x40x128xf32, #tpu.memory_space<vmem>> -> memref<1x40x128xf32, #tpu.memory_space<vmem>>
    %dma_start3A_111 = tpu.memref_squeeze %dma_start3A_110 : memref<1x40x128xf32, #tpu.memory_space<vmem>> -> memref<40x128xf32, #tpu.memory_space<vmem>>
    %dma_start3A_112 = arith.constant 0 : i32
    %dma_start3A_113 = tpu.memref_slice %arg2[%add3A_93, %dma_start3A_112] : memref<320000x128xf32, #tpu.memory_space<hbm>> -> memref<40x128xf32, #tpu.memory_space<hbm>>
    %dma_start3A_114 = tpu.memref_slice %arg9[%dma_start3A_107] : memref<5x!tpu.dma_semaphore, #tpu.memory_space<semaphore_mem>> -> memref<1x!tpu.dma_semaphore, #tpu.memory_space<semaphore_mem>>
    %dma_start3A_115 = tpu.memref_squeeze %dma_start3A_114 : memref<1x!tpu.dma_semaphore, #tpu.memory_space<semaphore_mem>> -> memref<!tpu.dma_semaphore, #tpu.memory_space<semaphore_mem>>
    %dma_start3A_116 = arith.constant 0 : i32
    %dma_start3A_117 = arith.constant 0 : i32
    %dma_start3A_118 = tpu.memref_slice %arg6[%dma_start3A_106, %dma_start3A_116, %dma_start3A_117] : memref<5x40x128xf32, #tpu.memory_space<vmem>> -> memref<1x40x128xf32, #tpu.memory_space<vmem>>
    %dma_start3A_119 = tpu.memref_squeeze %dma_start3A_118 : memref<1x40x128xf32, #tpu.memory_space<vmem>> -> memref<40x128xf32, #tpu.memory_space<vmem>>
    %dma_start3A_120 = arith.constant 0 : i32
    %dma_start3A_121 = tpu.memref_slice %arg2[%add3A_93, %dma_start3A_120] : memref<320000x128xf32, #tpu.memory_space<hbm>> -> memref<40x128xf32, #tpu.memory_space<hbm>>
    tpu.enqueue_dma source(%dma_start3A_121 : memref<40x128xf32, #tpu.memory_space<hbm>>) target(%dma_start3A_119 : memref<40x128xf32, #tpu.memory_space<vmem>>) target_semaphore(%dma_start3A_115 : memref<!tpu.dma_semaphore, #tpu.memory_space<semaphore_mem>>)
    %add3A_122 = arith.constant 160 : i32
    %add3A_123 = arith.addi %mul3A_2, %add3A_122 : i32
    %dma_start3A_124 = arith.constant 4 : i32
    %dma_start3A_125 = arith.constant 4 : i32
    %dma_start3A_126 = arith.constant 0 : i32
    %dma_start3A_127 = tpu.memref_slice %arg5[%dma_start3A_124, %dma_start3A_126] : memref<5x40xi32, #tpu.memory_space<vmem>> -> memref<1x40xi32, #tpu.memory_space<vmem>>
    %dma_start3A_128 = tpu.memref_squeeze %dma_start3A_127 : memref<1x40xi32, #tpu.memory_space<vmem>> -> memref<40xi32, #tpu.memory_space<vmem>>
    %dma_start3A_129 = tpu.memref_slice %arg3[%add3A_123] : memref<320000xi32, #tpu.memory_space<hbm>> -> memref<40xi32, #tpu.memory_space<hbm>>
    %dma_start3A_130 = tpu.memref_slice %arg9[%dma_start3A_125] : memref<5x!tpu.dma_semaphore, #tpu.memory_space<semaphore_mem>> -> memref<1x!tpu.dma_semaphore, #tpu.memory_space<semaphore_mem>>
    %dma_start3A_131 = tpu.memref_squeeze %dma_start3A_130 : memref<1x!tpu.dma_semaphore, #tpu.memory_space<semaphore_mem>> -> memref<!tpu.dma_semaphore, #tpu.memory_space<semaphore_mem>>
    %dma_start3A_132 = arith.constant 0 : i32
    %dma_start3A_133 = tpu.memref_slice %arg5[%dma_start3A_124, %dma_start3A_132] : memref<5x40xi32, #tpu.memory_space<vmem>> -> memref<1x40xi32, #tpu.memory_space<vmem>>
    %dma_start3A_134 = tpu.memref_squeeze %dma_start3A_133 : memref<1x40xi32, #tpu.memory_space<vmem>> -> memref<40xi32, #tpu.memory_space<vmem>>
    %dma_start3A_135 = tpu.memref_slice %arg3[%add3A_123] : memref<320000xi32, #tpu.memory_space<hbm>> -> memref<40xi32, #tpu.memory_space<hbm>>
    tpu.enqueue_dma source(%dma_start3A_135 : memref<40xi32, #tpu.memory_space<hbm>>) target(%dma_start3A_134 : memref<40xi32, #tpu.memory_space<vmem>>) target_semaphore(%dma_start3A_131 : memref<!tpu.dma_semaphore, #tpu.memory_space<semaphore_mem>>)
    %dma_start3A_136 = arith.constant 4 : i32
    %dma_start3A_137 = arith.constant 4 : i32
    %dma_start3A_138 = arith.constant 0 : i32
    %dma_start3A_139 = arith.constant 0 : i32
    %dma_start3A_140 = tpu.memref_slice %arg6[%dma_start3A_136, %dma_start3A_138, %dma_start3A_139] : memref<5x40x128xf32, #tpu.memory_space<vmem>> -> memref<1x40x128xf32, #tpu.memory_space<vmem>>
    %dma_start3A_141 = tpu.memref_squeeze %dma_start3A_140 : memref<1x40x128xf32, #tpu.memory_space<vmem>> -> memref<40x128xf32, #tpu.memory_space<vmem>>
    %dma_start3A_142 = arith.constant 0 : i32
    %dma_start3A_143 = tpu.memref_slice %arg2[%add3A_123, %dma_start3A_142] : memref<320000x128xf32, #tpu.memory_space<hbm>> -> memref<40x128xf32, #tpu.memory_space<hbm>>
    %dma_start3A_144 = tpu.memref_slice %arg9[%dma_start3A_137] : memref<5x!tpu.dma_semaphore, #tpu.memory_space<semaphore_mem>> -> memref<1x!tpu.dma_semaphore, #tpu.memory_space<semaphore_mem>>
    %dma_start3A_145 = tpu.memref_squeeze %dma_start3A_144 : memref<1x!tpu.dma_semaphore, #tpu.memory_space<semaphore_mem>> -> memref<!tpu.dma_semaphore, #tpu.memory_space<semaphore_mem>>
    %dma_start3A_146 = arith.constant 0 : i32
    %dma_start3A_147 = arith.constant 0 : i32
    %dma_start3A_148 = tpu.memref_slice %arg6[%dma_start3A_136, %dma_start3A_146, %dma_start3A_147] : memref<5x40x128xf32, #tpu.memory_space<vmem>> -> memref<1x40x128xf32, #tpu.memory_space<vmem>>
    %dma_start3A_149 = tpu.memref_squeeze %dma_start3A_148 : memref<1x40x128xf32, #tpu.memory_space<vmem>> -> memref<40x128xf32, #tpu.memory_space<vmem>>
    %dma_start3A_150 = arith.constant 0 : i32
    %dma_start3A_151 = tpu.memref_slice %arg2[%add3A_123, %dma_start3A_150] : memref<320000x128xf32, #tpu.memory_space<hbm>> -> memref<40x128xf32, #tpu.memory_space<hbm>>
    tpu.enqueue_dma source(%dma_start3A_151 : memref<40x128xf32, #tpu.memory_space<hbm>>) target(%dma_start3A_149 : memref<40x128xf32, #tpu.memory_space<vmem>>) target_semaphore(%dma_start3A_145 : memref<!tpu.dma_semaphore, #tpu.memory_space<semaphore_mem>>)
    %scan3A = arith.constant 0 : i32
    %scan3A_152 = arith.constant 0 : i32
    %scan3A_153 = arith.constant 640 : i32
    %scan3A_154 = arith.addi %scan3A_152, %scan3A_153 : i32
    %scan3A_155 = arith.constant 1 : i32
    scf.for %scan3A_537 = %scan3A_152 to %scan3A_154 step %scan3A_155  : i32 {
      %jit3A = arith.constant 8 : i32
      %div3A = arith.divsi %scan3A_537, %jit3A : i32
      %sign3A = arith.constant 0 : i32
      %sign3A_538 = arith.cmpi sgt, %scan3A_537, %sign3A : i32
      %sign3A_539 = arith.extui %sign3A_538 : i1 to i32
      %sign3A_540 = arith.constant 0 : i32
      %sign3A_541 = arith.cmpi slt, %scan3A_537, %sign3A_540 : i32
      %sign3A_542 = arith.extui %sign3A_541 : i1 to i32
      %sign3A_543 = arith.subi %sign3A_539, %sign3A_542 : i32
      %sign3A_544 = arith.constant 0 : i32
      %sign3A_545 = arith.cmpi sgt, %jit3A, %sign3A_544 : i32
      %sign3A_546 = arith.extui %sign3A_545 : i1 to i32
      %sign3A_547 = arith.constant 0 : i32
      %sign3A_548 = arith.cmpi slt, %jit3A, %sign3A_547 : i32
      %sign3A_549 = arith.extui %sign3A_548 : i1 to i32
      %sign3A_550 = arith.subi %sign3A_546, %sign3A_549 : i32
      %ne3A = arith.cmpi ne, %sign3A_543, %sign3A_550 : i32
      %rem3A = arith.remsi %scan3A_537, %jit3A : i32
      %ne3A_551 = arith.constant 0 : i32
      %ne3A_552 = arith.cmpi ne, %rem3A, %ne3A_551 : i32
      %and3A = arith.andi %ne3A, %ne3A_552 : i1
      %sub3A = arith.constant 1 : i32
      %sub3A_553 = arith.subi %div3A, %sub3A : i32
      %select_n3A = arith.select %and3A, %sub3A_553, %div3A : i32
      %jit3A_554 = arith.constant 8 : i32
      %eq3A = arith.constant 0 : i32
      %eq3A_555 = arith.cmpi eq, %jit3A_554, %eq3A : i32
      %jit3A_556 = arith.constant 1 : i32
      %select_n3A_557 = arith.select %eq3A_555, %jit3A_556, %jit3A_554 : i32
      %rem3A_558 = arith.remsi %scan3A_537, %select_n3A_557 : i32
      %ne3A_559 = arith.constant 0 : i32
      %ne3A_560 = arith.cmpi ne, %rem3A_558, %ne3A_559 : i32
      %lt3A = arith.constant 0 : i32
      %lt3A_561 = arith.cmpi slt, %rem3A_558, %lt3A : i32
      %lt3A_562 = arith.constant 0 : i32
      %lt3A_563 = arith.cmpi slt, %select_n3A_557, %lt3A_562 : i32
      %ne3A_564 = arith.xori %lt3A_561, %lt3A_563 : i1
      %and3A_565 = arith.andi %ne3A_564, %ne3A_560 : i1
      %add3A_566 = arith.addi %rem3A_558, %select_n3A_557 : i32
      %select_n3A_567 = arith.select %and3A_565, %add3A_566, %rem3A_558 : i32
      %broadcast_in_dim3A = arith.constant 0.000000e+00 : f32
      %broadcast_in_dim3A_568 = vector.broadcast %broadcast_in_dim3A : f32 to vector<16xf32>
      %mul3A_569 = arith.constant 16 : i32
      %mul3A_570 = arith.muli %select_n3A_567, %mul3A_569 : i32
      %swap3A = arith.index_cast %select_n3A : i32 to index
      %swap3A_571 = arith.index_cast %mul3A_570 : i32 to index
      %swap3A_572 = tpu.vector_load %arg7[%swap3A, %swap3A_571] {strides = array<i32>} : memref<80x128xf32, #tpu.memory_space<vmem>>, vector<1x16xf32>,
      %swap3A_573 = vector.shape_cast %swap3A_572 : vector<1x16xf32> to vector<16xf32>
      %swap3A_574 = vector.shape_cast %broadcast_in_dim3A_568 : vector<16xf32> to vector<1x16xf32>
      tpu.vector_store %arg7[%swap3A, %swap3A_571], %swap3A_574 {strides = array<i32>} : memref<80x128xf32, #tpu.memory_space<vmem>>, vector<1x16xf32>,
    }
    %scan3A_156 = arith.constant 640 : i32
    %mul3A_157 = arith.constant 640 : i32
    %mul3A_158 = arith.muli %arg1, %mul3A_157 : i32
    %add3A_159 = arith.constant 0 : i32
    %add3A_160 = arith.addi %mul3A_158, %add3A_159 : i32
    "tpu.region"() ({
      %run_scoped3A = tpu.sem_alloc : memref<!tpu.dma_semaphore, #tpu.memory_space<semaphore_mem>>
      %dma_start3A_537 = arith.constant 0 : i32
      %dma_start3A_538 = tpu.memref_slice %arg8[%add3A_160, %dma_start3A_537] : memref<10240x128xf32, #tpu.memory_space<vmem_shared>> -> memref<80x128xf32, #tpu.memory_space<vmem_shared>>
      %dma_start3A_539 = arith.constant 0 : i32
      %dma_start3A_540 = tpu.memref_slice %arg8[%add3A_160, %dma_start3A_539] : memref<10240x128xf32, #tpu.memory_space<vmem_shared>> -> memref<80x128xf32, #tpu.memory_space<vmem_shared>>
      tpu.enqueue_dma source(%arg7 : memref<80x128xf32, #tpu.memory_space<vmem>>) target(%dma_start3A_540 : memref<80x128xf32, #tpu.memory_space<vmem_shared>>) target_semaphore(%run_scoped3A : memref<!tpu.dma_semaphore, #tpu.memory_space<semaphore_mem>>)
      %dma_wait3A_541 = arith.constant 0 : i32
      %dma_wait3A_542 = tpu.memref_slice %arg8[%add3A_160, %dma_wait3A_541] : memref<10240x128xf32, #tpu.memory_space<vmem_shared>> -> memref<80x128xf32, #tpu.memory_space<vmem_shared>>
      %dma_wait3A_543 = arith.constant 0 : i32
      %dma_wait3A_544 = tpu.memref_slice %arg8[%add3A_160, %dma_wait3A_543] : memref<10240x128xf32, #tpu.memory_space<vmem_shared>> -> memref<80x128xf32, #tpu.memory_space<vmem_shared>>
      tpu.wait_dma2 semaphore(%run_scoped3A : memref<!tpu.dma_semaphore, #tpu.memory_space<semaphore_mem>>) src(%arg7 : memref<80x128xf32, #tpu.memory_space<vmem>>) dst(%dma_wait3A_544 : memref<80x128xf32, #tpu.memory_space<vmem_shared>>)
      tpu.yield
    }) : () -> ()
    %mul3A_161 = arith.constant 640 : i32
    %mul3A_162 = arith.muli %arg1, %mul3A_161 : i32
    %add3A_163 = arith.constant 80 : i32
    %add3A_164 = arith.addi %mul3A_162, %add3A_163 : i32
    "tpu.region"() ({
      %run_scoped3A = tpu.sem_alloc : memref<!tpu.dma_semaphore, #tpu.memory_space<semaphore_mem>>
      %dma_start3A_537 = arith.constant 0 : i32
      %dma_start3A_538 = tpu.memref_slice %arg8[%add3A_164, %dma_start3A_537] : memref<10240x128xf32, #tpu.memory_space<vmem_shared>> -> memref<80x128xf32, #tpu.memory_space<vmem_shared>>
      %dma_start3A_539 = arith.constant 0 : i32
      %dma_start3A_540 = tpu.memref_slice %arg8[%add3A_164, %dma_start3A_539] : memref<10240x128xf32, #tpu.memory_space<vmem_shared>> -> memref<80x128xf32, #tpu.memory_space<vmem_shared>>
      tpu.enqueue_dma source(%arg7 : memref<80x128xf32, #tpu.memory_space<vmem>>) target(%dma_start3A_540 : memref<80x128xf32, #tpu.memory_space<vmem_shared>>) target_semaphore(%run_scoped3A : memref<!tpu.dma_semaphore, #tpu.memory_space<semaphore_mem>>)
      %dma_wait3A_541 = arith.constant 0 : i32
      %dma_wait3A_542 = tpu.memref_slice %arg8[%add3A_164, %dma_wait3A_541] : memref<10240x128xf32, #tpu.memory_space<vmem_shared>> -> memref<80x128xf32, #tpu.memory_space<vmem_shared>>
      %dma_wait3A_543 = arith.constant 0 : i32
      %dma_wait3A_544 = tpu.memref_slice %arg8[%add3A_164, %dma_wait3A_543] : memref<10240x128xf32, #tpu.memory_space<vmem_shared>> -> memref<80x128xf32, #tpu.memory_space<vmem_shared>>
      tpu.wait_dma2 semaphore(%run_scoped3A : memref<!tpu.dma_semaphore, #tpu.memory_space<semaphore_mem>>) src(%arg7 : memref<80x128xf32, #tpu.memory_space<vmem>>) dst(%dma_wait3A_544 : memref<80x128xf32, #tpu.memory_space<vmem_shared>>)
      tpu.yield
    }) : () -> ()
    %mul3A_165 = arith.constant 640 : i32
    %mul3A_166 = arith.muli %arg1, %mul3A_165 : i32
    %add3A_167 = arith.constant 160 : i32
    %add3A_168 = arith.addi %mul3A_166, %add3A_167 : i32
    "tpu.region"() ({
      %run_scoped3A = tpu.sem_alloc : memref<!tpu.dma_semaphore, #tpu.memory_space<semaphore_mem>>
      %dma_start3A_537 = arith.constant 0 : i32
      %dma_start3A_538 = tpu.memref_slice %arg8[%add3A_168, %dma_start3A_537] : memref<10240x128xf32, #tpu.memory_space<vmem_shared>> -> memref<80x128xf32, #tpu.memory_space<vmem_shared>>
      %dma_start3A_539 = arith.constant 0 : i32
      %dma_start3A_540 = tpu.memref_slice %arg8[%add3A_168, %dma_start3A_539] : memref<10240x128xf32, #tpu.memory_space<vmem_shared>> -> memref<80x128xf32, #tpu.memory_space<vmem_shared>>
      tpu.enqueue_dma source(%arg7 : memref<80x128xf32, #tpu.memory_space<vmem>>) target(%dma_start3A_540 : memref<80x128xf32, #tpu.memory_space<vmem_shared>>) target_semaphore(%run_scoped3A : memref<!tpu.dma_semaphore, #tpu.memory_space<semaphore_mem>>)
      %dma_wait3A_541 = arith.constant 0 : i32
      %dma_wait3A_542 = tpu.memref_slice %arg8[%add3A_168, %dma_wait3A_541] : memref<10240x128xf32, #tpu.memory_space<vmem_shared>> -> memref<80x128xf32, #tpu.memory_space<vmem_shared>>
      %dma_wait3A_543 = arith.constant 0 : i32
      %dma_wait3A_544 = tpu.memref_slice %arg8[%add3A_168, %dma_wait3A_543] : memref<10240x128xf32, #tpu.memory_space<vmem_shared>> -> memref<80x128xf32, #tpu.memory_space<vmem_shared>>
      tpu.wait_dma2 semaphore(%run_scoped3A : memref<!tpu.dma_semaphore, #tpu.memory_space<semaphore_mem>>) src(%arg7 : memref<80x128xf32, #tpu.memory_space<vmem>>) dst(%dma_wait3A_544 : memref<80x128xf32, #tpu.memory_space<vmem_shared>>)
      tpu.yield
    }) : () -> ()
    %mul3A_169 = arith.constant 640 : i32
    %mul3A_170 = arith.muli %arg1, %mul3A_169 : i32
    %add3A_171 = arith.constant 240 : i32
    %add3A_172 = arith.addi %mul3A_170, %add3A_171 : i32
    "tpu.region"() ({
      %run_scoped3A = tpu.sem_alloc : memref<!tpu.dma_semaphore, #tpu.memory_space<semaphore_mem>>
      %dma_start3A_537 = arith.constant 0 : i32
      %dma_start3A_538 = tpu.memref_slice %arg8[%add3A_172, %dma_start3A_537] : memref<10240x128xf32, #tpu.memory_space<vmem_shared>> -> memref<80x128xf32, #tpu.memory_space<vmem_shared>>
      %dma_start3A_539 = arith.constant 0 : i32
      %dma_start3A_540 = tpu.memref_slice %arg8[%add3A_172, %dma_start3A_539] : memref<10240x128xf32, #tpu.memory_space<vmem_shared>> -> memref<80x128xf32, #tpu.memory_space<vmem_shared>>
      tpu.enqueue_dma source(%arg7 : memref<80x128xf32, #tpu.memory_space<vmem>>) target(%dma_start3A_540 : memref<80x128xf32, #tpu.memory_space<vmem_shared>>) target_semaphore(%run_scoped3A : memref<!tpu.dma_semaphore, #tpu.memory_space<semaphore_mem>>)
      %dma_wait3A_541 = arith.constant 0 : i32
      %dma_wait3A_542 = tpu.memref_slice %arg8[%add3A_172, %dma_wait3A_541] : memref<10240x128xf32, #tpu.memory_space<vmem_shared>> -> memref<80x128xf32, #tpu.memory_space<vmem_shared>>
      %dma_wait3A_543 = arith.constant 0 : i32
      %dma_wait3A_544 = tpu.memref_slice %arg8[%add3A_172, %dma_wait3A_543] : memref<10240x128xf32, #tpu.memory_space<vmem_shared>> -> memref<80x128xf32, #tpu.memory_space<vmem_shared>>
      tpu.wait_dma2 semaphore(%run_scoped3A : memref<!tpu.dma_semaphore, #tpu.memory_space<semaphore_mem>>) src(%arg7 : memref<80x128xf32, #tpu.memory_space<vmem>>) dst(%dma_wait3A_544 : memref<80x128xf32, #tpu.memory_space<vmem_shared>>)
      tpu.yield
    }) : () -> ()
    %mul3A_173 = arith.constant 640 : i32
    %mul3A_174 = arith.muli %arg1, %mul3A_173 : i32
    %add3A_175 = arith.constant 320 : i32
    %add3A_176 = arith.addi %mul3A_174, %add3A_175 : i32
    "tpu.region"() ({
      %run_scoped3A = tpu.sem_alloc : memref<!tpu.dma_semaphore, #tpu.memory_space<semaphore_mem>>
      %dma_start3A_537 = arith.constant 0 : i32
      %dma_start3A_538 = tpu.memref_slice %arg8[%add3A_176, %dma_start3A_537] : memref<10240x128xf32, #tpu.memory_space<vmem_shared>> -> memref<80x128xf32, #tpu.memory_space<vmem_shared>>
      %dma_start3A_539 = arith.constant 0 : i32
      %dma_start3A_540 = tpu.memref_slice %arg8[%add3A_176, %dma_start3A_539] : memref<10240x128xf32, #tpu.memory_space<vmem_shared>> -> memref<80x128xf32, #tpu.memory_space<vmem_shared>>
      tpu.enqueue_dma source(%arg7 : memref<80x128xf32, #tpu.memory_space<vmem>>) target(%dma_start3A_540 : memref<80x128xf32, #tpu.memory_space<vmem_shared>>) target_semaphore(%run_scoped3A : memref<!tpu.dma_semaphore, #tpu.memory_space<semaphore_mem>>)
      %dma_wait3A_541 = arith.constant 0 : i32
      %dma_wait3A_542 = tpu.memref_slice %arg8[%add3A_176, %dma_wait3A_541] : memref<10240x128xf32, #tpu.memory_space<vmem_shared>> -> memref<80x128xf32, #tpu.memory_space<vmem_shared>>
      %dma_wait3A_543 = arith.constant 0 : i32
      %dma_wait3A_544 = tpu.memref_slice %arg8[%add3A_176, %dma_wait3A_543] : memref<10240x128xf32, #tpu.memory_space<vmem_shared>> -> memref<80x128xf32, #tpu.memory_space<vmem_shared>>
      tpu.wait_dma2 semaphore(%run_scoped3A : memref<!tpu.dma_semaphore, #tpu.memory_space<semaphore_mem>>) src(%arg7 : memref<80x128xf32, #tpu.memory_space<vmem>>) dst(%dma_wait3A_544 : memref<80x128xf32, #tpu.memory_space<vmem_shared>>)
      tpu.yield
    }) : () -> ()
    %mul3A_177 = arith.constant 640 : i32
    %mul3A_178 = arith.muli %arg1, %mul3A_177 : i32
    %add3A_179 = arith.constant 400 : i32
    %add3A_180 = arith.addi %mul3A_178, %add3A_179 : i32
    "tpu.region"() ({
      %run_scoped3A = tpu.sem_alloc : memref<!tpu.dma_semaphore, #tpu.memory_space<semaphore_mem>>
      %dma_start3A_537 = arith.constant 0 : i32
      %dma_start3A_538 = tpu.memref_slice %arg8[%add3A_180, %dma_start3A_537] : memref<10240x128xf32, #tpu.memory_space<vmem_shared>> -> memref<80x128xf32, #tpu.memory_space<vmem_shared>>
      %dma_start3A_539 = arith.constant 0 : i32
      %dma_start3A_540 = tpu.memref_slice %arg8[%add3A_180, %dma_start3A_539] : memref<10240x128xf32, #tpu.memory_space<vmem_shared>> -> memref<80x128xf32, #tpu.memory_space<vmem_shared>>
      tpu.enqueue_dma source(%arg7 : memref<80x128xf32, #tpu.memory_space<vmem>>) target(%dma_start3A_540 : memref<80x128xf32, #tpu.memory_space<vmem_shared>>) target_semaphore(%run_scoped3A : memref<!tpu.dma_semaphore, #tpu.memory_space<semaphore_mem>>)
      %dma_wait3A_541 = arith.constant 0 : i32
      %dma_wait3A_542 = tpu.memref_slice %arg8[%add3A_180, %dma_wait3A_541] : memref<10240x128xf32, #tpu.memory_space<vmem_shared>> -> memref<80x128xf32, #tpu.memory_space<vmem_shared>>
      %dma_wait3A_543 = arith.constant 0 : i32
      %dma_wait3A_544 = tpu.memref_slice %arg8[%add3A_180, %dma_wait3A_543] : memref<10240x128xf32, #tpu.memory_space<vmem_shared>> -> memref<80x128xf32, #tpu.memory_space<vmem_shared>>
      tpu.wait_dma2 semaphore(%run_scoped3A : memref<!tpu.dma_semaphore, #tpu.memory_space<semaphore_mem>>) src(%arg7 : memref<80x128xf32, #tpu.memory_space<vmem>>) dst(%dma_wait3A_544 : memref<80x128xf32, #tpu.memory_space<vmem_shared>>)
      tpu.yield
    }) : () -> ()
    %mul3A_181 = arith.constant 640 : i32
    %mul3A_182 = arith.muli %arg1, %mul3A_181 : i32
    %add3A_183 = arith.constant 480 : i32
    %add3A_184 = arith.addi %mul3A_182, %add3A_183 : i32
    "tpu.region"() ({
      %run_scoped3A = tpu.sem_alloc : memref<!tpu.dma_semaphore, #tpu.memory_space<semaphore_mem>>
      %dma_start3A_537 = arith.constant 0 : i32
      %dma_start3A_538 = tpu.memref_slice %arg8[%add3A_184, %dma_start3A_537] : memref<10240x128xf32, #tpu.memory_space<vmem_shared>> -> memref<80x128xf32, #tpu.memory_space<vmem_shared>>
      %dma_start3A_539 = arith.constant 0 : i32
      %dma_start3A_540 = tpu.memref_slice %arg8[%add3A_184, %dma_start3A_539] : memref<10240x128xf32, #tpu.memory_space<vmem_shared>> -> memref<80x128xf32, #tpu.memory_space<vmem_shared>>
      tpu.enqueue_dma source(%arg7 : memref<80x128xf32, #tpu.memory_space<vmem>>) target(%dma_start3A_540 : memref<80x128xf32, #tpu.memory_space<vmem_shared>>) target_semaphore(%run_scoped3A : memref<!tpu.dma_semaphore, #tpu.memory_space<semaphore_mem>>)
      %dma_wait3A_541 = arith.constant 0 : i32
      %dma_wait3A_542 = tpu.memref_slice %arg8[%add3A_184, %dma_wait3A_541] : memref<10240x128xf32, #tpu.memory_space<vmem_shared>> -> memref<80x128xf32, #tpu.memory_space<vmem_shared>>
      %dma_wait3A_543 = arith.constant 0 : i32
      %dma_wait3A_544 = tpu.memref_slice %arg8[%add3A_184, %dma_wait3A_543] : memref<10240x128xf32, #tpu.memory_space<vmem_shared>> -> memref<80x128xf32, #tpu.memory_space<vmem_shared>>
      tpu.wait_dma2 semaphore(%run_scoped3A : memref<!tpu.dma_semaphore, #tpu.memory_space<semaphore_mem>>) src(%arg7 : memref<80x128xf32, #tpu.memory_space<vmem>>) dst(%dma_wait3A_544 : memref<80x128xf32, #tpu.memory_space<vmem_shared>>)
      tpu.yield
    }) : () -> ()
    %mul3A_185 = arith.constant 640 : i32
    %mul3A_186 = arith.muli %arg1, %mul3A_185 : i32
    %add3A_187 = arith.constant 560 : i32
    %add3A_188 = arith.addi %mul3A_186, %add3A_187 : i32
    "tpu.region"() ({
      %run_scoped3A = tpu.sem_alloc : memref<!tpu.dma_semaphore, #tpu.memory_space<semaphore_mem>>
      %dma_start3A_537 = arith.constant 0 : i32
      %dma_start3A_538 = tpu.memref_slice %arg8[%add3A_188, %dma_start3A_537] : memref<10240x128xf32, #tpu.memory_space<vmem_shared>> -> memref<80x128xf32, #tpu.memory_space<vmem_shared>>
      %dma_start3A_539 = arith.constant 0 : i32
      %dma_start3A_540 = tpu.memref_slice %arg8[%add3A_188, %dma_start3A_539] : memref<10240x128xf32, #tpu.memory_space<vmem_shared>> -> memref<80x128xf32, #tpu.memory_space<vmem_shared>>
      tpu.enqueue_dma source(%arg7 : memref<80x128xf32, #tpu.memory_space<vmem>>) target(%dma_start3A_540 : memref<80x128xf32, #tpu.memory_space<vmem_shared>>) target_semaphore(%run_scoped3A : memref<!tpu.dma_semaphore, #tpu.memory_space<semaphore_mem>>)
      %dma_wait3A_541 = arith.constant 0 : i32
      %dma_wait3A_542 = tpu.memref_slice %arg8[%add3A_188, %dma_wait3A_541] : memref<10240x128xf32, #tpu.memory_space<vmem_shared>> -> memref<80x128xf32, #tpu.memory_space<vmem_shared>>
      %dma_wait3A_543 = arith.constant 0 : i32
      %dma_wait3A_544 = tpu.memref_slice %arg8[%add3A_188, %dma_wait3A_543] : memref<10240x128xf32, #tpu.memory_space<vmem_shared>> -> memref<80x128xf32, #tpu.memory_space<vmem_shared>>
      tpu.wait_dma2 semaphore(%run_scoped3A : memref<!tpu.dma_semaphore, #tpu.memory_space<semaphore_mem>>) src(%arg7 : memref<80x128xf32, #tpu.memory_space<vmem>>) dst(%dma_wait3A_544 : memref<80x128xf32, #tpu.memory_space<vmem_shared>>)
      tpu.yield
    }) : () -> ()
    %barrier3A = arith.constant 0 : index
    tpu.barrier barrier_id(%barrier3A)
    %scan3A_189 = arith.constant 0 : i32
    %scan3A_190 = arith.constant 0 : i32
    %scan3A_191 = arith.constant 49 : i32
    %scan3A_192 = arith.addi %scan3A_190, %scan3A_191 : i32
    %scan3A_193 = arith.constant 1 : i32
    scf.for %scan3A_537 = %scan3A_190 to %scan3A_192 step %scan3A_193  : i32 {
      %dma_wait3A_538 = arith.constant 0 : i32
      %dma_wait3A_539 = arith.constant 0 : i32
      %dma_wait3A_540 = arith.constant 0 : i32
      %dma_wait3A_541 = tpu.memref_slice %arg5[%dma_wait3A_538, %dma_wait3A_540] : memref<5x40xi32, #tpu.memory_space<vmem>> -> memref<1x40xi32, #tpu.memory_space<vmem>>
      %dma_wait3A_542 = tpu.memref_squeeze %dma_wait3A_541 : memref<1x40xi32, #tpu.memory_space<vmem>> -> memref<40xi32, #tpu.memory_space<vmem>>
      %dma_wait3A_543 = arith.constant 0 : i32
      %dma_wait3A_544 = tpu.memref_slice %arg3[%dma_wait3A_543] : memref<320000xi32, #tpu.memory_space<hbm>> -> memref<40xi32, #tpu.memory_space<hbm>>
      %dma_wait3A_545 = tpu.memref_slice %arg9[%dma_wait3A_539] : memref<5x!tpu.dma_semaphore, #tpu.memory_space<semaphore_mem>> -> memref<1x!tpu.dma_semaphore, #tpu.memory_space<semaphore_mem>>
      %dma_wait3A_546 = tpu.memref_squeeze %dma_wait3A_545 : memref<1x!tpu.dma_semaphore, #tpu.memory_space<semaphore_mem>> -> memref<!tpu.dma_semaphore, #tpu.memory_space<semaphore_mem>>
      %dma_wait3A_547 = arith.constant 0 : i32
      %dma_wait3A_548 = tpu.memref_slice %arg5[%dma_wait3A_538, %dma_wait3A_547] : memref<5x40xi32, #tpu.memory_space<vmem>> -> memref<1x40xi32, #tpu.memory_space<vmem>>
      %dma_wait3A_549 = tpu.memref_squeeze %dma_wait3A_548 : memref<1x40xi32, #tpu.memory_space<vmem>> -> memref<40xi32, #tpu.memory_space<vmem>>
      %dma_wait3A_550 = arith.constant 0 : i32
      %dma_wait3A_551 = tpu.memref_slice %arg3[%dma_wait3A_550] : memref<320000xi32, #tpu.memory_space<hbm>> -> memref<40xi32, #tpu.memory_space<hbm>>
      tpu.wait_dma2 semaphore(%dma_wait3A_546 : memref<!tpu.dma_semaphore, #tpu.memory_space<semaphore_mem>>) src(%dma_wait3A_551 : memref<40xi32, #tpu.memory_space<hbm>>) dst(%dma_wait3A_549 : memref<40xi32, #tpu.memory_space<vmem>>)
      %dma_wait3A_552 = arith.constant 0 : i32
      %dma_wait3A_553 = arith.constant 0 : i32
      %dma_wait3A_554 = arith.constant 0 : i32
      %dma_wait3A_555 = arith.constant 0 : i32
      %dma_wait3A_556 = tpu.memref_slice %arg6[%dma_wait3A_552, %dma_wait3A_554, %dma_wait3A_555] : memref<5x40x128xf32, #tpu.memory_space<vmem>> -> memref<1x40x128xf32, #tpu.memory_space<vmem>>
      %dma_wait3A_557 = tpu.memref_squeeze %dma_wait3A_556 : memref<1x40x128xf32, #tpu.memory_space<vmem>> -> memref<40x128xf32, #tpu.memory_space<vmem>>
      %dma_wait3A_558 = arith.constant 0 : i32
      %dma_wait3A_559 = arith.constant 0 : i32
      %dma_wait3A_560 = tpu.memref_slice %arg2[%dma_wait3A_558, %dma_wait3A_559] : memref<320000x128xf32, #tpu.memory_space<hbm>> -> memref<40x128xf32, #tpu.memory_space<hbm>>
      %dma_wait3A_561 = tpu.memref_slice %arg9[%dma_wait3A_553] : memref<5x!tpu.dma_semaphore, #tpu.memory_space<semaphore_mem>> -> memref<1x!tpu.dma_semaphore, #tpu.memory_space<semaphore_mem>>
      %dma_wait3A_562 = tpu.memref_squeeze %dma_wait3A_561 : memref<1x!tpu.dma_semaphore, #tpu.memory_space<semaphore_mem>> -> memref<!tpu.dma_semaphore, #tpu.memory_space<semaphore_mem>>
      %dma_wait3A_563 = arith.constant 0 : i32
      %dma_wait3A_564 = arith.constant 0 : i32
      %dma_wait3A_565 = tpu.memref_slice %arg6[%dma_wait3A_552, %dma_wait3A_563, %dma_wait3A_564] : memref<5x40x128xf32, #tpu.memory_space<vmem>> -> memref<1x40x128xf32, #tpu.memory_space<vmem>>
      %dma_wait3A_566 = tpu.memref_squeeze %dma_wait3A_565 : memref<1x40x128xf32, #tpu.memory_space<vmem>> -> memref<40x128xf32, #tpu.memory_space<vmem>>
      %dma_wait3A_567 = arith.constant 0 : i32
      %dma_wait3A_568 = arith.constant 0 : i32
      %dma_wait3A_569 = tpu.memref_slice %arg2[%dma_wait3A_567, %dma_wait3A_568] : memref<320000x128xf32, #tpu.memory_space<hbm>> -> memref<40x128xf32, #tpu.memory_space<hbm>>
      tpu.wait_dma2 semaphore(%dma_wait3A_562 : memref<!tpu.dma_semaphore, #tpu.memory_space<semaphore_mem>>) src(%dma_wait3A_569 : memref<40x128xf32, #tpu.memory_space<hbm>>) dst(%dma_wait3A_566 : memref<40x128xf32, #tpu.memory_space<vmem>>)
      %dma_start3A_570 = arith.constant 0 : i32
      %dma_start3A_571 = arith.constant 0 : i32
      %dma_start3A_572 = arith.constant 0 : i32
      %dma_start3A_573 = arith.constant 0 : i32
      %dma_start3A_574 = arith.constant 0 : i32
      %dma_start3A_575 = tpu.memref_slice %arg6[%dma_start3A_570, %dma_start3A_573, %dma_start3A_574] : memref<5x40x128xf32, #tpu.memory_space<vmem>> -> memref<1x40x128xf32, #tpu.memory_space<vmem>>
      %dma_start3A_576 = tpu.memref_squeeze %dma_start3A_575 : memref<1x40x128xf32, #tpu.memory_space<vmem>> -> memref<40x128xf32, #tpu.memory_space<vmem>>
      %dma_start3A_577 = arith.constant 0 : i32
      %dma_start3A_578 = tpu.memref_slice %arg5[%dma_start3A_571, %dma_start3A_577] : memref<5x40xi32, #tpu.memory_space<vmem>> -> memref<1x40xi32, #tpu.memory_space<vmem>>
      %dma_start3A_579 = tpu.memref_squeeze %dma_start3A_578 : memref<1x40xi32, #tpu.memory_space<vmem>> -> memref<40xi32, #tpu.memory_space<vmem>>
      %dma_start3A_580 = arith.constant 0 : i32
      %dma_start3A_581 = arith.constant 0 : i32
      %dma_start3A_582 = tpu.memref_slice %arg8[%dma_start3A_580, %dma_start3A_581] : memref<10240x128xf32, #tpu.memory_space<vmem_shared>> -> memref<10240x128xf32, #tpu.memory_space<vmem_shared>>
      %dma_start3A_583 = tpu.memref_slice %arg10[%dma_start3A_572] : memref<5x!tpu.dma_semaphore, #tpu.memory_space<semaphore_mem>> -> memref<1x!tpu.dma_semaphore, #tpu.memory_space<semaphore_mem>>
      %dma_start3A_584 = tpu.memref_squeeze %dma_start3A_583 : memref<1x!tpu.dma_semaphore, #tpu.memory_space<semaphore_mem>> -> memref<!tpu.dma_semaphore, #tpu.memory_space<semaphore_mem>>
      tpu.enqueue_indirect_dma source(%dma_start3A_576 : memref<40x128xf32, #tpu.memory_space<vmem>>) target(%dma_start3A_582 : memref<10240x128xf32, #tpu.memory_space<vmem_shared>>) offsets(%dma_start3A_579 : memref<40xi32, #tpu.memory_space<vmem>>) semaphore(%dma_start3A_584 : memref<!tpu.dma_semaphore, #tpu.memory_space<semaphore_mem>>) {add = true}
      %dma_wait3A_585 = arith.constant 1 : i32
      %dma_wait3A_586 = arith.constant 1 : i32
      %dma_wait3A_587 = arith.constant 0 : i32
      %dma_wait3A_588 = tpu.memref_slice %arg5[%dma_wait3A_585, %dma_wait3A_587] : memref<5x40xi32, #tpu.memory_space<vmem>> -> memref<1x40xi32, #tpu.memory_space<vmem>>
      %dma_wait3A_589 = tpu.memref_squeeze %dma_wait3A_588 : memref<1x40xi32, #tpu.memory_space<vmem>> -> memref<40xi32, #tpu.memory_space<vmem>>
      %dma_wait3A_590 = arith.constant 0 : i32
      %dma_wait3A_591 = tpu.memref_slice %arg3[%dma_wait3A_590] : memref<320000xi32, #tpu.memory_space<hbm>> -> memref<40xi32, #tpu.memory_space<hbm>>
      %dma_wait3A_592 = tpu.memref_slice %arg9[%dma_wait3A_586] : memref<5x!tpu.dma_semaphore, #tpu.memory_space<semaphore_mem>> -> memref<1x!tpu.dma_semaphore, #tpu.memory_space<semaphore_mem>>
      %dma_wait3A_593 = tpu.memref_squeeze %dma_wait3A_592 : memref<1x!tpu.dma_semaphore, #tpu.memory_space<semaphore_mem>> -> memref<!tpu.dma_semaphore, #tpu.memory_space<semaphore_mem>>
      %dma_wait3A_594 = arith.constant 0 : i32
      %dma_wait3A_595 = tpu.memref_slice %arg5[%dma_wait3A_585, %dma_wait3A_594] : memref<5x40xi32, #tpu.memory_space<vmem>> -> memref<1x40xi32, #tpu.memory_space<vmem>>
      %dma_wait3A_596 = tpu.memref_squeeze %dma_wait3A_595 : memref<1x40xi32, #tpu.memory_space<vmem>> -> memref<40xi32, #tpu.memory_space<vmem>>
      %dma_wait3A_597 = arith.constant 0 : i32
      %dma_wait3A_598 = tpu.memref_slice %arg3[%dma_wait3A_597] : memref<320000xi32, #tpu.memory_space<hbm>> -> memref<40xi32, #tpu.memory_space<hbm>>
      tpu.wait_dma2 semaphore(%dma_wait3A_593 : memref<!tpu.dma_semaphore, #tpu.memory_space<semaphore_mem>>) src(%dma_wait3A_598 : memref<40xi32, #tpu.memory_space<hbm>>) dst(%dma_wait3A_596 : memref<40xi32, #tpu.memory_space<vmem>>)
      %dma_wait3A_599 = arith.constant 1 : i32
      %dma_wait3A_600 = arith.constant 1 : i32
      %dma_wait3A_601 = arith.constant 0 : i32
      %dma_wait3A_602 = arith.constant 0 : i32
      %dma_wait3A_603 = tpu.memref_slice %arg6[%dma_wait3A_599, %dma_wait3A_601, %dma_wait3A_602] : memref<5x40x128xf32, #tpu.memory_space<vmem>> -> memref<1x40x128xf32, #tpu.memory_space<vmem>>
      %dma_wait3A_604 = tpu.memref_squeeze %dma_wait3A_603 : memref<1x40x128xf32, #tpu.memory_space<vmem>> -> memref<40x128xf32, #tpu.memory_space<vmem>>
      %dma_wait3A_605 = arith.constant 0 : i32
      %dma_wait3A_606 = arith.constant 0 : i32
      %dma_wait3A_607 = tpu.memref_slice %arg2[%dma_wait3A_605, %dma_wait3A_606] : memref<320000x128xf32, #tpu.memory_space<hbm>> -> memref<40x128xf32, #tpu.memory_space<hbm>>
      %dma_wait3A_608 = tpu.memref_slice %arg9[%dma_wait3A_600] : memref<5x!tpu.dma_semaphore, #tpu.memory_space<semaphore_mem>> -> memref<1x!tpu.dma_semaphore, #tpu.memory_space<semaphore_mem>>
      %dma_wait3A_609 = tpu.memref_squeeze %dma_wait3A_608 : memref<1x!tpu.dma_semaphore, #tpu.memory_space<semaphore_mem>> -> memref<!tpu.dma_semaphore, #tpu.memory_space<semaphore_mem>>
      %dma_wait3A_610 = arith.constant 0 : i32
      %dma_wait3A_611 = arith.constant 0 : i32
      %dma_wait3A_612 = tpu.memref_slice %arg6[%dma_wait3A_599, %dma_wait3A_610, %dma_wait3A_611] : memref<5x40x128xf32, #tpu.memory_space<vmem>> -> memref<1x40x128xf32, #tpu.memory_space<vmem>>
      %dma_wait3A_613 = tpu.memref_squeeze %dma_wait3A_612 : memref<1x40x128xf32, #tpu.memory_space<vmem>> -> memref<40x128xf32, #tpu.memory_space<vmem>>
      %dma_wait3A_614 = arith.constant 0 : i32
      %dma_wait3A_615 = arith.constant 0 : i32
      %dma_wait3A_616 = tpu.memref_slice %arg2[%dma_wait3A_614, %dma_wait3A_615] : memref<320000x128xf32, #tpu.memory_space<hbm>> -> memref<40x128xf32, #tpu.memory_space<hbm>>
      tpu.wait_dma2 semaphore(%dma_wait3A_609 : memref<!tpu.dma_semaphore, #tpu.memory_space<semaphore_mem>>) src(%dma_wait3A_616 : memref<40x128xf32, #tpu.memory_space<hbm>>) dst(%dma_wait3A_613 : memref<40x128xf32, #tpu.memory_space<vmem>>)
      %dma_start3A_617 = arith.constant 1 : i32
      %dma_start3A_618 = arith.constant 1 : i32
      %dma_start3A_619 = arith.constant 1 : i32
      %dma_start3A_620 = arith.constant 0 : i32
      %dma_start3A_621 = arith.constant 0 : i32
      %dma_start3A_622 = tpu.memref_slice %arg6[%dma_start3A_617, %dma_start3A_620, %dma_start3A_621] : memref<5x40x128xf32, #tpu.memory_space<vmem>> -> memref<1x40x128xf32, #tpu.memory_space<vmem>>
      %dma_start3A_623 = tpu.memref_squeeze %dma_start3A_622 : memref<1x40x128xf32, #tpu.memory_space<vmem>> -> memref<40x128xf32, #tpu.memory_space<vmem>>
      %dma_start3A_624 = arith.constant 0 : i32
      %dma_start3A_625 = tpu.memref_slice %arg5[%dma_start3A_618, %dma_start3A_624] : memref<5x40xi32, #tpu.memory_space<vmem>> -> memref<1x40xi32, #tpu.memory_space<vmem>>
      %dma_start3A_626 = tpu.memref_squeeze %dma_start3A_625 : memref<1x40xi32, #tpu.memory_space<vmem>> -> memref<40xi32, #tpu.memory_space<vmem>>
      %dma_start3A_627 = arith.constant 0 : i32
      %dma_start3A_628 = arith.constant 0 : i32
      %dma_start3A_629 = tpu.memref_slice %arg8[%dma_start3A_627, %dma_start3A_628] : memref<10240x128xf32, #tpu.memory_space<vmem_shared>> -> memref<10240x128xf32, #tpu.memory_space<vmem_shared>>
      %dma_start3A_630 = tpu.memref_slice %arg10[%dma_start3A_619] : memref<5x!tpu.dma_semaphore, #tpu.memory_space<semaphore_mem>> -> memref<1x!tpu.dma_semaphore, #tpu.memory_space<semaphore_mem>>
      %dma_start3A_631 = tpu.memref_squeeze %dma_start3A_630 : memref<1x!tpu.dma_semaphore, #tpu.memory_space<semaphore_mem>> -> memref<!tpu.dma_semaphore, #tpu.memory_space<semaphore_mem>>
      tpu.enqueue_indirect_dma source(%dma_start3A_623 : memref<40x128xf32, #tpu.memory_space<vmem>>) target(%dma_start3A_629 : memref<10240x128xf32, #tpu.memory_space<vmem_shared>>) offsets(%dma_start3A_626 : memref<40xi32, #tpu.memory_space<vmem>>) semaphore(%dma_start3A_631 : memref<!tpu.dma_semaphore, #tpu.memory_space<semaphore_mem>>) {add = true}
      %dma_wait3A_632 = arith.constant 2 : i32
      %dma_wait3A_633 = arith.constant 2 : i32
      %dma_wait3A_634 = arith.constant 0 : i32
      %dma_wait3A_635 = tpu.memref_slice %arg5[%dma_wait3A_632, %dma_wait3A_634] : memref<5x40xi32, #tpu.memory_space<vmem>> -> memref<1x40xi32, #tpu.memory_space<vmem>>
      %dma_wait3A_636 = tpu.memref_squeeze %dma_wait3A_635 : memref<1x40xi32, #tpu.memory_space<vmem>> -> memref<40xi32, #tpu.memory_space<vmem>>
      %dma_wait3A_637 = arith.constant 0 : i32
      %dma_wait3A_638 = tpu.memref_slice %arg3[%dma_wait3A_637] : memref<320000xi32, #tpu.memory_space<hbm>> -> memref<40xi32, #tpu.memory_space<hbm>>
      %dma_wait3A_639 = tpu.memref_slice %arg9[%dma_wait3A_633] : memref<5x!tpu.dma_semaphore, #tpu.memory_space<semaphore_mem>> -> memref<1x!tpu.dma_semaphore, #tpu.memory_space<semaphore_mem>>
      %dma_wait3A_640 = tpu.memref_squeeze %dma_wait3A_639 : memref<1x!tpu.dma_semaphore, #tpu.memory_space<semaphore_mem>> -> memref<!tpu.dma_semaphore, #tpu.memory_space<semaphore_mem>>
      %dma_wait3A_641 = arith.constant 0 : i32
      %dma_wait3A_642 = tpu.memref_slice %arg5[%dma_wait3A_632, %dma_wait3A_641] : memref<5x40xi32, #tpu.memory_space<vmem>> -> memref<1x40xi32, #tpu.memory_space<vmem>>
      %dma_wait3A_643 = tpu.memref_squeeze %dma_wait3A_642 : memref<1x40xi32, #tpu.memory_space<vmem>> -> memref<40xi32, #tpu.memory_space<vmem>>
      %dma_wait3A_644 = arith.constant 0 : i32
      %dma_wait3A_645 = tpu.memref_slice %arg3[%dma_wait3A_644] : memref<320000xi32, #tpu.memory_space<hbm>> -> memref<40xi32, #tpu.memory_space<hbm>>
      tpu.wait_dma2 semaphore(%dma_wait3A_640 : memref<!tpu.dma_semaphore, #tpu.memory_space<semaphore_mem>>) src(%dma_wait3A_645 : memref<40xi32, #tpu.memory_space<hbm>>) dst(%dma_wait3A_643 : memref<40xi32, #tpu.memory_space<vmem>>)
      %dma_wait3A_646 = arith.constant 2 : i32
      %dma_wait3A_647 = arith.constant 2 : i32
      %dma_wait3A_648 = arith.constant 0 : i32
      %dma_wait3A_649 = arith.constant 0 : i32
      %dma_wait3A_650 = tpu.memref_slice %arg6[%dma_wait3A_646, %dma_wait3A_648, %dma_wait3A_649] : memref<5x40x128xf32, #tpu.memory_space<vmem>> -> memref<1x40x128xf32, #tpu.memory_space<vmem>>
      %dma_wait3A_651 = tpu.memref_squeeze %dma_wait3A_650 : memref<1x40x128xf32, #tpu.memory_space<vmem>> -> memref<40x128xf32, #tpu.memory_space<vmem>>
      %dma_wait3A_652 = arith.constant 0 : i32
      %dma_wait3A_653 = arith.constant 0 : i32
      %dma_wait3A_654 = tpu.memref_slice %arg2[%dma_wait3A_652, %dma_wait3A_653] : memref<320000x128xf32, #tpu.memory_space<hbm>> -> memref<40x128xf32, #tpu.memory_space<hbm>>
      %dma_wait3A_655 = tpu.memref_slice %arg9[%dma_wait3A_647] : memref<5x!tpu.dma_semaphore, #tpu.memory_space<semaphore_mem>> -> memref<1x!tpu.dma_semaphore, #tpu.memory_space<semaphore_mem>>
      %dma_wait3A_656 = tpu.memref_squeeze %dma_wait3A_655 : memref<1x!tpu.dma_semaphore, #tpu.memory_space<semaphore_mem>> -> memref<!tpu.dma_semaphore, #tpu.memory_space<semaphore_mem>>
      %dma_wait3A_657 = arith.constant 0 : i32
      %dma_wait3A_658 = arith.constant 0 : i32
      %dma_wait3A_659 = tpu.memref_slice %arg6[%dma_wait3A_646, %dma_wait3A_657, %dma_wait3A_658] : memref<5x40x128xf32, #tpu.memory_space<vmem>> -> memref<1x40x128xf32, #tpu.memory_space<vmem>>
      %dma_wait3A_660 = tpu.memref_squeeze %dma_wait3A_659 : memref<1x40x128xf32, #tpu.memory_space<vmem>> -> memref<40x128xf32, #tpu.memory_space<vmem>>
      %dma_wait3A_661 = arith.constant 0 : i32
      %dma_wait3A_662 = arith.constant 0 : i32
      %dma_wait3A_663 = tpu.memref_slice %arg2[%dma_wait3A_661, %dma_wait3A_662] : memref<320000x128xf32, #tpu.memory_space<hbm>> -> memref<40x128xf32, #tpu.memory_space<hbm>>
      tpu.wait_dma2 semaphore(%dma_wait3A_656 : memref<!tpu.dma_semaphore, #tpu.memory_space<semaphore_mem>>) src(%dma_wait3A_663 : memref<40x128xf32, #tpu.memory_space<hbm>>) dst(%dma_wait3A_660 : memref<40x128xf32, #tpu.memory_space<vmem>>)
      %dma_start3A_664 = arith.constant 2 : i32
      %dma_start3A_665 = arith.constant 2 : i32
      %dma_start3A_666 = arith.constant 2 : i32
      %dma_start3A_667 = arith.constant 0 : i32
      %dma_start3A_668 = arith.constant 0 : i32
      %dma_start3A_669 = tpu.memref_slice %arg6[%dma_start3A_664, %dma_start3A_667, %dma_start3A_668] : memref<5x40x128xf32, #tpu.memory_space<vmem>> -> memref<1x40x128xf32, #tpu.memory_space<vmem>>
      %dma_start3A_670 = tpu.memref_squeeze %dma_start3A_669 : memref<1x40x128xf32, #tpu.memory_space<vmem>> -> memref<40x128xf32, #tpu.memory_space<vmem>>
      %dma_start3A_671 = arith.constant 0 : i32
      %dma_start3A_672 = tpu.memref_slice %arg5[%dma_start3A_665, %dma_start3A_671] : memref<5x40xi32, #tpu.memory_space<vmem>> -> memref<1x40xi32, #tpu.memory_space<vmem>>
      %dma_start3A_673 = tpu.memref_squeeze %dma_start3A_672 : memref<1x40xi32, #tpu.memory_space<vmem>> -> memref<40xi32, #tpu.memory_space<vmem>>
      %dma_start3A_674 = arith.constant 0 : i32
      %dma_start3A_675 = arith.constant 0 : i32
      %dma_start3A_676 = tpu.memref_slice %arg8[%dma_start3A_674, %dma_start3A_675] : memref<10240x128xf32, #tpu.memory_space<vmem_shared>> -> memref<10240x128xf32, #tpu.memory_space<vmem_shared>>
      %dma_start3A_677 = tpu.memref_slice %arg10[%dma_start3A_666] : memref<5x!tpu.dma_semaphore, #tpu.memory_space<semaphore_mem>> -> memref<1x!tpu.dma_semaphore, #tpu.memory_space<semaphore_mem>>
      %dma_start3A_678 = tpu.memref_squeeze %dma_start3A_677 : memref<1x!tpu.dma_semaphore, #tpu.memory_space<semaphore_mem>> -> memref<!tpu.dma_semaphore, #tpu.memory_space<semaphore_mem>>
      tpu.enqueue_indirect_dma source(%dma_start3A_670 : memref<40x128xf32, #tpu.memory_space<vmem>>) target(%dma_start3A_676 : memref<10240x128xf32, #tpu.memory_space<vmem_shared>>) offsets(%dma_start3A_673 : memref<40xi32, #tpu.memory_space<vmem>>) semaphore(%dma_start3A_678 : memref<!tpu.dma_semaphore, #tpu.memory_space<semaphore_mem>>) {add = true}
      %dma_wait3A_679 = arith.constant 3 : i32
      %dma_wait3A_680 = arith.constant 3 : i32
      %dma_wait3A_681 = arith.constant 0 : i32
      %dma_wait3A_682 = tpu.memref_slice %arg5[%dma_wait3A_679, %dma_wait3A_681] : memref<5x40xi32, #tpu.memory_space<vmem>> -> memref<1x40xi32, #tpu.memory_space<vmem>>
      %dma_wait3A_683 = tpu.memref_squeeze %dma_wait3A_682 : memref<1x40xi32, #tpu.memory_space<vmem>> -> memref<40xi32, #tpu.memory_space<vmem>>
      %dma_wait3A_684 = arith.constant 0 : i32
      %dma_wait3A_685 = tpu.memref_slice %arg3[%dma_wait3A_684] : memref<320000xi32, #tpu.memory_space<hbm>> -> memref<40xi32, #tpu.memory_space<hbm>>
      %dma_wait3A_686 = tpu.memref_slice %arg9[%dma_wait3A_680] : memref<5x!tpu.dma_semaphore, #tpu.memory_space<semaphore_mem>> -> memref<1x!tpu.dma_semaphore, #tpu.memory_space<semaphore_mem>>
      %dma_wait3A_687 = tpu.memref_squeeze %dma_wait3A_686 : memref<1x!tpu.dma_semaphore, #tpu.memory_space<semaphore_mem>> -> memref<!tpu.dma_semaphore, #tpu.memory_space<semaphore_mem>>
      %dma_wait3A_688 = arith.constant 0 : i32
      %dma_wait3A_689 = tpu.memref_slice %arg5[%dma_wait3A_679, %dma_wait3A_688] : memref<5x40xi32, #tpu.memory_space<vmem>> -> memref<1x40xi32, #tpu.memory_space<vmem>>
      %dma_wait3A_690 = tpu.memref_squeeze %dma_wait3A_689 : memref<1x40xi32, #tpu.memory_space<vmem>> -> memref<40xi32, #tpu.memory_space<vmem>>
      %dma_wait3A_691 = arith.constant 0 : i32
      %dma_wait3A_692 = tpu.memref_slice %arg3[%dma_wait3A_691] : memref<320000xi32, #tpu.memory_space<hbm>> -> memref<40xi32, #tpu.memory_space<hbm>>
      tpu.wait_dma2 semaphore(%dma_wait3A_687 : memref<!tpu.dma_semaphore, #tpu.memory_space<semaphore_mem>>) src(%dma_wait3A_692 : memref<40xi32, #tpu.memory_space<hbm>>) dst(%dma_wait3A_690 : memref<40xi32, #tpu.memory_space<vmem>>)
      %dma_wait3A_693 = arith.constant 3 : i32
      %dma_wait3A_694 = arith.constant 3 : i32
      %dma_wait3A_695 = arith.constant 0 : i32
      %dma_wait3A_696 = arith.constant 0 : i32
      %dma_wait3A_697 = tpu.memref_slice %arg6[%dma_wait3A_693, %dma_wait3A_695, %dma_wait3A_696] : memref<5x40x128xf32, #tpu.memory_space<vmem>> -> memref<1x40x128xf32, #tpu.memory_space<vmem>>
      %dma_wait3A_698 = tpu.memref_squeeze %dma_wait3A_697 : memref<1x40x128xf32, #tpu.memory_space<vmem>> -> memref<40x128xf32, #tpu.memory_space<vmem>>
      %dma_wait3A_699 = arith.constant 0 : i32
      %dma_wait3A_700 = arith.constant 0 : i32
      %dma_wait3A_701 = tpu.memref_slice %arg2[%dma_wait3A_699, %dma_wait3A_700] : memref<320000x128xf32, #tpu.memory_space<hbm>> -> memref<40x128xf32, #tpu.memory_space<hbm>>
      %dma_wait3A_702 = tpu.memref_slice %arg9[%dma_wait3A_694] : memref<5x!tpu.dma_semaphore, #tpu.memory_space<semaphore_mem>> -> memref<1x!tpu.dma_semaphore, #tpu.memory_space<semaphore_mem>>
      %dma_wait3A_703 = tpu.memref_squeeze %dma_wait3A_702 : memref<1x!tpu.dma_semaphore, #tpu.memory_space<semaphore_mem>> -> memref<!tpu.dma_semaphore, #tpu.memory_space<semaphore_mem>>
      %dma_wait3A_704 = arith.constant 0 : i32
      %dma_wait3A_705 = arith.constant 0 : i32
      %dma_wait3A_706 = tpu.memref_slice %arg6[%dma_wait3A_693, %dma_wait3A_704, %dma_wait3A_705] : memref<5x40x128xf32, #tpu.memory_space<vmem>> -> memref<1x40x128xf32, #tpu.memory_space<vmem>>
      %dma_wait3A_707 = tpu.memref_squeeze %dma_wait3A_706 : memref<1x40x128xf32, #tpu.memory_space<vmem>> -> memref<40x128xf32, #tpu.memory_space<vmem>>
      %dma_wait3A_708 = arith.constant 0 : i32
      %dma_wait3A_709 = arith.constant 0 : i32
      %dma_wait3A_710 = tpu.memref_slice %arg2[%dma_wait3A_708, %dma_wait3A_709] : memref<320000x128xf32, #tpu.memory_space<hbm>> -> memref<40x128xf32, #tpu.memory_space<hbm>>
      tpu.wait_dma2 semaphore(%dma_wait3A_703 : memref<!tpu.dma_semaphore, #tpu.memory_space<semaphore_mem>>) src(%dma_wait3A_710 : memref<40x128xf32, #tpu.memory_space<hbm>>) dst(%dma_wait3A_707 : memref<40x128xf32, #tpu.memory_space<vmem>>)
      %dma_start3A_711 = arith.constant 3 : i32
      %dma_start3A_712 = arith.constant 3 : i32
      %dma_start3A_713 = arith.constant 3 : i32
      %dma_start3A_714 = arith.constant 0 : i32
      %dma_start3A_715 = arith.constant 0 : i32
      %dma_start3A_716 = tpu.memref_slice %arg6[%dma_start3A_711, %dma_start3A_714, %dma_start3A_715] : memref<5x40x128xf32, #tpu.memory_space<vmem>> -> memref<1x40x128xf32, #tpu.memory_space<vmem>>
      %dma_start3A_717 = tpu.memref_squeeze %dma_start3A_716 : memref<1x40x128xf32, #tpu.memory_space<vmem>> -> memref<40x128xf32, #tpu.memory_space<vmem>>
      %dma_start3A_718 = arith.constant 0 : i32
      %dma_start3A_719 = tpu.memref_slice %arg5[%dma_start3A_712, %dma_start3A_718] : memref<5x40xi32, #tpu.memory_space<vmem>> -> memref<1x40xi32, #tpu.memory_space<vmem>>
      %dma_start3A_720 = tpu.memref_squeeze %dma_start3A_719 : memref<1x40xi32, #tpu.memory_space<vmem>> -> memref<40xi32, #tpu.memory_space<vmem>>
      %dma_start3A_721 = arith.constant 0 : i32
      %dma_start3A_722 = arith.constant 0 : i32
      %dma_start3A_723 = tpu.memref_slice %arg8[%dma_start3A_721, %dma_start3A_722] : memref<10240x128xf32, #tpu.memory_space<vmem_shared>> -> memref<10240x128xf32, #tpu.memory_space<vmem_shared>>
      %dma_start3A_724 = tpu.memref_slice %arg10[%dma_start3A_713] : memref<5x!tpu.dma_semaphore, #tpu.memory_space<semaphore_mem>> -> memref<1x!tpu.dma_semaphore, #tpu.memory_space<semaphore_mem>>
      %dma_start3A_725 = tpu.memref_squeeze %dma_start3A_724 : memref<1x!tpu.dma_semaphore, #tpu.memory_space<semaphore_mem>> -> memref<!tpu.dma_semaphore, #tpu.memory_space<semaphore_mem>>
      tpu.enqueue_indirect_dma source(%dma_start3A_717 : memref<40x128xf32, #tpu.memory_space<vmem>>) target(%dma_start3A_723 : memref<10240x128xf32, #tpu.memory_space<vmem_shared>>) offsets(%dma_start3A_720 : memref<40xi32, #tpu.memory_space<vmem>>) semaphore(%dma_start3A_725 : memref<!tpu.dma_semaphore, #tpu.memory_space<semaphore_mem>>) {add = true}
      %dma_wait3A_726 = arith.constant 4 : i32
      %dma_wait3A_727 = arith.constant 4 : i32
      %dma_wait3A_728 = arith.constant 0 : i32
      %dma_wait3A_729 = tpu.memref_slice %arg5[%dma_wait3A_726, %dma_wait3A_728] : memref<5x40xi32, #tpu.memory_space<vmem>> -> memref<1x40xi32, #tpu.memory_space<vmem>>
      %dma_wait3A_730 = tpu.memref_squeeze %dma_wait3A_729 : memref<1x40xi32, #tpu.memory_space<vmem>> -> memref<40xi32, #tpu.memory_space<vmem>>
      %dma_wait3A_731 = arith.constant 0 : i32
      %dma_wait3A_732 = tpu.memref_slice %arg3[%dma_wait3A_731] : memref<320000xi32, #tpu.memory_space<hbm>> -> memref<40xi32, #tpu.memory_space<hbm>>
      %dma_wait3A_733 = tpu.memref_slice %arg9[%dma_wait3A_727] : memref<5x!tpu.dma_semaphore, #tpu.memory_space<semaphore_mem>> -> memref<1x!tpu.dma_semaphore, #tpu.memory_space<semaphore_mem>>
      %dma_wait3A_734 = tpu.memref_squeeze %dma_wait3A_733 : memref<1x!tpu.dma_semaphore, #tpu.memory_space<semaphore_mem>> -> memref<!tpu.dma_semaphore, #tpu.memory_space<semaphore_mem>>
      %dma_wait3A_735 = arith.constant 0 : i32
      %dma_wait3A_736 = tpu.memref_slice %arg5[%dma_wait3A_726, %dma_wait3A_735] : memref<5x40xi32, #tpu.memory_space<vmem>> -> memref<1x40xi32, #tpu.memory_space<vmem>>
      %dma_wait3A_737 = tpu.memref_squeeze %dma_wait3A_736 : memref<1x40xi32, #tpu.memory_space<vmem>> -> memref<40xi32, #tpu.memory_space<vmem>>
      %dma_wait3A_738 = arith.constant 0 : i32
      %dma_wait3A_739 = tpu.memref_slice %arg3[%dma_wait3A_738] : memref<320000xi32, #tpu.memory_space<hbm>> -> memref<40xi32, #tpu.memory_space<hbm>>
      tpu.wait_dma2 semaphore(%dma_wait3A_734 : memref<!tpu.dma_semaphore, #tpu.memory_space<semaphore_mem>>) src(%dma_wait3A_739 : memref<40xi32, #tpu.memory_space<hbm>>) dst(%dma_wait3A_737 : memref<40xi32, #tpu.memory_space<vmem>>)
      %dma_wait3A_740 = arith.constant 4 : i32
      %dma_wait3A_741 = arith.constant 4 : i32
      %dma_wait3A_742 = arith.constant 0 : i32
      %dma_wait3A_743 = arith.constant 0 : i32
      %dma_wait3A_744 = tpu.memref_slice %arg6[%dma_wait3A_740, %dma_wait3A_742, %dma_wait3A_743] : memref<5x40x128xf32, #tpu.memory_space<vmem>> -> memref<1x40x128xf32, #tpu.memory_space<vmem>>
      %dma_wait3A_745 = tpu.memref_squeeze %dma_wait3A_744 : memref<1x40x128xf32, #tpu.memory_space<vmem>> -> memref<40x128xf32, #tpu.memory_space<vmem>>
      %dma_wait3A_746 = arith.constant 0 : i32
      %dma_wait3A_747 = arith.constant 0 : i32
      %dma_wait3A_748 = tpu.memref_slice %arg2[%dma_wait3A_746, %dma_wait3A_747] : memref<320000x128xf32, #tpu.memory_space<hbm>> -> memref<40x128xf32, #tpu.memory_space<hbm>>
      %dma_wait3A_749 = tpu.memref_slice %arg9[%dma_wait3A_741] : memref<5x!tpu.dma_semaphore, #tpu.memory_space<semaphore_mem>> -> memref<1x!tpu.dma_semaphore, #tpu.memory_space<semaphore_mem>>
      %dma_wait3A_750 = tpu.memref_squeeze %dma_wait3A_749 : memref<1x!tpu.dma_semaphore, #tpu.memory_space<semaphore_mem>> -> memref<!tpu.dma_semaphore, #tpu.memory_space<semaphore_mem>>
      %dma_wait3A_751 = arith.constant 0 : i32
      %dma_wait3A_752 = arith.constant 0 : i32
      %dma_wait3A_753 = tpu.memref_slice %arg6[%dma_wait3A_740, %dma_wait3A_751, %dma_wait3A_752] : memref<5x40x128xf32, #tpu.memory_space<vmem>> -> memref<1x40x128xf32, #tpu.memory_space<vmem>>
      %dma_wait3A_754 = tpu.memref_squeeze %dma_wait3A_753 : memref<1x40x128xf32, #tpu.memory_space<vmem>> -> memref<40x128xf32, #tpu.memory_space<vmem>>
      %dma_wait3A_755 = arith.constant 0 : i32
      %dma_wait3A_756 = arith.constant 0 : i32
      %dma_wait3A_757 = tpu.memref_slice %arg2[%dma_wait3A_755, %dma_wait3A_756] : memref<320000x128xf32, #tpu.memory_space<hbm>> -> memref<40x128xf32, #tpu.memory_space<hbm>>
      tpu.wait_dma2 semaphore(%dma_wait3A_750 : memref<!tpu.dma_semaphore, #tpu.memory_space<semaphore_mem>>) src(%dma_wait3A_757 : memref<40x128xf32, #tpu.memory_space<hbm>>) dst(%dma_wait3A_754 : memref<40x128xf32, #tpu.memory_space<vmem>>)
      %dma_start3A_758 = arith.constant 4 : i32
      %dma_start3A_759 = arith.constant 4 : i32
      %dma_start3A_760 = arith.constant 4 : i32
      %dma_start3A_761 = arith.constant 0 : i32
      %dma_start3A_762 = arith.constant 0 : i32
      %dma_start3A_763 = tpu.memref_slice %arg6[%dma_start3A_758, %dma_start3A_761, %dma_start3A_762] : memref<5x40x128xf32, #tpu.memory_space<vmem>> -> memref<1x40x128xf32, #tpu.memory_space<vmem>>
      %dma_start3A_764 = tpu.memref_squeeze %dma_start3A_763 : memref<1x40x128xf32, #tpu.memory_space<vmem>> -> memref<40x128xf32, #tpu.memory_space<vmem>>
      %dma_start3A_765 = arith.constant 0 : i32
      %dma_start3A_766 = tpu.memref_slice %arg5[%dma_start3A_759, %dma_start3A_765] : memref<5x40xi32, #tpu.memory_space<vmem>> -> memref<1x40xi32, #tpu.memory_space<vmem>>
      %dma_start3A_767 = tpu.memref_squeeze %dma_start3A_766 : memref<1x40xi32, #tpu.memory_space<vmem>> -> memref<40xi32, #tpu.memory_space<vmem>>
      %dma_start3A_768 = arith.constant 0 : i32
      %dma_start3A_769 = arith.constant 0 : i32
      %dma_start3A_770 = tpu.memref_slice %arg8[%dma_start3A_768, %dma_start3A_769] : memref<10240x128xf32, #tpu.memory_space<vmem_shared>> -> memref<10240x128xf32, #tpu.memory_space<vmem_shared>>
      %dma_start3A_771 = tpu.memref_slice %arg10[%dma_start3A_760] : memref<5x!tpu.dma_semaphore, #tpu.memory_space<semaphore_mem>> -> memref<1x!tpu.dma_semaphore, #tpu.memory_space<semaphore_mem>>
      %dma_start3A_772 = tpu.memref_squeeze %dma_start3A_771 : memref<1x!tpu.dma_semaphore, #tpu.memory_space<semaphore_mem>> -> memref<!tpu.dma_semaphore, #tpu.memory_space<semaphore_mem>>
      tpu.enqueue_indirect_dma source(%dma_start3A_764 : memref<40x128xf32, #tpu.memory_space<vmem>>) target(%dma_start3A_770 : memref<10240x128xf32, #tpu.memory_space<vmem_shared>>) offsets(%dma_start3A_767 : memref<40xi32, #tpu.memory_space<vmem>>) semaphore(%dma_start3A_772 : memref<!tpu.dma_semaphore, #tpu.memory_space<semaphore_mem>>) {add = true}
      %dma_wait3A_773 = arith.constant 0 : i32
      %dma_wait3A_774 = arith.constant 0 : i32
      %dma_wait3A_775 = arith.constant 0 : i32
      %dma_wait3A_776 = arith.constant 0 : i32
      %dma_wait3A_777 = arith.constant 0 : i32
      %dma_wait3A_778 = tpu.memref_slice %arg6[%dma_wait3A_773, %dma_wait3A_776, %dma_wait3A_777] : memref<5x40x128xf32, #tpu.memory_space<vmem>> -> memref<1x40x128xf32, #tpu.memory_space<vmem>>
      %dma_wait3A_779 = tpu.memref_squeeze %dma_wait3A_778 : memref<1x40x128xf32, #tpu.memory_space<vmem>> -> memref<40x128xf32, #tpu.memory_space<vmem>>
      %dma_wait3A_780 = arith.constant 0 : i32
      %dma_wait3A_781 = tpu.memref_slice %arg5[%dma_wait3A_774, %dma_wait3A_780] : memref<5x40xi32, #tpu.memory_space<vmem>> -> memref<1x40xi32, #tpu.memory_space<vmem>>
      %dma_wait3A_782 = tpu.memref_squeeze %dma_wait3A_781 : memref<1x40xi32, #tpu.memory_space<vmem>> -> memref<40xi32, #tpu.memory_space<vmem>>
      %dma_wait3A_783 = arith.constant 0 : i32
      %dma_wait3A_784 = arith.constant 0 : i32
      %dma_wait3A_785 = tpu.memref_slice %arg8[%dma_wait3A_783, %dma_wait3A_784] : memref<10240x128xf32, #tpu.memory_space<vmem_shared>> -> memref<10240x128xf32, #tpu.memory_space<vmem_shared>>
      %dma_wait3A_786 = tpu.memref_slice %arg10[%dma_wait3A_775] : memref<5x!tpu.dma_semaphore, #tpu.memory_space<semaphore_mem>> -> memref<1x!tpu.dma_semaphore, #tpu.memory_space<semaphore_mem>>
      %dma_wait3A_787 = tpu.memref_squeeze %dma_wait3A_786 : memref<1x!tpu.dma_semaphore, #tpu.memory_space<semaphore_mem>> -> memref<!tpu.dma_semaphore, #tpu.memory_space<semaphore_mem>>
      tpu.wait_indirect_dma semaphore(%dma_wait3A_787 : memref<!tpu.dma_semaphore, #tpu.memory_space<semaphore_mem>>) src(%dma_wait3A_779 : memref<40x128xf32, #tpu.memory_space<vmem>>) dst(%dma_wait3A_785 : memref<10240x128xf32, #tpu.memory_space<vmem_shared>>)
      %add3A_788 = arith.constant 1 : i32
      %add3A_789 = arith.addi %scan3A_537, %add3A_788 : i32
      %mul3A_790 = arith.constant 5 : i32
      %mul3A_791 = arith.muli %add3A_789, %mul3A_790 : i32
      %add3A_792 = arith.constant 0 : i32
      %add3A_793 = arith.addi %mul3A_791, %add3A_792 : i32
      %mul3A_794 = arith.constant 40 : i32
      %mul3A_795 = arith.muli %add3A_793, %mul3A_794 : i32
      %add3A_796 = arith.addi %mul3A_2, %mul3A_795 : i32
      %dma_start3A_797 = arith.constant 0 : i32
      %dma_start3A_798 = arith.constant 0 : i32
      %dma_start3A_799 = arith.constant 0 : i32
      %dma_start3A_800 = tpu.memref_slice %arg5[%dma_start3A_797, %dma_start3A_799] : memref<5x40xi32, #tpu.memory_space<vmem>> -> memref<1x40xi32, #tpu.memory_space<vmem>>
      %dma_start3A_801 = tpu.memref_squeeze %dma_start3A_800 : memref<1x40xi32, #tpu.memory_space<vmem>> -> memref<40xi32, #tpu.memory_space<vmem>>
      %dma_start3A_802 = tpu.memref_slice %arg3[%add3A_796] : memref<320000xi32, #tpu.memory_space<hbm>> -> memref<40xi32, #tpu.memory_space<hbm>>
      %dma_start3A_803 = tpu.memref_slice %arg9[%dma_start3A_798] : memref<5x!tpu.dma_semaphore, #tpu.memory_space<semaphore_mem>> -> memref<1x!tpu.dma_semaphore, #tpu.memory_space<semaphore_mem>>
      %dma_start3A_804 = tpu.memref_squeeze %dma_start3A_803 : memref<1x!tpu.dma_semaphore, #tpu.memory_space<semaphore_mem>> -> memref<!tpu.dma_semaphore, #tpu.memory_space<semaphore_mem>>
      %dma_start3A_805 = arith.constant 0 : i32
      %dma_start3A_806 = tpu.memref_slice %arg5[%dma_start3A_797, %dma_start3A_805] : memref<5x40xi32, #tpu.memory_space<vmem>> -> memref<1x40xi32, #tpu.memory_space<vmem>>
      %dma_start3A_807 = tpu.memref_squeeze %dma_start3A_806 : memref<1x40xi32, #tpu.memory_space<vmem>> -> memref<40xi32, #tpu.memory_space<vmem>>
      %dma_start3A_808 = tpu.memref_slice %arg3[%add3A_796] : memref<320000xi32, #tpu.memory_space<hbm>> -> memref<40xi32, #tpu.memory_space<hbm>>
      tpu.enqueue_dma source(%dma_start3A_808 : memref<40xi32, #tpu.memory_space<hbm>>) target(%dma_start3A_807 : memref<40xi32, #tpu.memory_space<vmem>>) target_semaphore(%dma_start3A_804 : memref<!tpu.dma_semaphore, #tpu.memory_space<semaphore_mem>>)
      %dma_start3A_809 = arith.constant 0 : i32
      %dma_start3A_810 = arith.constant 0 : i32
      %dma_start3A_811 = arith.constant 0 : i32
      %dma_start3A_812 = arith.constant 0 : i32
      %dma_start3A_813 = tpu.memref_slice %arg6[%dma_start3A_809, %dma_start3A_811, %dma_start3A_812] : memref<5x40x128xf32, #tpu.memory_space<vmem>> -> memref<1x40x128xf32, #tpu.memory_space<vmem>>
      %dma_start3A_814 = tpu.memref_squeeze %dma_start3A_813 : memref<1x40x128xf32, #tpu.memory_space<vmem>> -> memref<40x128xf32, #tpu.memory_space<vmem>>
      %dma_start3A_815 = arith.constant 0 : i32
      %dma_start3A_816 = tpu.memref_slice %arg2[%add3A_796, %dma_start3A_815] : memref<320000x128xf32, #tpu.memory_space<hbm>> -> memref<40x128xf32, #tpu.memory_space<hbm>>
      %dma_start3A_817 = tpu.memref_slice %arg9[%dma_start3A_810] : memref<5x!tpu.dma_semaphore, #tpu.memory_space<semaphore_mem>> -> memref<1x!tpu.dma_semaphore, #tpu.memory_space<semaphore_mem>>
      %dma_start3A_818 = tpu.memref_squeeze %dma_start3A_817 : memref<1x!tpu.dma_semaphore, #tpu.memory_space<semaphore_mem>> -> memref<!tpu.dma_semaphore, #tpu.memory_space<semaphore_mem>>
      %dma_start3A_819 = arith.constant 0 : i32
      %dma_start3A_820 = arith.constant 0 : i32
      %dma_start3A_821 = tpu.memref_slice %arg6[%dma_start3A_809, %dma_start3A_819, %dma_start3A_820] : memref<5x40x128xf32, #tpu.memory_space<vmem>> -> memref<1x40x128xf32, #tpu.memory_space<vmem>>
      %dma_start3A_822 = tpu.memref_squeeze %dma_start3A_821 : memref<1x40x128xf32, #tpu.memory_space<vmem>> -> memref<40x128xf32, #tpu.memory_space<vmem>>
      %dma_start3A_823 = arith.constant 0 : i32
      %dma_start3A_824 = tpu.memref_slice %arg2[%add3A_796, %dma_start3A_823] : memref<320000x128xf32, #tpu.memory_space<hbm>> -> memref<40x128xf32, #tpu.memory_space<hbm>>
      tpu.enqueue_dma source(%dma_start3A_824 : memref<40x128xf32, #tpu.memory_space<hbm>>) target(%dma_start3A_822 : memref<40x128xf32, #tpu.memory_space<vmem>>) target_semaphore(%dma_start3A_818 : memref<!tpu.dma_semaphore, #tpu.memory_space<semaphore_mem>>)
      %dma_wait3A_825 = arith.constant 1 : i32
      %dma_wait3A_826 = arith.constant 1 : i32
      %dma_wait3A_827 = arith.constant 1 : i32
      %dma_wait3A_828 = arith.constant 0 : i32
      %dma_wait3A_829 = arith.constant 0 : i32
      %dma_wait3A_830 = tpu.memref_slice %arg6[%dma_wait3A_825, %dma_wait3A_828, %dma_wait3A_829] : memref<5x40x128xf32, #tpu.memory_space<vmem>> -> memref<1x40x128xf32, #tpu.memory_space<vmem>>
      %dma_wait3A_831 = tpu.memref_squeeze %dma_wait3A_830 : memref<1x40x128xf32, #tpu.memory_space<vmem>> -> memref<40x128xf32, #tpu.memory_space<vmem>>
      %dma_wait3A_832 = arith.constant 0 : i32
      %dma_wait3A_833 = tpu.memref_slice %arg5[%dma_wait3A_826, %dma_wait3A_832] : memref<5x40xi32, #tpu.memory_space<vmem>> -> memref<1x40xi32, #tpu.memory_space<vmem>>
      %dma_wait3A_834 = tpu.memref_squeeze %dma_wait3A_833 : memref<1x40xi32, #tpu.memory_space<vmem>> -> memref<40xi32, #tpu.memory_space<vmem>>
      %dma_wait3A_835 = arith.constant 0 : i32
      %dma_wait3A_836 = arith.constant 0 : i32
      %dma_wait3A_837 = tpu.memref_slice %arg8[%dma_wait3A_835, %dma_wait3A_836] : memref<10240x128xf32, #tpu.memory_space<vmem_shared>> -> memref<10240x128xf32, #tpu.memory_space<vmem_shared>>
      %dma_wait3A_838 = tpu.memref_slice %arg10[%dma_wait3A_827] : memref<5x!tpu.dma_semaphore, #tpu.memory_space<semaphore_mem>> -> memref<1x!tpu.dma_semaphore, #tpu.memory_space<semaphore_mem>>
      %dma_wait3A_839 = tpu.memref_squeeze %dma_wait3A_838 : memref<1x!tpu.dma_semaphore, #tpu.memory_space<semaphore_mem>> -> memref<!tpu.dma_semaphore, #tpu.memory_space<semaphore_mem>>
      tpu.wait_indirect_dma semaphore(%dma_wait3A_839 : memref<!tpu.dma_semaphore, #tpu.memory_space<semaphore_mem>>) src(%dma_wait3A_831 : memref<40x128xf32, #tpu.memory_space<vmem>>) dst(%dma_wait3A_837 : memref<10240x128xf32, #tpu.memory_space<vmem_shared>>)
      %add3A_840 = arith.constant 1 : i32
      %add3A_841 = arith.addi %scan3A_537, %add3A_840 : i32
      %mul3A_842 = arith.constant 5 : i32
      %mul3A_843 = arith.muli %add3A_841, %mul3A_842 : i32
      %add3A_844 = arith.constant 1 : i32
      %add3A_845 = arith.addi %mul3A_843, %add3A_844 : i32
      %mul3A_846 = arith.constant 40 : i32
      %mul3A_847 = arith.muli %add3A_845, %mul3A_846 : i32
      %add3A_848 = arith.addi %mul3A_2, %mul3A_847 : i32
      %dma_start3A_849 = arith.constant 1 : i32
      %dma_start3A_850 = arith.constant 1 : i32
      %dma_start3A_851 = arith.constant 0 : i32
      %dma_start3A_852 = tpu.memref_slice %arg5[%dma_start3A_849, %dma_start3A_851] : memref<5x40xi32, #tpu.memory_space<vmem>> -> memref<1x40xi32, #tpu.memory_space<vmem>>
      %dma_start3A_853 = tpu.memref_squeeze %dma_start3A_852 : memref<1x40xi32, #tpu.memory_space<vmem>> -> memref<40xi32, #tpu.memory_space<vmem>>
      %dma_start3A_854 = tpu.memref_slice %arg3[%add3A_848] : memref<320000xi32, #tpu.memory_space<hbm>> -> memref<40xi32, #tpu.memory_space<hbm>>
      %dma_start3A_855 = tpu.memref_slice %arg9[%dma_start3A_850] : memref<5x!tpu.dma_semaphore, #tpu.memory_space<semaphore_mem>> -> memref<1x!tpu.dma_semaphore, #tpu.memory_space<semaphore_mem>>
      %dma_start3A_856 = tpu.memref_squeeze %dma_start3A_855 : memref<1x!tpu.dma_semaphore, #tpu.memory_space<semaphore_mem>> -> memref<!tpu.dma_semaphore, #tpu.memory_space<semaphore_mem>>
      %dma_start3A_857 = arith.constant 0 : i32
      %dma_start3A_858 = tpu.memref_slice %arg5[%dma_start3A_849, %dma_start3A_857] : memref<5x40xi32, #tpu.memory_space<vmem>> -> memref<1x40xi32, #tpu.memory_space<vmem>>
      %dma_start3A_859 = tpu.memref_squeeze %dma_start3A_858 : memref<1x40xi32, #tpu.memory_space<vmem>> -> memref<40xi32, #tpu.memory_space<vmem>>
      %dma_start3A_860 = tpu.memref_slice %arg3[%add3A_848] : memref<320000xi32, #tpu.memory_space<hbm>> -> memref<40xi32, #tpu.memory_space<hbm>>
      tpu.enqueue_dma source(%dma_start3A_860 : memref<40xi32, #tpu.memory_space<hbm>>) target(%dma_start3A_859 : memref<40xi32, #tpu.memory_space<vmem>>) target_semaphore(%dma_start3A_856 : memref<!tpu.dma_semaphore, #tpu.memory_space<semaphore_mem>>)
      %dma_start3A_861 = arith.constant 1 : i32
      %dma_start3A_862 = arith.constant 1 : i32
      %dma_start3A_863 = arith.constant 0 : i32
      %dma_start3A_864 = arith.constant 0 : i32
      %dma_start3A_865 = tpu.memref_slice %arg6[%dma_start3A_861, %dma_start3A_863, %dma_start3A_864] : memref<5x40x128xf32, #tpu.memory_space<vmem>> -> memref<1x40x128xf32, #tpu.memory_space<vmem>>
      %dma_start3A_866 = tpu.memref_squeeze %dma_start3A_865 : memref<1x40x128xf32, #tpu.memory_space<vmem>> -> memref<40x128xf32, #tpu.memory_space<vmem>>
      %dma_start3A_867 = arith.constant 0 : i32
      %dma_start3A_868 = tpu.memref_slice %arg2[%add3A_848, %dma_start3A_867] : memref<320000x128xf32, #tpu.memory_space<hbm>> -> memref<40x128xf32, #tpu.memory_space<hbm>>
      %dma_start3A_869 = tpu.memref_slice %arg9[%dma_start3A_862] : memref<5x!tpu.dma_semaphore, #tpu.memory_space<semaphore_mem>> -> memref<1x!tpu.dma_semaphore, #tpu.memory_space<semaphore_mem>>
      %dma_start3A_870 = tpu.memref_squeeze %dma_start3A_869 : memref<1x!tpu.dma_semaphore, #tpu.memory_space<semaphore_mem>> -> memref<!tpu.dma_semaphore, #tpu.memory_space<semaphore_mem>>
      %dma_start3A_871 = arith.constant 0 : i32
      %dma_start3A_872 = arith.constant 0 : i32
      %dma_start3A_873 = tpu.memref_slice %arg6[%dma_start3A_861, %dma_start3A_871, %dma_start3A_872] : memref<5x40x128xf32, #tpu.memory_space<vmem>> -> memref<1x40x128xf32, #tpu.memory_space<vmem>>
      %dma_start3A_874 = tpu.memref_squeeze %dma_start3A_873 : memref<1x40x128xf32, #tpu.memory_space<vmem>> -> memref<40x128xf32, #tpu.memory_space<vmem>>
      %dma_start3A_875 = arith.constant 0 : i32
      %dma_start3A_876 = tpu.memref_slice %arg2[%add3A_848, %dma_start3A_875] : memref<320000x128xf32, #tpu.memory_space<hbm>> -> memref<40x128xf32, #tpu.memory_space<hbm>>
      tpu.enqueue_dma source(%dma_start3A_876 : memref<40x128xf32, #tpu.memory_space<hbm>>) target(%dma_start3A_874 : memref<40x128xf32, #tpu.memory_space<vmem>>) target_semaphore(%dma_start3A_870 : memref<!tpu.dma_semaphore, #tpu.memory_space<semaphore_mem>>)
      %dma_wait3A_877 = arith.constant 2 : i32
      %dma_wait3A_878 = arith.constant 2 : i32
      %dma_wait3A_879 = arith.constant 2 : i32
      %dma_wait3A_880 = arith.constant 0 : i32
      %dma_wait3A_881 = arith.constant 0 : i32
      %dma_wait3A_882 = tpu.memref_slice %arg6[%dma_wait3A_877, %dma_wait3A_880, %dma_wait3A_881] : memref<5x40x128xf32, #tpu.memory_space<vmem>> -> memref<1x40x128xf32, #tpu.memory_space<vmem>>
      %dma_wait3A_883 = tpu.memref_squeeze %dma_wait3A_882 : memref<1x40x128xf32, #tpu.memory_space<vmem>> -> memref<40x128xf32, #tpu.memory_space<vmem>>
      %dma_wait3A_884 = arith.constant 0 : i32
      %dma_wait3A_885 = tpu.memref_slice %arg5[%dma_wait3A_878, %dma_wait3A_884] : memref<5x40xi32, #tpu.memory_space<vmem>> -> memref<1x40xi32, #tpu.memory_space<vmem>>
      %dma_wait3A_886 = tpu.memref_squeeze %dma_wait3A_885 : memref<1x40xi32, #tpu.memory_space<vmem>> -> memref<40xi32, #tpu.memory_space<vmem>>
      %dma_wait3A_887 = arith.constant 0 : i32
      %dma_wait3A_888 = arith.constant 0 : i32
      %dma_wait3A_889 = tpu.memref_slice %arg8[%dma_wait3A_887, %dma_wait3A_888] : memref<10240x128xf32, #tpu.memory_space<vmem_shared>> -> memref<10240x128xf32, #tpu.memory_space<vmem_shared>>
      %dma_wait3A_890 = tpu.memref_slice %arg10[%dma_wait3A_879] : memref<5x!tpu.dma_semaphore, #tpu.memory_space<semaphore_mem>> -> memref<1x!tpu.dma_semaphore, #tpu.memory_space<semaphore_mem>>
      %dma_wait3A_891 = tpu.memref_squeeze %dma_wait3A_890 : memref<1x!tpu.dma_semaphore, #tpu.memory_space<semaphore_mem>> -> memref<!tpu.dma_semaphore, #tpu.memory_space<semaphore_mem>>
      tpu.wait_indirect_dma semaphore(%dma_wait3A_891 : memref<!tpu.dma_semaphore, #tpu.memory_space<semaphore_mem>>) src(%dma_wait3A_883 : memref<40x128xf32, #tpu.memory_space<vmem>>) dst(%dma_wait3A_889 : memref<10240x128xf32, #tpu.memory_space<vmem_shared>>)
      %add3A_892 = arith.constant 1 : i32
      %add3A_893 = arith.addi %scan3A_537, %add3A_892 : i32
      %mul3A_894 = arith.constant 5 : i32
      %mul3A_895 = arith.muli %add3A_893, %mul3A_894 : i32
      %add3A_896 = arith.constant 2 : i32
      %add3A_897 = arith.addi %mul3A_895, %add3A_896 : i32
      %mul3A_898 = arith.constant 40 : i32
      %mul3A_899 = arith.muli %add3A_897, %mul3A_898 : i32
      %add3A_900 = arith.addi %mul3A_2, %mul3A_899 : i32
      %dma_start3A_901 = arith.constant 2 : i32
      %dma_start3A_902 = arith.constant 2 : i32
      %dma_start3A_903 = arith.constant 0 : i32
      %dma_start3A_904 = tpu.memref_slice %arg5[%dma_start3A_901, %dma_start3A_903] : memref<5x40xi32, #tpu.memory_space<vmem>> -> memref<1x40xi32, #tpu.memory_space<vmem>>
      %dma_start3A_905 = tpu.memref_squeeze %dma_start3A_904 : memref<1x40xi32, #tpu.memory_space<vmem>> -> memref<40xi32, #tpu.memory_space<vmem>>
      %dma_start3A_906 = tpu.memref_slice %arg3[%add3A_900] : memref<320000xi32, #tpu.memory_space<hbm>> -> memref<40xi32, #tpu.memory_space<hbm>>
      %dma_start3A_907 = tpu.memref_slice %arg9[%dma_start3A_902] : memref<5x!tpu.dma_semaphore, #tpu.memory_space<semaphore_mem>> -> memref<1x!tpu.dma_semaphore, #tpu.memory_space<semaphore_mem>>
      %dma_start3A_908 = tpu.memref_squeeze %dma_start3A_907 : memref<1x!tpu.dma_semaphore, #tpu.memory_space<semaphore_mem>> -> memref<!tpu.dma_semaphore, #tpu.memory_space<semaphore_mem>>
      %dma_start3A_909 = arith.constant 0 : i32
      %dma_start3A_910 = tpu.memref_slice %arg5[%dma_start3A_901, %dma_start3A_909] : memref<5x40xi32, #tpu.memory_space<vmem>> -> memref<1x40xi32, #tpu.memory_space<vmem>>
      %dma_start3A_911 = tpu.memref_squeeze %dma_start3A_910 : memref<1x40xi32, #tpu.memory_space<vmem>> -> memref<40xi32, #tpu.memory_space<vmem>>
      %dma_start3A_912 = tpu.memref_slice %arg3[%add3A_900] : memref<320000xi32, #tpu.memory_space<hbm>> -> memref<40xi32, #tpu.memory_space<hbm>>
      tpu.enqueue_dma source(%dma_start3A_912 : memref<40xi32, #tpu.memory_space<hbm>>) target(%dma_start3A_911 : memref<40xi32, #tpu.memory_space<vmem>>) target_semaphore(%dma_start3A_908 : memref<!tpu.dma_semaphore, #tpu.memory_space<semaphore_mem>>)
      %dma_start3A_913 = arith.constant 2 : i32
      %dma_start3A_914 = arith.constant 2 : i32
      %dma_start3A_915 = arith.constant 0 : i32
      %dma_start3A_916 = arith.constant 0 : i32
      %dma_start3A_917 = tpu.memref_slice %arg6[%dma_start3A_913, %dma_start3A_915, %dma_start3A_916] : memref<5x40x128xf32, #tpu.memory_space<vmem>> -> memref<1x40x128xf32, #tpu.memory_space<vmem>>
      %dma_start3A_918 = tpu.memref_squeeze %dma_start3A_917 : memref<1x40x128xf32, #tpu.memory_space<vmem>> -> memref<40x128xf32, #tpu.memory_space<vmem>>
      %dma_start3A_919 = arith.constant 0 : i32
      %dma_start3A_920 = tpu.memref_slice %arg2[%add3A_900, %dma_start3A_919] : memref<320000x128xf32, #tpu.memory_space<hbm>> -> memref<40x128xf32, #tpu.memory_space<hbm>>
      %dma_start3A_921 = tpu.memref_slice %arg9[%dma_start3A_914] : memref<5x!tpu.dma_semaphore, #tpu.memory_space<semaphore_mem>> -> memref<1x!tpu.dma_semaphore, #tpu.memory_space<semaphore_mem>>
      %dma_start3A_922 = tpu.memref_squeeze %dma_start3A_921 : memref<1x!tpu.dma_semaphore, #tpu.memory_space<semaphore_mem>> -> memref<!tpu.dma_semaphore, #tpu.memory_space<semaphore_mem>>
      %dma_start3A_923 = arith.constant 0 : i32
      %dma_start3A_924 = arith.constant 0 : i32
      %dma_start3A_925 = tpu.memref_slice %arg6[%dma_start3A_913, %dma_start3A_923, %dma_start3A_924] : memref<5x40x128xf32, #tpu.memory_space<vmem>> -> memref<1x40x128xf32, #tpu.memory_space<vmem>>
      %dma_start3A_926 = tpu.memref_squeeze %dma_start3A_925 : memref<1x40x128xf32, #tpu.memory_space<vmem>> -> memref<40x128xf32, #tpu.memory_space<vmem>>
      %dma_start3A_927 = arith.constant 0 : i32
      %dma_start3A_928 = tpu.memref_slice %arg2[%add3A_900, %dma_start3A_927] : memref<320000x128xf32, #tpu.memory_space<hbm>> -> memref<40x128xf32, #tpu.memory_space<hbm>>
      tpu.enqueue_dma source(%dma_start3A_928 : memref<40x128xf32, #tpu.memory_space<hbm>>) target(%dma_start3A_926 : memref<40x128xf32, #tpu.memory_space<vmem>>) target_semaphore(%dma_start3A_922 : memref<!tpu.dma_semaphore, #tpu.memory_space<semaphore_mem>>)
      %dma_wait3A_929 = arith.constant 3 : i32
      %dma_wait3A_930 = arith.constant 3 : i32
      %dma_wait3A_931 = arith.constant 3 : i32
      %dma_wait3A_932 = arith.constant 0 : i32
      %dma_wait3A_933 = arith.constant 0 : i32
      %dma_wait3A_934 = tpu.memref_slice %arg6[%dma_wait3A_929, %dma_wait3A_932, %dma_wait3A_933] : memref<5x40x128xf32, #tpu.memory_space<vmem>> -> memref<1x40x128xf32, #tpu.memory_space<vmem>>
      %dma_wait3A_935 = tpu.memref_squeeze %dma_wait3A_934 : memref<1x40x128xf32, #tpu.memory_space<vmem>> -> memref<40x128xf32, #tpu.memory_space<vmem>>
      %dma_wait3A_936 = arith.constant 0 : i32
      %dma_wait3A_937 = tpu.memref_slice %arg5[%dma_wait3A_930, %dma_wait3A_936] : memref<5x40xi32, #tpu.memory_space<vmem>> -> memref<1x40xi32, #tpu.memory_space<vmem>>
      %dma_wait3A_938 = tpu.memref_squeeze %dma_wait3A_937 : memref<1x40xi32, #tpu.memory_space<vmem>> -> memref<40xi32, #tpu.memory_space<vmem>>
      %dma_wait3A_939 = arith.constant 0 : i32
      %dma_wait3A_940 = arith.constant 0 : i32
      %dma_wait3A_941 = tpu.memref_slice %arg8[%dma_wait3A_939, %dma_wait3A_940] : memref<10240x128xf32, #tpu.memory_space<vmem_shared>> -> memref<10240x128xf32, #tpu.memory_space<vmem_shared>>
      %dma_wait3A_942 = tpu.memref_slice %arg10[%dma_wait3A_931] : memref<5x!tpu.dma_semaphore, #tpu.memory_space<semaphore_mem>> -> memref<1x!tpu.dma_semaphore, #tpu.memory_space<semaphore_mem>>
      %dma_wait3A_943 = tpu.memref_squeeze %dma_wait3A_942 : memref<1x!tpu.dma_semaphore, #tpu.memory_space<semaphore_mem>> -> memref<!tpu.dma_semaphore, #tpu.memory_space<semaphore_mem>>
      tpu.wait_indirect_dma semaphore(%dma_wait3A_943 : memref<!tpu.dma_semaphore, #tpu.memory_space<semaphore_mem>>) src(%dma_wait3A_935 : memref<40x128xf32, #tpu.memory_space<vmem>>) dst(%dma_wait3A_941 : memref<10240x128xf32, #tpu.memory_space<vmem_shared>>)
      %add3A_944 = arith.constant 1 : i32
      %add3A_945 = arith.addi %scan3A_537, %add3A_944 : i32
      %mul3A_946 = arith.constant 5 : i32
      %mul3A_947 = arith.muli %add3A_945, %mul3A_946 : i32
      %add3A_948 = arith.constant 3 : i32
      %add3A_949 = arith.addi %mul3A_947, %add3A_948 : i32
      %mul3A_950 = arith.constant 40 : i32
      %mul3A_951 = arith.muli %add3A_949, %mul3A_950 : i32
      %add3A_952 = arith.addi %mul3A_2, %mul3A_951 : i32
      %dma_start3A_953 = arith.constant 3 : i32
      %dma_start3A_954 = arith.constant 3 : i32
      %dma_start3A_955 = arith.constant 0 : i32
      %dma_start3A_956 = tpu.memref_slice %arg5[%dma_start3A_953, %dma_start3A_955] : memref<5x40xi32, #tpu.memory_space<vmem>> -> memref<1x40xi32, #tpu.memory_space<vmem>>
      %dma_start3A_957 = tpu.memref_squeeze %dma_start3A_956 : memref<1x40xi32, #tpu.memory_space<vmem>> -> memref<40xi32, #tpu.memory_space<vmem>>
      %dma_start3A_958 = tpu.memref_slice %arg3[%add3A_952] : memref<320000xi32, #tpu.memory_space<hbm>> -> memref<40xi32, #tpu.memory_space<hbm>>
      %dma_start3A_959 = tpu.memref_slice %arg9[%dma_start3A_954] : memref<5x!tpu.dma_semaphore, #tpu.memory_space<semaphore_mem>> -> memref<1x!tpu.dma_semaphore, #tpu.memory_space<semaphore_mem>>
      %dma_start3A_960 = tpu.memref_squeeze %dma_start3A_959 : memref<1x!tpu.dma_semaphore, #tpu.memory_space<semaphore_mem>> -> memref<!tpu.dma_semaphore, #tpu.memory_space<semaphore_mem>>
      %dma_start3A_961 = arith.constant 0 : i32
      %dma_start3A_962 = tpu.memref_slice %arg5[%dma_start3A_953, %dma_start3A_961] : memref<5x40xi32, #tpu.memory_space<vmem>> -> memref<1x40xi32, #tpu.memory_space<vmem>>
      %dma_start3A_963 = tpu.memref_squeeze %dma_start3A_962 : memref<1x40xi32, #tpu.memory_space<vmem>> -> memref<40xi32, #tpu.memory_space<vmem>>
      %dma_start3A_964 = tpu.memref_slice %arg3[%add3A_952] : memref<320000xi32, #tpu.memory_space<hbm>> -> memref<40xi32, #tpu.memory_space<hbm>>
      tpu.enqueue_dma source(%dma_start3A_964 : memref<40xi32, #tpu.memory_space<hbm>>) target(%dma_start3A_963 : memref<40xi32, #tpu.memory_space<vmem>>) target_semaphore(%dma_start3A_960 : memref<!tpu.dma_semaphore, #tpu.memory_space<semaphore_mem>>)
      %dma_start3A_965 = arith.constant 3 : i32
      %dma_start3A_966 = arith.constant 3 : i32
      %dma_start3A_967 = arith.constant 0 : i32
      %dma_start3A_968 = arith.constant 0 : i32
      %dma_start3A_969 = tpu.memref_slice %arg6[%dma_start3A_965, %dma_start3A_967, %dma_start3A_968] : memref<5x40x128xf32, #tpu.memory_space<vmem>> -> memref<1x40x128xf32, #tpu.memory_space<vmem>>
      %dma_start3A_970 = tpu.memref_squeeze %dma_start3A_969 : memref<1x40x128xf32, #tpu.memory_space<vmem>> -> memref<40x128xf32, #tpu.memory_space<vmem>>
      %dma_start3A_971 = arith.constant 0 : i32
      %dma_start3A_972 = tpu.memref_slice %arg2[%add3A_952, %dma_start3A_971] : memref<320000x128xf32, #tpu.memory_space<hbm>> -> memref<40x128xf32, #tpu.memory_space<hbm>>
      %dma_start3A_973 = tpu.memref_slice %arg9[%dma_start3A_966] : memref<5x!tpu.dma_semaphore, #tpu.memory_space<semaphore_mem>> -> memref<1x!tpu.dma_semaphore, #tpu.memory_space<semaphore_mem>>
      %dma_start3A_974 = tpu.memref_squeeze %dma_start3A_973 : memref<1x!tpu.dma_semaphore, #tpu.memory_space<semaphore_mem>> -> memref<!tpu.dma_semaphore, #tpu.memory_space<semaphore_mem>>
      %dma_start3A_975 = arith.constant 0 : i32
      %dma_start3A_976 = arith.constant 0 : i32
      %dma_start3A_977 = tpu.memref_slice %arg6[%dma_start3A_965, %dma_start3A_975, %dma_start3A_976] : memref<5x40x128xf32, #tpu.memory_space<vmem>> -> memref<1x40x128xf32, #tpu.memory_space<vmem>>
      %dma_start3A_978 = tpu.memref_squeeze %dma_start3A_977 : memref<1x40x128xf32, #tpu.memory_space<vmem>> -> memref<40x128xf32, #tpu.memory_space<vmem>>
      %dma_start3A_979 = arith.constant 0 : i32
      %dma_start3A_980 = tpu.memref_slice %arg2[%add3A_952, %dma_start3A_979] : memref<320000x128xf32, #tpu.memory_space<hbm>> -> memref<40x128xf32, #tpu.memory_space<hbm>>
      tpu.enqueue_dma source(%dma_start3A_980 : memref<40x128xf32, #tpu.memory_space<hbm>>) target(%dma_start3A_978 : memref<40x128xf32, #tpu.memory_space<vmem>>) target_semaphore(%dma_start3A_974 : memref<!tpu.dma_semaphore, #tpu.memory_space<semaphore_mem>>)
      %dma_wait3A_981 = arith.constant 4 : i32
      %dma_wait3A_982 = arith.constant 4 : i32
      %dma_wait3A_983 = arith.constant 4 : i32
      %dma_wait3A_984 = arith.constant 0 : i32
      %dma_wait3A_985 = arith.constant 0 : i32
      %dma_wait3A_986 = tpu.memref_slice %arg6[%dma_wait3A_981, %dma_wait3A_984, %dma_wait3A_985] : memref<5x40x128xf32, #tpu.memory_space<vmem>> -> memref<1x40x128xf32, #tpu.memory_space<vmem>>
      %dma_wait3A_987 = tpu.memref_squeeze %dma_wait3A_986 : memref<1x40x128xf32, #tpu.memory_space<vmem>> -> memref<40x128xf32, #tpu.memory_space<vmem>>
      %dma_wait3A_988 = arith.constant 0 : i32
      %dma_wait3A_989 = tpu.memref_slice %arg5[%dma_wait3A_982, %dma_wait3A_988] : memref<5x40xi32, #tpu.memory_space<vmem>> -> memref<1x40xi32, #tpu.memory_space<vmem>>
      %dma_wait3A_990 = tpu.memref_squeeze %dma_wait3A_989 : memref<1x40xi32, #tpu.memory_space<vmem>> -> memref<40xi32, #tpu.memory_space<vmem>>
      %dma_wait3A_991 = arith.constant 0 : i32
      %dma_wait3A_992 = arith.constant 0 : i32
      %dma_wait3A_993 = tpu.memref_slice %arg8[%dma_wait3A_991, %dma_wait3A_992] : memref<10240x128xf32, #tpu.memory_space<vmem_shared>> -> memref<10240x128xf32, #tpu.memory_space<vmem_shared>>
      %dma_wait3A_994 = tpu.memref_slice %arg10[%dma_wait3A_983] : memref<5x!tpu.dma_semaphore, #tpu.memory_space<semaphore_mem>> -> memref<1x!tpu.dma_semaphore, #tpu.memory_space<semaphore_mem>>
      %dma_wait3A_995 = tpu.memref_squeeze %dma_wait3A_994 : memref<1x!tpu.dma_semaphore, #tpu.memory_space<semaphore_mem>> -> memref<!tpu.dma_semaphore, #tpu.memory_space<semaphore_mem>>
      tpu.wait_indirect_dma semaphore(%dma_wait3A_995 : memref<!tpu.dma_semaphore, #tpu.memory_space<semaphore_mem>>) src(%dma_wait3A_987 : memref<40x128xf32, #tpu.memory_space<vmem>>) dst(%dma_wait3A_993 : memref<10240x128xf32, #tpu.memory_space<vmem_shared>>)
      %add3A_996 = arith.constant 1 : i32
      %add3A_997 = arith.addi %scan3A_537, %add3A_996 : i32
      %mul3A_998 = arith.constant 5 : i32
      %mul3A_999 = arith.muli %add3A_997, %mul3A_998 : i32
      %add3A_1000 = arith.constant 4 : i32
      %add3A_1001 = arith.addi %mul3A_999, %add3A_1000 : i32
      %mul3A_1002 = arith.constant 40 : i32
      %mul3A_1003 = arith.muli %add3A_1001, %mul3A_1002 : i32
      %add3A_1004 = arith.addi %mul3A_2, %mul3A_1003 : i32
      %dma_start3A_1005 = arith.constant 4 : i32
      %dma_start3A_1006 = arith.constant 4 : i32
      %dma_start3A_1007 = arith.constant 0 : i32
      %dma_start3A_1008 = tpu.memref_slice %arg5[%dma_start3A_1005, %dma_start3A_1007] : memref<5x40xi32, #tpu.memory_space<vmem>> -> memref<1x40xi32, #tpu.memory_space<vmem>>
      %dma_start3A_1009 = tpu.memref_squeeze %dma_start3A_1008 : memref<1x40xi32, #tpu.memory_space<vmem>> -> memref<40xi32, #tpu.memory_space<vmem>>
      %dma_start3A_1010 = tpu.memref_slice %arg3[%add3A_1004] : memref<320000xi32, #tpu.memory_space<hbm>> -> memref<40xi32, #tpu.memory_space<hbm>>
      %dma_start3A_1011 = tpu.memref_slice %arg9[%dma_start3A_1006] : memref<5x!tpu.dma_semaphore, #tpu.memory_space<semaphore_mem>> -> memref<1x!tpu.dma_semaphore, #tpu.memory_space<semaphore_mem>>
      %dma_start3A_1012 = tpu.memref_squeeze %dma_start3A_1011 : memref<1x!tpu.dma_semaphore, #tpu.memory_space<semaphore_mem>> -> memref<!tpu.dma_semaphore, #tpu.memory_space<semaphore_mem>>
      %dma_start3A_1013 = arith.constant 0 : i32
      %dma_start3A_1014 = tpu.memref_slice %arg5[%dma_start3A_1005, %dma_start3A_1013] : memref<5x40xi32, #tpu.memory_space<vmem>> -> memref<1x40xi32, #tpu.memory_space<vmem>>
      %dma_start3A_1015 = tpu.memref_squeeze %dma_start3A_1014 : memref<1x40xi32, #tpu.memory_space<vmem>> -> memref<40xi32, #tpu.memory_space<vmem>>
      %dma_start3A_1016 = tpu.memref_slice %arg3[%add3A_1004] : memref<320000xi32, #tpu.memory_space<hbm>> -> memref<40xi32, #tpu.memory_space<hbm>>
      tpu.enqueue_dma source(%dma_start3A_1016 : memref<40xi32, #tpu.memory_space<hbm>>) target(%dma_start3A_1015 : memref<40xi32, #tpu.memory_space<vmem>>) target_semaphore(%dma_start3A_1012 : memref<!tpu.dma_semaphore, #tpu.memory_space<semaphore_mem>>)
      %dma_start3A_1017 = arith.constant 4 : i32
      %dma_start3A_1018 = arith.constant 4 : i32
      %dma_start3A_1019 = arith.constant 0 : i32
      %dma_start3A_1020 = arith.constant 0 : i32
      %dma_start3A_1021 = tpu.memref_slice %arg6[%dma_start3A_1017, %dma_start3A_1019, %dma_start3A_1020] : memref<5x40x128xf32, #tpu.memory_space<vmem>> -> memref<1x40x128xf32, #tpu.memory_space<vmem>>
      %dma_start3A_1022 = tpu.memref_squeeze %dma_start3A_1021 : memref<1x40x128xf32, #tpu.memory_space<vmem>> -> memref<40x128xf32, #tpu.memory_space<vmem>>
      %dma_start3A_1023 = arith.constant 0 : i32
      %dma_start3A_1024 = tpu.memref_slice %arg2[%add3A_1004, %dma_start3A_1023] : memref<320000x128xf32, #tpu.memory_space<hbm>> -> memref<40x128xf32, #tpu.memory_space<hbm>>
      %dma_start3A_1025 = tpu.memref_slice %arg9[%dma_start3A_1018] : memref<5x!tpu.dma_semaphore, #tpu.memory_space<semaphore_mem>> -> memref<1x!tpu.dma_semaphore, #tpu.memory_space<semaphore_mem>>
      %dma_start3A_1026 = tpu.memref_squeeze %dma_start3A_1025 : memref<1x!tpu.dma_semaphore, #tpu.memory_space<semaphore_mem>> -> memref<!tpu.dma_semaphore, #tpu.memory_space<semaphore_mem>>
      %dma_start3A_1027 = arith.constant 0 : i32
      %dma_start3A_1028 = arith.constant 0 : i32
      %dma_start3A_1029 = tpu.memref_slice %arg6[%dma_start3A_1017, %dma_start3A_1027, %dma_start3A_1028] : memref<5x40x128xf32, #tpu.memory_space<vmem>> -> memref<1x40x128xf32, #tpu.memory_space<vmem>>
      %dma_start3A_1030 = tpu.memref_squeeze %dma_start3A_1029 : memref<1x40x128xf32, #tpu.memory_space<vmem>> -> memref<40x128xf32, #tpu.memory_space<vmem>>
      %dma_start3A_1031 = arith.constant 0 : i32
      %dma_start3A_1032 = tpu.memref_slice %arg2[%add3A_1004, %dma_start3A_1031] : memref<320000x128xf32, #tpu.memory_space<hbm>> -> memref<40x128xf32, #tpu.memory_space<hbm>>
      tpu.enqueue_dma source(%dma_start3A_1032 : memref<40x128xf32, #tpu.memory_space<hbm>>) target(%dma_start3A_1030 : memref<40x128xf32, #tpu.memory_space<vmem>>) target_semaphore(%dma_start3A_1026 : memref<!tpu.dma_semaphore, #tpu.memory_space<semaphore_mem>>)
    }
    %scan3A_194 = arith.constant 49 : i32
    %dma_wait3A = arith.constant 0 : i32
    %dma_wait3A_195 = arith.constant 0 : i32
    %dma_wait3A_196 = arith.constant 0 : i32
    %dma_wait3A_197 = tpu.memref_slice %arg5[%dma_wait3A, %dma_wait3A_196] : memref<5x40xi32, #tpu.memory_space<vmem>> -> memref<1x40xi32, #tpu.memory_space<vmem>>
    %dma_wait3A_198 = tpu.memref_squeeze %dma_wait3A_197 : memref<1x40xi32, #tpu.memory_space<vmem>> -> memref<40xi32, #tpu.memory_space<vmem>>
    %dma_wait3A_199 = arith.constant 0 : i32
    %dma_wait3A_200 = tpu.memref_slice %arg3[%dma_wait3A_199] : memref<320000xi32, #tpu.memory_space<hbm>> -> memref<40xi32, #tpu.memory_space<hbm>>
    %dma_wait3A_201 = tpu.memref_slice %arg9[%dma_wait3A_195] : memref<5x!tpu.dma_semaphore, #tpu.memory_space<semaphore_mem>> -> memref<1x!tpu.dma_semaphore, #tpu.memory_space<semaphore_mem>>
    %dma_wait3A_202 = tpu.memref_squeeze %dma_wait3A_201 : memref<1x!tpu.dma_semaphore, #tpu.memory_space<semaphore_mem>> -> memref<!tpu.dma_semaphore, #tpu.memory_space<semaphore_mem>>
    %dma_wait3A_203 = arith.constant 0 : i32
    %dma_wait3A_204 = tpu.memref_slice %arg5[%dma_wait3A, %dma_wait3A_203] : memref<5x40xi32, #tpu.memory_space<vmem>> -> memref<1x40xi32, #tpu.memory_space<vmem>>
    %dma_wait3A_205 = tpu.memref_squeeze %dma_wait3A_204 : memref<1x40xi32, #tpu.memory_space<vmem>> -> memref<40xi32, #tpu.memory_space<vmem>>
    %dma_wait3A_206 = arith.constant 0 : i32
    %dma_wait3A_207 = tpu.memref_slice %arg3[%dma_wait3A_206] : memref<320000xi32, #tpu.memory_space<hbm>> -> memref<40xi32, #tpu.memory_space<hbm>>
    tpu.wait_dma2 semaphore(%dma_wait3A_202 : memref<!tpu.dma_semaphore, #tpu.memory_space<semaphore_mem>>) src(%dma_wait3A_207 : memref<40xi32, #tpu.memory_space<hbm>>) dst(%dma_wait3A_205 : memref<40xi32, #tpu.memory_space<vmem>>)
    %dma_wait3A_208 = arith.constant 0 : i32
    %dma_wait3A_209 = arith.constant 0 : i32
    %dma_wait3A_210 = arith.constant 0 : i32
    %dma_wait3A_211 = arith.constant 0 : i32
    %dma_wait3A_212 = tpu.memref_slice %arg6[%dma_wait3A_208, %dma_wait3A_210, %dma_wait3A_211] : memref<5x40x128xf32, #tpu.memory_space<vmem>> -> memref<1x40x128xf32, #tpu.memory_space<vmem>>
    %dma_wait3A_213 = tpu.memref_squeeze %dma_wait3A_212 : memref<1x40x128xf32, #tpu.memory_space<vmem>> -> memref<40x128xf32, #tpu.memory_space<vmem>>
    %dma_wait3A_214 = arith.constant 0 : i32
    %dma_wait3A_215 = arith.constant 0 : i32
    %dma_wait3A_216 = tpu.memref_slice %arg2[%dma_wait3A_214, %dma_wait3A_215] : memref<320000x128xf32, #tpu.memory_space<hbm>> -> memref<40x128xf32, #tpu.memory_space<hbm>>
    %dma_wait3A_217 = tpu.memref_slice %arg9[%dma_wait3A_209] : memref<5x!tpu.dma_semaphore, #tpu.memory_space<semaphore_mem>> -> memref<1x!tpu.dma_semaphore, #tpu.memory_space<semaphore_mem>>
    %dma_wait3A_218 = tpu.memref_squeeze %dma_wait3A_217 : memref<1x!tpu.dma_semaphore, #tpu.memory_space<semaphore_mem>> -> memref<!tpu.dma_semaphore, #tpu.memory_space<semaphore_mem>>
    %dma_wait3A_219 = arith.constant 0 : i32
    %dma_wait3A_220 = arith.constant 0 : i32
    %dma_wait3A_221 = tpu.memref_slice %arg6[%dma_wait3A_208, %dma_wait3A_219, %dma_wait3A_220] : memref<5x40x128xf32, #tpu.memory_space<vmem>> -> memref<1x40x128xf32, #tpu.memory_space<vmem>>
    %dma_wait3A_222 = tpu.memref_squeeze %dma_wait3A_221 : memref<1x40x128xf32, #tpu.memory_space<vmem>> -> memref<40x128xf32, #tpu.memory_space<vmem>>
    %dma_wait3A_223 = arith.constant 0 : i32
    %dma_wait3A_224 = arith.constant 0 : i32
    %dma_wait3A_225 = tpu.memref_slice %arg2[%dma_wait3A_223, %dma_wait3A_224] : memref<320000x128xf32, #tpu.memory_space<hbm>> -> memref<40x128xf32, #tpu.memory_space<hbm>>
    tpu.wait_dma2 semaphore(%dma_wait3A_218 : memref<!tpu.dma_semaphore, #tpu.memory_space<semaphore_mem>>) src(%dma_wait3A_225 : memref<40x128xf32, #tpu.memory_space<hbm>>) dst(%dma_wait3A_222 : memref<40x128xf32, #tpu.memory_space<vmem>>)
    %dma_start3A_226 = arith.constant 0 : i32
    %dma_start3A_227 = arith.constant 0 : i32
    %dma_start3A_228 = arith.constant 0 : i32
    %dma_start3A_229 = arith.constant 0 : i32
    %dma_start3A_230 = arith.constant 0 : i32
    %dma_start3A_231 = tpu.memref_slice %arg6[%dma_start3A_226, %dma_start3A_229, %dma_start3A_230] : memref<5x40x128xf32, #tpu.memory_space<vmem>> -> memref<1x40x128xf32, #tpu.memory_space<vmem>>
    %dma_start3A_232 = tpu.memref_squeeze %dma_start3A_231 : memref<1x40x128xf32, #tpu.memory_space<vmem>> -> memref<40x128xf32, #tpu.memory_space<vmem>>
    %dma_start3A_233 = arith.constant 0 : i32
    %dma_start3A_234 = tpu.memref_slice %arg5[%dma_start3A_227, %dma_start3A_233] : memref<5x40xi32, #tpu.memory_space<vmem>> -> memref<1x40xi32, #tpu.memory_space<vmem>>
    %dma_start3A_235 = tpu.memref_squeeze %dma_start3A_234 : memref<1x40xi32, #tpu.memory_space<vmem>> -> memref<40xi32, #tpu.memory_space<vmem>>
    %dma_start3A_236 = arith.constant 0 : i32
    %dma_start3A_237 = arith.constant 0 : i32
    %dma_start3A_238 = tpu.memref_slice %arg8[%dma_start3A_236, %dma_start3A_237] : memref<10240x128xf32, #tpu.memory_space<vmem_shared>> -> memref<10240x128xf32, #tpu.memory_space<vmem_shared>>
    %dma_start3A_239 = tpu.memref_slice %arg10[%dma_start3A_228] : memref<5x!tpu.dma_semaphore, #tpu.memory_space<semaphore_mem>> -> memref<1x!tpu.dma_semaphore, #tpu.memory_space<semaphore_mem>>
    %dma_start3A_240 = tpu.memref_squeeze %dma_start3A_239 : memref<1x!tpu.dma_semaphore, #tpu.memory_space<semaphore_mem>> -> memref<!tpu.dma_semaphore, #tpu.memory_space<semaphore_mem>>
    tpu.enqueue_indirect_dma source(%dma_start3A_232 : memref<40x128xf32, #tpu.memory_space<vmem>>) target(%dma_start3A_238 : memref<10240x128xf32, #tpu.memory_space<vmem_shared>>) offsets(%dma_start3A_235 : memref<40xi32, #tpu.memory_space<vmem>>) semaphore(%dma_start3A_240 : memref<!tpu.dma_semaphore, #tpu.memory_space<semaphore_mem>>) {add = true}
    %dma_wait3A_241 = arith.constant 1 : i32
    %dma_wait3A_242 = arith.constant 1 : i32
    %dma_wait3A_243 = arith.constant 0 : i32
    %dma_wait3A_244 = tpu.memref_slice %arg5[%dma_wait3A_241, %dma_wait3A_243] : memref<5x40xi32, #tpu.memory_space<vmem>> -> memref<1x40xi32, #tpu.memory_space<vmem>>
    %dma_wait3A_245 = tpu.memref_squeeze %dma_wait3A_244 : memref<1x40xi32, #tpu.memory_space<vmem>> -> memref<40xi32, #tpu.memory_space<vmem>>
    %dma_wait3A_246 = arith.constant 0 : i32
    %dma_wait3A_247 = tpu.memref_slice %arg3[%dma_wait3A_246] : memref<320000xi32, #tpu.memory_space<hbm>> -> memref<40xi32, #tpu.memory_space<hbm>>
    %dma_wait3A_248 = tpu.memref_slice %arg9[%dma_wait3A_242] : memref<5x!tpu.dma_semaphore, #tpu.memory_space<semaphore_mem>> -> memref<1x!tpu.dma_semaphore, #tpu.memory_space<semaphore_mem>>
    %dma_wait3A_249 = tpu.memref_squeeze %dma_wait3A_248 : memref<1x!tpu.dma_semaphore, #tpu.memory_space<semaphore_mem>> -> memref<!tpu.dma_semaphore, #tpu.memory_space<semaphore_mem>>
    %dma_wait3A_250 = arith.constant 0 : i32
    %dma_wait3A_251 = tpu.memref_slice %arg5[%dma_wait3A_241, %dma_wait3A_250] : memref<5x40xi32, #tpu.memory_space<vmem>> -> memref<1x40xi32, #tpu.memory_space<vmem>>
    %dma_wait3A_252 = tpu.memref_squeeze %dma_wait3A_251 : memref<1x40xi32, #tpu.memory_space<vmem>> -> memref<40xi32, #tpu.memory_space<vmem>>
    %dma_wait3A_253 = arith.constant 0 : i32
    %dma_wait3A_254 = tpu.memref_slice %arg3[%dma_wait3A_253] : memref<320000xi32, #tpu.memory_space<hbm>> -> memref<40xi32, #tpu.memory_space<hbm>>
    tpu.wait_dma2 semaphore(%dma_wait3A_249 : memref<!tpu.dma_semaphore, #tpu.memory_space<semaphore_mem>>) src(%dma_wait3A_254 : memref<40xi32, #tpu.memory_space<hbm>>) dst(%dma_wait3A_252 : memref<40xi32, #tpu.memory_space<vmem>>)
    %dma_wait3A_255 = arith.constant 1 : i32
    %dma_wait3A_256 = arith.constant 1 : i32
    %dma_wait3A_257 = arith.constant 0 : i32
    %dma_wait3A_258 = arith.constant 0 : i32
    %dma_wait3A_259 = tpu.memref_slice %arg6[%dma_wait3A_255, %dma_wait3A_257, %dma_wait3A_258] : memref<5x40x128xf32, #tpu.memory_space<vmem>> -> memref<1x40x128xf32, #tpu.memory_space<vmem>>
    %dma_wait3A_260 = tpu.memref_squeeze %dma_wait3A_259 : memref<1x40x128xf32, #tpu.memory_space<vmem>> -> memref<40x128xf32, #tpu.memory_space<vmem>>
    %dma_wait3A_261 = arith.constant 0 : i32
    %dma_wait3A_262 = arith.constant 0 : i32
    %dma_wait3A_263 = tpu.memref_slice %arg2[%dma_wait3A_261, %dma_wait3A_262] : memref<320000x128xf32, #tpu.memory_space<hbm>> -> memref<40x128xf32, #tpu.memory_space<hbm>>
    %dma_wait3A_264 = tpu.memref_slice %arg9[%dma_wait3A_256] : memref<5x!tpu.dma_semaphore, #tpu.memory_space<semaphore_mem>> -> memref<1x!tpu.dma_semaphore, #tpu.memory_space<semaphore_mem>>
    %dma_wait3A_265 = tpu.memref_squeeze %dma_wait3A_264 : memref<1x!tpu.dma_semaphore, #tpu.memory_space<semaphore_mem>> -> memref<!tpu.dma_semaphore, #tpu.memory_space<semaphore_mem>>
    %dma_wait3A_266 = arith.constant 0 : i32
    %dma_wait3A_267 = arith.constant 0 : i32
    %dma_wait3A_268 = tpu.memref_slice %arg6[%dma_wait3A_255, %dma_wait3A_266, %dma_wait3A_267] : memref<5x40x128xf32, #tpu.memory_space<vmem>> -> memref<1x40x128xf32, #tpu.memory_space<vmem>>
    %dma_wait3A_269 = tpu.memref_squeeze %dma_wait3A_268 : memref<1x40x128xf32, #tpu.memory_space<vmem>> -> memref<40x128xf32, #tpu.memory_space<vmem>>
    %dma_wait3A_270 = arith.constant 0 : i32
    %dma_wait3A_271 = arith.constant 0 : i32
    %dma_wait3A_272 = tpu.memref_slice %arg2[%dma_wait3A_270, %dma_wait3A_271] : memref<320000x128xf32, #tpu.memory_space<hbm>> -> memref<40x128xf32, #tpu.memory_space<hbm>>
    tpu.wait_dma2 semaphore(%dma_wait3A_265 : memref<!tpu.dma_semaphore, #tpu.memory_space<semaphore_mem>>) src(%dma_wait3A_272 : memref<40x128xf32, #tpu.memory_space<hbm>>) dst(%dma_wait3A_269 : memref<40x128xf32, #tpu.memory_space<vmem>>)
    %dma_start3A_273 = arith.constant 1 : i32
    %dma_start3A_274 = arith.constant 1 : i32
    %dma_start3A_275 = arith.constant 1 : i32
    %dma_start3A_276 = arith.constant 0 : i32
    %dma_start3A_277 = arith.constant 0 : i32
    %dma_start3A_278 = tpu.memref_slice %arg6[%dma_start3A_273, %dma_start3A_276, %dma_start3A_277] : memref<5x40x128xf32, #tpu.memory_space<vmem>> -> memref<1x40x128xf32, #tpu.memory_space<vmem>>
    %dma_start3A_279 = tpu.memref_squeeze %dma_start3A_278 : memref<1x40x128xf32, #tpu.memory_space<vmem>> -> memref<40x128xf32, #tpu.memory_space<vmem>>
    %dma_start3A_280 = arith.constant 0 : i32
    %dma_start3A_281 = tpu.memref_slice %arg5[%dma_start3A_274, %dma_start3A_280] : memref<5x40xi32, #tpu.memory_space<vmem>> -> memref<1x40xi32, #tpu.memory_space<vmem>>
    %dma_start3A_282 = tpu.memref_squeeze %dma_start3A_281 : memref<1x40xi32, #tpu.memory_space<vmem>> -> memref<40xi32, #tpu.memory_space<vmem>>
    %dma_start3A_283 = arith.constant 0 : i32
    %dma_start3A_284 = arith.constant 0 : i32
    %dma_start3A_285 = tpu.memref_slice %arg8[%dma_start3A_283, %dma_start3A_284] : memref<10240x128xf32, #tpu.memory_space<vmem_shared>> -> memref<10240x128xf32, #tpu.memory_space<vmem_shared>>
    %dma_start3A_286 = tpu.memref_slice %arg10[%dma_start3A_275] : memref<5x!tpu.dma_semaphore, #tpu.memory_space<semaphore_mem>> -> memref<1x!tpu.dma_semaphore, #tpu.memory_space<semaphore_mem>>
    %dma_start3A_287 = tpu.memref_squeeze %dma_start3A_286 : memref<1x!tpu.dma_semaphore, #tpu.memory_space<semaphore_mem>> -> memref<!tpu.dma_semaphore, #tpu.memory_space<semaphore_mem>>
    tpu.enqueue_indirect_dma source(%dma_start3A_279 : memref<40x128xf32, #tpu.memory_space<vmem>>) target(%dma_start3A_285 : memref<10240x128xf32, #tpu.memory_space<vmem_shared>>) offsets(%dma_start3A_282 : memref<40xi32, #tpu.memory_space<vmem>>) semaphore(%dma_start3A_287 : memref<!tpu.dma_semaphore, #tpu.memory_space<semaphore_mem>>) {add = true}
    %dma_wait3A_288 = arith.constant 2 : i32
    %dma_wait3A_289 = arith.constant 2 : i32
    %dma_wait3A_290 = arith.constant 0 : i32
    %dma_wait3A_291 = tpu.memref_slice %arg5[%dma_wait3A_288, %dma_wait3A_290] : memref<5x40xi32, #tpu.memory_space<vmem>> -> memref<1x40xi32, #tpu.memory_space<vmem>>
    %dma_wait3A_292 = tpu.memref_squeeze %dma_wait3A_291 : memref<1x40xi32, #tpu.memory_space<vmem>> -> memref<40xi32, #tpu.memory_space<vmem>>
    %dma_wait3A_293 = arith.constant 0 : i32
    %dma_wait3A_294 = tpu.memref_slice %arg3[%dma_wait3A_293] : memref<320000xi32, #tpu.memory_space<hbm>> -> memref<40xi32, #tpu.memory_space<hbm>>
    %dma_wait3A_295 = tpu.memref_slice %arg9[%dma_wait3A_289] : memref<5x!tpu.dma_semaphore, #tpu.memory_space<semaphore_mem>> -> memref<1x!tpu.dma_semaphore, #tpu.memory_space<semaphore_mem>>
    %dma_wait3A_296 = tpu.memref_squeeze %dma_wait3A_295 : memref<1x!tpu.dma_semaphore, #tpu.memory_space<semaphore_mem>> -> memref<!tpu.dma_semaphore, #tpu.memory_space<semaphore_mem>>
    %dma_wait3A_297 = arith.constant 0 : i32
    %dma_wait3A_298 = tpu.memref_slice %arg5[%dma_wait3A_288, %dma_wait3A_297] : memref<5x40xi32, #tpu.memory_space<vmem>> -> memref<1x40xi32, #tpu.memory_space<vmem>>
    %dma_wait3A_299 = tpu.memref_squeeze %dma_wait3A_298 : memref<1x40xi32, #tpu.memory_space<vmem>> -> memref<40xi32, #tpu.memory_space<vmem>>
    %dma_wait3A_300 = arith.constant 0 : i32
    %dma_wait3A_301 = tpu.memref_slice %arg3[%dma_wait3A_300] : memref<320000xi32, #tpu.memory_space<hbm>> -> memref<40xi32, #tpu.memory_space<hbm>>
    tpu.wait_dma2 semaphore(%dma_wait3A_296 : memref<!tpu.dma_semaphore, #tpu.memory_space<semaphore_mem>>) src(%dma_wait3A_301 : memref<40xi32, #tpu.memory_space<hbm>>) dst(%dma_wait3A_299 : memref<40xi32, #tpu.memory_space<vmem>>)
    %dma_wait3A_302 = arith.constant 2 : i32
    %dma_wait3A_303 = arith.constant 2 : i32
    %dma_wait3A_304 = arith.constant 0 : i32
    %dma_wait3A_305 = arith.constant 0 : i32
    %dma_wait3A_306 = tpu.memref_slice %arg6[%dma_wait3A_302, %dma_wait3A_304, %dma_wait3A_305] : memref<5x40x128xf32, #tpu.memory_space<vmem>> -> memref<1x40x128xf32, #tpu.memory_space<vmem>>
    %dma_wait3A_307 = tpu.memref_squeeze %dma_wait3A_306 : memref<1x40x128xf32, #tpu.memory_space<vmem>> -> memref<40x128xf32, #tpu.memory_space<vmem>>
    %dma_wait3A_308 = arith.constant 0 : i32
    %dma_wait3A_309 = arith.constant 0 : i32
    %dma_wait3A_310 = tpu.memref_slice %arg2[%dma_wait3A_308, %dma_wait3A_309] : memref<320000x128xf32, #tpu.memory_space<hbm>> -> memref<40x128xf32, #tpu.memory_space<hbm>>
    %dma_wait3A_311 = tpu.memref_slice %arg9[%dma_wait3A_303] : memref<5x!tpu.dma_semaphore, #tpu.memory_space<semaphore_mem>> -> memref<1x!tpu.dma_semaphore, #tpu.memory_space<semaphore_mem>>
    %dma_wait3A_312 = tpu.memref_squeeze %dma_wait3A_311 : memref<1x!tpu.dma_semaphore, #tpu.memory_space<semaphore_mem>> -> memref<!tpu.dma_semaphore, #tpu.memory_space<semaphore_mem>>
    %dma_wait3A_313 = arith.constant 0 : i32
    %dma_wait3A_314 = arith.constant 0 : i32
    %dma_wait3A_315 = tpu.memref_slice %arg6[%dma_wait3A_302, %dma_wait3A_313, %dma_wait3A_314] : memref<5x40x128xf32, #tpu.memory_space<vmem>> -> memref<1x40x128xf32, #tpu.memory_space<vmem>>
    %dma_wait3A_316 = tpu.memref_squeeze %dma_wait3A_315 : memref<1x40x128xf32, #tpu.memory_space<vmem>> -> memref<40x128xf32, #tpu.memory_space<vmem>>
    %dma_wait3A_317 = arith.constant 0 : i32
    %dma_wait3A_318 = arith.constant 0 : i32
    %dma_wait3A_319 = tpu.memref_slice %arg2[%dma_wait3A_317, %dma_wait3A_318] : memref<320000x128xf32, #tpu.memory_space<hbm>> -> memref<40x128xf32, #tpu.memory_space<hbm>>
    tpu.wait_dma2 semaphore(%dma_wait3A_312 : memref<!tpu.dma_semaphore, #tpu.memory_space<semaphore_mem>>) src(%dma_wait3A_319 : memref<40x128xf32, #tpu.memory_space<hbm>>) dst(%dma_wait3A_316 : memref<40x128xf32, #tpu.memory_space<vmem>>)
    %dma_start3A_320 = arith.constant 2 : i32
    %dma_start3A_321 = arith.constant 2 : i32
    %dma_start3A_322 = arith.constant 2 : i32
    %dma_start3A_323 = arith.constant 0 : i32
    %dma_start3A_324 = arith.constant 0 : i32
    %dma_start3A_325 = tpu.memref_slice %arg6[%dma_start3A_320, %dma_start3A_323, %dma_start3A_324] : memref<5x40x128xf32, #tpu.memory_space<vmem>> -> memref<1x40x128xf32, #tpu.memory_space<vmem>>
    %dma_start3A_326 = tpu.memref_squeeze %dma_start3A_325 : memref<1x40x128xf32, #tpu.memory_space<vmem>> -> memref<40x128xf32, #tpu.memory_space<vmem>>
    %dma_start3A_327 = arith.constant 0 : i32
    %dma_start3A_328 = tpu.memref_slice %arg5[%dma_start3A_321, %dma_start3A_327] : memref<5x40xi32, #tpu.memory_space<vmem>> -> memref<1x40xi32, #tpu.memory_space<vmem>>
    %dma_start3A_329 = tpu.memref_squeeze %dma_start3A_328 : memref<1x40xi32, #tpu.memory_space<vmem>> -> memref<40xi32, #tpu.memory_space<vmem>>
    %dma_start3A_330 = arith.constant 0 : i32
    %dma_start3A_331 = arith.constant 0 : i32
    %dma_start3A_332 = tpu.memref_slice %arg8[%dma_start3A_330, %dma_start3A_331] : memref<10240x128xf32, #tpu.memory_space<vmem_shared>> -> memref<10240x128xf32, #tpu.memory_space<vmem_shared>>
    %dma_start3A_333 = tpu.memref_slice %arg10[%dma_start3A_322] : memref<5x!tpu.dma_semaphore, #tpu.memory_space<semaphore_mem>> -> memref<1x!tpu.dma_semaphore, #tpu.memory_space<semaphore_mem>>
    %dma_start3A_334 = tpu.memref_squeeze %dma_start3A_333 : memref<1x!tpu.dma_semaphore, #tpu.memory_space<semaphore_mem>> -> memref<!tpu.dma_semaphore, #tpu.memory_space<semaphore_mem>>
    tpu.enqueue_indirect_dma source(%dma_start3A_326 : memref<40x128xf32, #tpu.memory_space<vmem>>) target(%dma_start3A_332 : memref<10240x128xf32, #tpu.memory_space<vmem_shared>>) offsets(%dma_start3A_329 : memref<40xi32, #tpu.memory_space<vmem>>) semaphore(%dma_start3A_334 : memref<!tpu.dma_semaphore, #tpu.memory_space<semaphore_mem>>) {add = true}
    %dma_wait3A_335 = arith.constant 3 : i32
    %dma_wait3A_336 = arith.constant 3 : i32
    %dma_wait3A_337 = arith.constant 0 : i32
    %dma_wait3A_338 = tpu.memref_slice %arg5[%dma_wait3A_335, %dma_wait3A_337] : memref<5x40xi32, #tpu.memory_space<vmem>> -> memref<1x40xi32, #tpu.memory_space<vmem>>
    %dma_wait3A_339 = tpu.memref_squeeze %dma_wait3A_338 : memref<1x40xi32, #tpu.memory_space<vmem>> -> memref<40xi32, #tpu.memory_space<vmem>>
    %dma_wait3A_340 = arith.constant 0 : i32
    %dma_wait3A_341 = tpu.memref_slice %arg3[%dma_wait3A_340] : memref<320000xi32, #tpu.memory_space<hbm>> -> memref<40xi32, #tpu.memory_space<hbm>>
    %dma_wait3A_342 = tpu.memref_slice %arg9[%dma_wait3A_336] : memref<5x!tpu.dma_semaphore, #tpu.memory_space<semaphore_mem>> -> memref<1x!tpu.dma_semaphore, #tpu.memory_space<semaphore_mem>>
    %dma_wait3A_343 = tpu.memref_squeeze %dma_wait3A_342 : memref<1x!tpu.dma_semaphore, #tpu.memory_space<semaphore_mem>> -> memref<!tpu.dma_semaphore, #tpu.memory_space<semaphore_mem>>
    %dma_wait3A_344 = arith.constant 0 : i32
    %dma_wait3A_345 = tpu.memref_slice %arg5[%dma_wait3A_335, %dma_wait3A_344] : memref<5x40xi32, #tpu.memory_space<vmem>> -> memref<1x40xi32, #tpu.memory_space<vmem>>
    %dma_wait3A_346 = tpu.memref_squeeze %dma_wait3A_345 : memref<1x40xi32, #tpu.memory_space<vmem>> -> memref<40xi32, #tpu.memory_space<vmem>>
    %dma_wait3A_347 = arith.constant 0 : i32
    %dma_wait3A_348 = tpu.memref_slice %arg3[%dma_wait3A_347] : memref<320000xi32, #tpu.memory_space<hbm>> -> memref<40xi32, #tpu.memory_space<hbm>>
    tpu.wait_dma2 semaphore(%dma_wait3A_343 : memref<!tpu.dma_semaphore, #tpu.memory_space<semaphore_mem>>) src(%dma_wait3A_348 : memref<40xi32, #tpu.memory_space<hbm>>) dst(%dma_wait3A_346 : memref<40xi32, #tpu.memory_space<vmem>>)
    %dma_wait3A_349 = arith.constant 3 : i32
    %dma_wait3A_350 = arith.constant 3 : i32
    %dma_wait3A_351 = arith.constant 0 : i32
    %dma_wait3A_352 = arith.constant 0 : i32
    %dma_wait3A_353 = tpu.memref_slice %arg6[%dma_wait3A_349, %dma_wait3A_351, %dma_wait3A_352] : memref<5x40x128xf32, #tpu.memory_space<vmem>> -> memref<1x40x128xf32, #tpu.memory_space<vmem>>
    %dma_wait3A_354 = tpu.memref_squeeze %dma_wait3A_353 : memref<1x40x128xf32, #tpu.memory_space<vmem>> -> memref<40x128xf32, #tpu.memory_space<vmem>>
    %dma_wait3A_355 = arith.constant 0 : i32
    %dma_wait3A_356 = arith.constant 0 : i32
    %dma_wait3A_357 = tpu.memref_slice %arg2[%dma_wait3A_355, %dma_wait3A_356] : memref<320000x128xf32, #tpu.memory_space<hbm>> -> memref<40x128xf32, #tpu.memory_space<hbm>>
    %dma_wait3A_358 = tpu.memref_slice %arg9[%dma_wait3A_350] : memref<5x!tpu.dma_semaphore, #tpu.memory_space<semaphore_mem>> -> memref<1x!tpu.dma_semaphore, #tpu.memory_space<semaphore_mem>>
    %dma_wait3A_359 = tpu.memref_squeeze %dma_wait3A_358 : memref<1x!tpu.dma_semaphore, #tpu.memory_space<semaphore_mem>> -> memref<!tpu.dma_semaphore, #tpu.memory_space<semaphore_mem>>
    %dma_wait3A_360 = arith.constant 0 : i32
    %dma_wait3A_361 = arith.constant 0 : i32
    %dma_wait3A_362 = tpu.memref_slice %arg6[%dma_wait3A_349, %dma_wait3A_360, %dma_wait3A_361] : memref<5x40x128xf32, #tpu.memory_space<vmem>> -> memref<1x40x128xf32, #tpu.memory_space<vmem>>
    %dma_wait3A_363 = tpu.memref_squeeze %dma_wait3A_362 : memref<1x40x128xf32, #tpu.memory_space<vmem>> -> memref<40x128xf32, #tpu.memory_space<vmem>>
    %dma_wait3A_364 = arith.constant 0 : i32
    %dma_wait3A_365 = arith.constant 0 : i32
    %dma_wait3A_366 = tpu.memref_slice %arg2[%dma_wait3A_364, %dma_wait3A_365] : memref<320000x128xf32, #tpu.memory_space<hbm>> -> memref<40x128xf32, #tpu.memory_space<hbm>>
    tpu.wait_dma2 semaphore(%dma_wait3A_359 : memref<!tpu.dma_semaphore, #tpu.memory_space<semaphore_mem>>) src(%dma_wait3A_366 : memref<40x128xf32, #tpu.memory_space<hbm>>) dst(%dma_wait3A_363 : memref<40x128xf32, #tpu.memory_space<vmem>>)
    %dma_start3A_367 = arith.constant 3 : i32
    %dma_start3A_368 = arith.constant 3 : i32
    %dma_start3A_369 = arith.constant 3 : i32
    %dma_start3A_370 = arith.constant 0 : i32
    %dma_start3A_371 = arith.constant 0 : i32
    %dma_start3A_372 = tpu.memref_slice %arg6[%dma_start3A_367, %dma_start3A_370, %dma_start3A_371] : memref<5x40x128xf32, #tpu.memory_space<vmem>> -> memref<1x40x128xf32, #tpu.memory_space<vmem>>
    %dma_start3A_373 = tpu.memref_squeeze %dma_start3A_372 : memref<1x40x128xf32, #tpu.memory_space<vmem>> -> memref<40x128xf32, #tpu.memory_space<vmem>>
    %dma_start3A_374 = arith.constant 0 : i32
    %dma_start3A_375 = tpu.memref_slice %arg5[%dma_start3A_368, %dma_start3A_374] : memref<5x40xi32, #tpu.memory_space<vmem>> -> memref<1x40xi32, #tpu.memory_space<vmem>>
    %dma_start3A_376 = tpu.memref_squeeze %dma_start3A_375 : memref<1x40xi32, #tpu.memory_space<vmem>> -> memref<40xi32, #tpu.memory_space<vmem>>
    %dma_start3A_377 = arith.constant 0 : i32
    %dma_start3A_378 = arith.constant 0 : i32
    %dma_start3A_379 = tpu.memref_slice %arg8[%dma_start3A_377, %dma_start3A_378] : memref<10240x128xf32, #tpu.memory_space<vmem_shared>> -> memref<10240x128xf32, #tpu.memory_space<vmem_shared>>
    %dma_start3A_380 = tpu.memref_slice %arg10[%dma_start3A_369] : memref<5x!tpu.dma_semaphore, #tpu.memory_space<semaphore_mem>> -> memref<1x!tpu.dma_semaphore, #tpu.memory_space<semaphore_mem>>
    %dma_start3A_381 = tpu.memref_squeeze %dma_start3A_380 : memref<1x!tpu.dma_semaphore, #tpu.memory_space<semaphore_mem>> -> memref<!tpu.dma_semaphore, #tpu.memory_space<semaphore_mem>>
    tpu.enqueue_indirect_dma source(%dma_start3A_373 : memref<40x128xf32, #tpu.memory_space<vmem>>) target(%dma_start3A_379 : memref<10240x128xf32, #tpu.memory_space<vmem_shared>>) offsets(%dma_start3A_376 : memref<40xi32, #tpu.memory_space<vmem>>) semaphore(%dma_start3A_381 : memref<!tpu.dma_semaphore, #tpu.memory_space<semaphore_mem>>) {add = true}
    %dma_wait3A_382 = arith.constant 4 : i32
    %dma_wait3A_383 = arith.constant 4 : i32
    %dma_wait3A_384 = arith.constant 0 : i32
    %dma_wait3A_385 = tpu.memref_slice %arg5[%dma_wait3A_382, %dma_wait3A_384] : memref<5x40xi32, #tpu.memory_space<vmem>> -> memref<1x40xi32, #tpu.memory_space<vmem>>
    %dma_wait3A_386 = tpu.memref_squeeze %dma_wait3A_385 : memref<1x40xi32, #tpu.memory_space<vmem>> -> memref<40xi32, #tpu.memory_space<vmem>>
    %dma_wait3A_387 = arith.constant 0 : i32
    %dma_wait3A_388 = tpu.memref_slice %arg3[%dma_wait3A_387] : memref<320000xi32, #tpu.memory_space<hbm>> -> memref<40xi32, #tpu.memory_space<hbm>>
    %dma_wait3A_389 = tpu.memref_slice %arg9[%dma_wait3A_383] : memref<5x!tpu.dma_semaphore, #tpu.memory_space<semaphore_mem>> -> memref<1x!tpu.dma_semaphore, #tpu.memory_space<semaphore_mem>>
    %dma_wait3A_390 = tpu.memref_squeeze %dma_wait3A_389 : memref<1x!tpu.dma_semaphore, #tpu.memory_space<semaphore_mem>> -> memref<!tpu.dma_semaphore, #tpu.memory_space<semaphore_mem>>
    %dma_wait3A_391 = arith.constant 0 : i32
    %dma_wait3A_392 = tpu.memref_slice %arg5[%dma_wait3A_382, %dma_wait3A_391] : memref<5x40xi32, #tpu.memory_space<vmem>> -> memref<1x40xi32, #tpu.memory_space<vmem>>
    %dma_wait3A_393 = tpu.memref_squeeze %dma_wait3A_392 : memref<1x40xi32, #tpu.memory_space<vmem>> -> memref<40xi32, #tpu.memory_space<vmem>>
    %dma_wait3A_394 = arith.constant 0 : i32
    %dma_wait3A_395 = tpu.memref_slice %arg3[%dma_wait3A_394] : memref<320000xi32, #tpu.memory_space<hbm>> -> memref<40xi32, #tpu.memory_space<hbm>>
    tpu.wait_dma2 semaphore(%dma_wait3A_390 : memref<!tpu.dma_semaphore, #tpu.memory_space<semaphore_mem>>) src(%dma_wait3A_395 : memref<40xi32, #tpu.memory_space<hbm>>) dst(%dma_wait3A_393 : memref<40xi32, #tpu.memory_space<vmem>>)
    %dma_wait3A_396 = arith.constant 4 : i32
    %dma_wait3A_397 = arith.constant 4 : i32
    %dma_wait3A_398 = arith.constant 0 : i32
    %dma_wait3A_399 = arith.constant 0 : i32
    %dma_wait3A_400 = tpu.memref_slice %arg6[%dma_wait3A_396, %dma_wait3A_398, %dma_wait3A_399] : memref<5x40x128xf32, #tpu.memory_space<vmem>> -> memref<1x40x128xf32, #tpu.memory_space<vmem>>
    %dma_wait3A_401 = tpu.memref_squeeze %dma_wait3A_400 : memref<1x40x128xf32, #tpu.memory_space<vmem>> -> memref<40x128xf32, #tpu.memory_space<vmem>>
    %dma_wait3A_402 = arith.constant 0 : i32
    %dma_wait3A_403 = arith.constant 0 : i32
    %dma_wait3A_404 = tpu.memref_slice %arg2[%dma_wait3A_402, %dma_wait3A_403] : memref<320000x128xf32, #tpu.memory_space<hbm>> -> memref<40x128xf32, #tpu.memory_space<hbm>>
    %dma_wait3A_405 = tpu.memref_slice %arg9[%dma_wait3A_397] : memref<5x!tpu.dma_semaphore, #tpu.memory_space<semaphore_mem>> -> memref<1x!tpu.dma_semaphore, #tpu.memory_space<semaphore_mem>>
    %dma_wait3A_406 = tpu.memref_squeeze %dma_wait3A_405 : memref<1x!tpu.dma_semaphore, #tpu.memory_space<semaphore_mem>> -> memref<!tpu.dma_semaphore, #tpu.memory_space<semaphore_mem>>
    %dma_wait3A_407 = arith.constant 0 : i32
    %dma_wait3A_408 = arith.constant 0 : i32
    %dma_wait3A_409 = tpu.memref_slice %arg6[%dma_wait3A_396, %dma_wait3A_407, %dma_wait3A_408] : memref<5x40x128xf32, #tpu.memory_space<vmem>> -> memref<1x40x128xf32, #tpu.memory_space<vmem>>
    %dma_wait3A_410 = tpu.memref_squeeze %dma_wait3A_409 : memref<1x40x128xf32, #tpu.memory_space<vmem>> -> memref<40x128xf32, #tpu.memory_space<vmem>>
    %dma_wait3A_411 = arith.constant 0 : i32
    %dma_wait3A_412 = arith.constant 0 : i32
    %dma_wait3A_413 = tpu.memref_slice %arg2[%dma_wait3A_411, %dma_wait3A_412] : memref<320000x128xf32, #tpu.memory_space<hbm>> -> memref<40x128xf32, #tpu.memory_space<hbm>>
    tpu.wait_dma2 semaphore(%dma_wait3A_406 : memref<!tpu.dma_semaphore, #tpu.memory_space<semaphore_mem>>) src(%dma_wait3A_413 : memref<40x128xf32, #tpu.memory_space<hbm>>) dst(%dma_wait3A_410 : memref<40x128xf32, #tpu.memory_space<vmem>>)
    %dma_start3A_414 = arith.constant 4 : i32
    %dma_start3A_415 = arith.constant 4 : i32
    %dma_start3A_416 = arith.constant 4 : i32
    %dma_start3A_417 = arith.constant 0 : i32
    %dma_start3A_418 = arith.constant 0 : i32
    %dma_start3A_419 = tpu.memref_slice %arg6[%dma_start3A_414, %dma_start3A_417, %dma_start3A_418] : memref<5x40x128xf32, #tpu.memory_space<vmem>> -> memref<1x40x128xf32, #tpu.memory_space<vmem>>
    %dma_start3A_420 = tpu.memref_squeeze %dma_start3A_419 : memref<1x40x128xf32, #tpu.memory_space<vmem>> -> memref<40x128xf32, #tpu.memory_space<vmem>>
    %dma_start3A_421 = arith.constant 0 : i32
    %dma_start3A_422 = tpu.memref_slice %arg5[%dma_start3A_415, %dma_start3A_421] : memref<5x40xi32, #tpu.memory_space<vmem>> -> memref<1x40xi32, #tpu.memory_space<vmem>>
    %dma_start3A_423 = tpu.memref_squeeze %dma_start3A_422 : memref<1x40xi32, #tpu.memory_space<vmem>> -> memref<40xi32, #tpu.memory_space<vmem>>
    %dma_start3A_424 = arith.constant 0 : i32
    %dma_start3A_425 = arith.constant 0 : i32
    %dma_start3A_426 = tpu.memref_slice %arg8[%dma_start3A_424, %dma_start3A_425] : memref<10240x128xf32, #tpu.memory_space<vmem_shared>> -> memref<10240x128xf32, #tpu.memory_space<vmem_shared>>
    %dma_start3A_427 = tpu.memref_slice %arg10[%dma_start3A_416] : memref<5x!tpu.dma_semaphore, #tpu.memory_space<semaphore_mem>> -> memref<1x!tpu.dma_semaphore, #tpu.memory_space<semaphore_mem>>
    %dma_start3A_428 = tpu.memref_squeeze %dma_start3A_427 : memref<1x!tpu.dma_semaphore, #tpu.memory_space<semaphore_mem>> -> memref<!tpu.dma_semaphore, #tpu.memory_space<semaphore_mem>>
    tpu.enqueue_indirect_dma source(%dma_start3A_420 : memref<40x128xf32, #tpu.memory_space<vmem>>) target(%dma_start3A_426 : memref<10240x128xf32, #tpu.memory_space<vmem_shared>>) offsets(%dma_start3A_423 : memref<40xi32, #tpu.memory_space<vmem>>) semaphore(%dma_start3A_428 : memref<!tpu.dma_semaphore, #tpu.memory_space<semaphore_mem>>) {add = true}
    %dma_wait3A_429 = arith.constant 0 : i32
    %dma_wait3A_430 = arith.constant 0 : i32
    %dma_wait3A_431 = arith.constant 0 : i32
    %dma_wait3A_432 = arith.constant 0 : i32
    %dma_wait3A_433 = arith.constant 0 : i32
    %dma_wait3A_434 = tpu.memref_slice %arg6[%dma_wait3A_429, %dma_wait3A_432, %dma_wait3A_433] : memref<5x40x128xf32, #tpu.memory_space<vmem>> -> memref<1x40x128xf32, #tpu.memory_space<vmem>>
    %dma_wait3A_435 = tpu.memref_squeeze %dma_wait3A_434 : memref<1x40x128xf32, #tpu.memory_space<vmem>> -> memref<40x128xf32, #tpu.memory_space<vmem>>
    %dma_wait3A_436 = arith.constant 0 : i32
    %dma_wait3A_437 = tpu.memref_slice %arg5[%dma_wait3A_430, %dma_wait3A_436] : memref<5x40xi32, #tpu.memory_space<vmem>> -> memref<1x40xi32, #tpu.memory_space<vmem>>
    %dma_wait3A_438 = tpu.memref_squeeze %dma_wait3A_437 : memref<1x40xi32, #tpu.memory_space<vmem>> -> memref<40xi32, #tpu.memory_space<vmem>>
    %dma_wait3A_439 = arith.constant 0 : i32
    %dma_wait3A_440 = arith.constant 0 : i32
    %dma_wait3A_441 = tpu.memref_slice %arg8[%dma_wait3A_439, %dma_wait3A_440] : memref<10240x128xf32, #tpu.memory_space<vmem_shared>> -> memref<10240x128xf32, #tpu.memory_space<vmem_shared>>
    %dma_wait3A_442 = tpu.memref_slice %arg10[%dma_wait3A_431] : memref<5x!tpu.dma_semaphore, #tpu.memory_space<semaphore_mem>> -> memref<1x!tpu.dma_semaphore, #tpu.memory_space<semaphore_mem>>
    %dma_wait3A_443 = tpu.memref_squeeze %dma_wait3A_442 : memref<1x!tpu.dma_semaphore, #tpu.memory_space<semaphore_mem>> -> memref<!tpu.dma_semaphore, #tpu.memory_space<semaphore_mem>>
    tpu.wait_indirect_dma semaphore(%dma_wait3A_443 : memref<!tpu.dma_semaphore, #tpu.memory_space<semaphore_mem>>) src(%dma_wait3A_435 : memref<40x128xf32, #tpu.memory_space<vmem>>) dst(%dma_wait3A_441 : memref<10240x128xf32, #tpu.memory_space<vmem_shared>>)
    %dma_wait3A_444 = arith.constant 1 : i32
    %dma_wait3A_445 = arith.constant 1 : i32
    %dma_wait3A_446 = arith.constant 1 : i32
    %dma_wait3A_447 = arith.constant 0 : i32
    %dma_wait3A_448 = arith.constant 0 : i32
    %dma_wait3A_449 = tpu.memref_slice %arg6[%dma_wait3A_444, %dma_wait3A_447, %dma_wait3A_448] : memref<5x40x128xf32, #tpu.memory_space<vmem>> -> memref<1x40x128xf32, #tpu.memory_space<vmem>>
    %dma_wait3A_450 = tpu.memref_squeeze %dma_wait3A_449 : memref<1x40x128xf32, #tpu.memory_space<vmem>> -> memref<40x128xf32, #tpu.memory_space<vmem>>
    %dma_wait3A_451 = arith.constant 0 : i32
    %dma_wait3A_452 = tpu.memref_slice %arg5[%dma_wait3A_445, %dma_wait3A_451] : memref<5x40xi32, #tpu.memory_space<vmem>> -> memref<1x40xi32, #tpu.memory_space<vmem>>
    %dma_wait3A_453 = tpu.memref_squeeze %dma_wait3A_452 : memref<1x40xi32, #tpu.memory_space<vmem>> -> memref<40xi32, #tpu.memory_space<vmem>>
    %dma_wait3A_454 = arith.constant 0 : i32
    %dma_wait3A_455 = arith.constant 0 : i32
    %dma_wait3A_456 = tpu.memref_slice %arg8[%dma_wait3A_454, %dma_wait3A_455] : memref<10240x128xf32, #tpu.memory_space<vmem_shared>> -> memref<10240x128xf32, #tpu.memory_space<vmem_shared>>
    %dma_wait3A_457 = tpu.memref_slice %arg10[%dma_wait3A_446] : memref<5x!tpu.dma_semaphore, #tpu.memory_space<semaphore_mem>> -> memref<1x!tpu.dma_semaphore, #tpu.memory_space<semaphore_mem>>
    %dma_wait3A_458 = tpu.memref_squeeze %dma_wait3A_457 : memref<1x!tpu.dma_semaphore, #tpu.memory_space<semaphore_mem>> -> memref<!tpu.dma_semaphore, #tpu.memory_space<semaphore_mem>>
    tpu.wait_indirect_dma semaphore(%dma_wait3A_458 : memref<!tpu.dma_semaphore, #tpu.memory_space<semaphore_mem>>) src(%dma_wait3A_450 : memref<40x128xf32, #tpu.memory_space<vmem>>) dst(%dma_wait3A_456 : memref<10240x128xf32, #tpu.memory_space<vmem_shared>>)
    %dma_wait3A_459 = arith.constant 2 : i32
    %dma_wait3A_460 = arith.constant 2 : i32
    %dma_wait3A_461 = arith.constant 2 : i32
    %dma_wait3A_462 = arith.constant 0 : i32
    %dma_wait3A_463 = arith.constant 0 : i32
    %dma_wait3A_464 = tpu.memref_slice %arg6[%dma_wait3A_459, %dma_wait3A_462, %dma_wait3A_463] : memref<5x40x128xf32, #tpu.memory_space<vmem>> -> memref<1x40x128xf32, #tpu.memory_space<vmem>>
    %dma_wait3A_465 = tpu.memref_squeeze %dma_wait3A_464 : memref<1x40x128xf32, #tpu.memory_space<vmem>> -> memref<40x128xf32, #tpu.memory_space<vmem>>
    %dma_wait3A_466 = arith.constant 0 : i32
    %dma_wait3A_467 = tpu.memref_slice %arg5[%dma_wait3A_460, %dma_wait3A_466] : memref<5x40xi32, #tpu.memory_space<vmem>> -> memref<1x40xi32, #tpu.memory_space<vmem>>
    %dma_wait3A_468 = tpu.memref_squeeze %dma_wait3A_467 : memref<1x40xi32, #tpu.memory_space<vmem>> -> memref<40xi32, #tpu.memory_space<vmem>>
    %dma_wait3A_469 = arith.constant 0 : i32
    %dma_wait3A_470 = arith.constant 0 : i32
    %dma_wait3A_471 = tpu.memref_slice %arg8[%dma_wait3A_469, %dma_wait3A_470] : memref<10240x128xf32, #tpu.memory_space<vmem_shared>> -> memref<10240x128xf32, #tpu.memory_space<vmem_shared>>
    %dma_wait3A_472 = tpu.memref_slice %arg10[%dma_wait3A_461] : memref<5x!tpu.dma_semaphore, #tpu.memory_space<semaphore_mem>> -> memref<1x!tpu.dma_semaphore, #tpu.memory_space<semaphore_mem>>
    %dma_wait3A_473 = tpu.memref_squeeze %dma_wait3A_472 : memref<1x!tpu.dma_semaphore, #tpu.memory_space<semaphore_mem>> -> memref<!tpu.dma_semaphore, #tpu.memory_space<semaphore_mem>>
    tpu.wait_indirect_dma semaphore(%dma_wait3A_473 : memref<!tpu.dma_semaphore, #tpu.memory_space<semaphore_mem>>) src(%dma_wait3A_465 : memref<40x128xf32, #tpu.memory_space<vmem>>) dst(%dma_wait3A_471 : memref<10240x128xf32, #tpu.memory_space<vmem_shared>>)
    %dma_wait3A_474 = arith.constant 3 : i32
    %dma_wait3A_475 = arith.constant 3 : i32
    %dma_wait3A_476 = arith.constant 3 : i32
    %dma_wait3A_477 = arith.constant 0 : i32
    %dma_wait3A_478 = arith.constant 0 : i32
    %dma_wait3A_479 = tpu.memref_slice %arg6[%dma_wait3A_474, %dma_wait3A_477, %dma_wait3A_478] : memref<5x40x128xf32, #tpu.memory_space<vmem>> -> memref<1x40x128xf32, #tpu.memory_space<vmem>>
    %dma_wait3A_480 = tpu.memref_squeeze %dma_wait3A_479 : memref<1x40x128xf32, #tpu.memory_space<vmem>> -> memref<40x128xf32, #tpu.memory_space<vmem>>
    %dma_wait3A_481 = arith.constant 0 : i32
    %dma_wait3A_482 = tpu.memref_slice %arg5[%dma_wait3A_475, %dma_wait3A_481] : memref<5x40xi32, #tpu.memory_space<vmem>> -> memref<1x40xi32, #tpu.memory_space<vmem>>
    %dma_wait3A_483 = tpu.memref_squeeze %dma_wait3A_482 : memref<1x40xi32, #tpu.memory_space<vmem>> -> memref<40xi32, #tpu.memory_space<vmem>>
    %dma_wait3A_484 = arith.constant 0 : i32
    %dma_wait3A_485 = arith.constant 0 : i32
    %dma_wait3A_486 = tpu.memref_slice %arg8[%dma_wait3A_484, %dma_wait3A_485] : memref<10240x128xf32, #tpu.memory_space<vmem_shared>> -> memref<10240x128xf32, #tpu.memory_space<vmem_shared>>
    %dma_wait3A_487 = tpu.memref_slice %arg10[%dma_wait3A_476] : memref<5x!tpu.dma_semaphore, #tpu.memory_space<semaphore_mem>> -> memref<1x!tpu.dma_semaphore, #tpu.memory_space<semaphore_mem>>
    %dma_wait3A_488 = tpu.memref_squeeze %dma_wait3A_487 : memref<1x!tpu.dma_semaphore, #tpu.memory_space<semaphore_mem>> -> memref<!tpu.dma_semaphore, #tpu.memory_space<semaphore_mem>>
    tpu.wait_indirect_dma semaphore(%dma_wait3A_488 : memref<!tpu.dma_semaphore, #tpu.memory_space<semaphore_mem>>) src(%dma_wait3A_480 : memref<40x128xf32, #tpu.memory_space<vmem>>) dst(%dma_wait3A_486 : memref<10240x128xf32, #tpu.memory_space<vmem_shared>>)
    %dma_wait3A_489 = arith.constant 4 : i32
    %dma_wait3A_490 = arith.constant 4 : i32
    %dma_wait3A_491 = arith.constant 4 : i32
    %dma_wait3A_492 = arith.constant 0 : i32
    %dma_wait3A_493 = arith.constant 0 : i32
    %dma_wait3A_494 = tpu.memref_slice %arg6[%dma_wait3A_489, %dma_wait3A_492, %dma_wait3A_493] : memref<5x40x128xf32, #tpu.memory_space<vmem>> -> memref<1x40x128xf32, #tpu.memory_space<vmem>>
    %dma_wait3A_495 = tpu.memref_squeeze %dma_wait3A_494 : memref<1x40x128xf32, #tpu.memory_space<vmem>> -> memref<40x128xf32, #tpu.memory_space<vmem>>
    %dma_wait3A_496 = arith.constant 0 : i32
    %dma_wait3A_497 = tpu.memref_slice %arg5[%dma_wait3A_490, %dma_wait3A_496] : memref<5x40xi32, #tpu.memory_space<vmem>> -> memref<1x40xi32, #tpu.memory_space<vmem>>
    %dma_wait3A_498 = tpu.memref_squeeze %dma_wait3A_497 : memref<1x40xi32, #tpu.memory_space<vmem>> -> memref<40xi32, #tpu.memory_space<vmem>>
    %dma_wait3A_499 = arith.constant 0 : i32
    %dma_wait3A_500 = arith.constant 0 : i32
    %dma_wait3A_501 = tpu.memref_slice %arg8[%dma_wait3A_499, %dma_wait3A_500] : memref<10240x128xf32, #tpu.memory_space<vmem_shared>> -> memref<10240x128xf32, #tpu.memory_space<vmem_shared>>
    %dma_wait3A_502 = tpu.memref_slice %arg10[%dma_wait3A_491] : memref<5x!tpu.dma_semaphore, #tpu.memory_space<semaphore_mem>> -> memref<1x!tpu.dma_semaphore, #tpu.memory_space<semaphore_mem>>
    %dma_wait3A_503 = tpu.memref_squeeze %dma_wait3A_502 : memref<1x!tpu.dma_semaphore, #tpu.memory_space<semaphore_mem>> -> memref<!tpu.dma_semaphore, #tpu.memory_space<semaphore_mem>>
    tpu.wait_indirect_dma semaphore(%dma_wait3A_503 : memref<!tpu.dma_semaphore, #tpu.memory_space<semaphore_mem>>) src(%dma_wait3A_495 : memref<40x128xf32, #tpu.memory_space<vmem>>) dst(%dma_wait3A_501 : memref<10240x128xf32, #tpu.memory_space<vmem_shared>>)
    %barrier3A_504 = arith.constant 0 : index
    tpu.barrier barrier_id(%barrier3A_504)
    %mul3A_505 = arith.constant 640 : i32
    %mul3A_506 = arith.muli %arg1, %mul3A_505 : i32
    %add3A_507 = arith.constant 0 : i32
    %add3A_508 = arith.addi %mul3A_506, %add3A_507 : i32
    "tpu.region"() ({
      %run_scoped3A = tpu.sem_alloc : memref<!tpu.dma_semaphore, #tpu.memory_space<semaphore_mem>>
      %dma_start3A_537 = arith.constant 0 : i32
      %dma_start3A_538 = tpu.memref_slice %arg4[%arg0, %add3A_508, %dma_start3A_537] : memref<2x10240x128xf32, #tpu.memory_space<hbm>> -> memref<1x80x128xf32, #tpu.memory_space<hbm>>
      %dma_start3A_539 = tpu.memref_squeeze %dma_start3A_538 : memref<1x80x128xf32, #tpu.memory_space<hbm>> -> memref<80x128xf32, #tpu.memory_space<hbm>>
      %dma_start3A_540 = arith.constant 0 : i32
      %dma_start3A_541 = tpu.memref_slice %arg8[%add3A_508, %dma_start3A_540] : memref<10240x128xf32, #tpu.memory_space<vmem_shared>> -> memref<80x128xf32, #tpu.memory_space<vmem_shared>>
      tpu.enqueue_dma source(%dma_start3A_541 : memref<80x128xf32, #tpu.memory_space<vmem_shared>>) target(%dma_start3A_539 : memref<80x128xf32, #tpu.memory_space<hbm>>) target_semaphore(%run_scoped3A : memref<!tpu.dma_semaphore, #tpu.memory_space<semaphore_mem>>)
      %dma_wait3A_542 = arith.constant 0 : i32
      %dma_wait3A_543 = tpu.memref_slice %arg4[%arg0, %add3A_508, %dma_wait3A_542] : memref<2x10240x128xf32, #tpu.memory_space<hbm>> -> memref<1x80x128xf32, #tpu.memory_space<hbm>>
      %dma_wait3A_544 = tpu.memref_squeeze %dma_wait3A_543 : memref<1x80x128xf32, #tpu.memory_space<hbm>> -> memref<80x128xf32, #tpu.memory_space<hbm>>
      %dma_wait3A_545 = arith.constant 0 : i32
      %dma_wait3A_546 = tpu.memref_slice %arg8[%add3A_508, %dma_wait3A_545] : memref<10240x128xf32, #tpu.memory_space<vmem_shared>> -> memref<80x128xf32, #tpu.memory_space<vmem_shared>>
      tpu.wait_dma2 semaphore(%run_scoped3A : memref<!tpu.dma_semaphore, #tpu.memory_space<semaphore_mem>>) src(%dma_wait3A_546 : memref<80x128xf32, #tpu.memory_space<vmem_shared>>) dst(%dma_wait3A_544 : memref<80x128xf32, #tpu.memory_space<hbm>>)
      tpu.yield
    }) : () -> ()
    %mul3A_509 = arith.constant 640 : i32
    %mul3A_510 = arith.muli %arg1, %mul3A_509 : i32
    %add3A_511 = arith.constant 80 : i32
    %add3A_512 = arith.addi %mul3A_510, %add3A_511 : i32
    "tpu.region"() ({
      %run_scoped3A = tpu.sem_alloc : memref<!tpu.dma_semaphore, #tpu.memory_space<semaphore_mem>>
      %dma_start3A_537 = arith.constant 0 : i32
      %dma_start3A_538 = tpu.memref_slice %arg4[%arg0, %add3A_512, %dma_start3A_537] : memref<2x10240x128xf32, #tpu.memory_space<hbm>> -> memref<1x80x128xf32, #tpu.memory_space<hbm>>
      %dma_start3A_539 = tpu.memref_squeeze %dma_start3A_538 : memref<1x80x128xf32, #tpu.memory_space<hbm>> -> memref<80x128xf32, #tpu.memory_space<hbm>>
      %dma_start3A_540 = arith.constant 0 : i32
      %dma_start3A_541 = tpu.memref_slice %arg8[%add3A_512, %dma_start3A_540] : memref<10240x128xf32, #tpu.memory_space<vmem_shared>> -> memref<80x128xf32, #tpu.memory_space<vmem_shared>>
      tpu.enqueue_dma source(%dma_start3A_541 : memref<80x128xf32, #tpu.memory_space<vmem_shared>>) target(%dma_start3A_539 : memref<80x128xf32, #tpu.memory_space<hbm>>) target_semaphore(%run_scoped3A : memref<!tpu.dma_semaphore, #tpu.memory_space<semaphore_mem>>)
      %dma_wait3A_542 = arith.constant 0 : i32
      %dma_wait3A_543 = tpu.memref_slice %arg4[%arg0, %add3A_512, %dma_wait3A_542] : memref<2x10240x128xf32, #tpu.memory_space<hbm>> -> memref<1x80x128xf32, #tpu.memory_space<hbm>>
      %dma_wait3A_544 = tpu.memref_squeeze %dma_wait3A_543 : memref<1x80x128xf32, #tpu.memory_space<hbm>> -> memref<80x128xf32, #tpu.memory_space<hbm>>
      %dma_wait3A_545 = arith.constant 0 : i32
      %dma_wait3A_546 = tpu.memref_slice %arg8[%add3A_512, %dma_wait3A_545] : memref<10240x128xf32, #tpu.memory_space<vmem_shared>> -> memref<80x128xf32, #tpu.memory_space<vmem_shared>>
      tpu.wait_dma2 semaphore(%run_scoped3A : memref<!tpu.dma_semaphore, #tpu.memory_space<semaphore_mem>>) src(%dma_wait3A_546 : memref<80x128xf32, #tpu.memory_space<vmem_shared>>) dst(%dma_wait3A_544 : memref<80x128xf32, #tpu.memory_space<hbm>>)
      tpu.yield
    }) : () -> ()
    %mul3A_513 = arith.constant 640 : i32
    %mul3A_514 = arith.muli %arg1, %mul3A_513 : i32
    %add3A_515 = arith.constant 160 : i32
    %add3A_516 = arith.addi %mul3A_514, %add3A_515 : i32
    "tpu.region"() ({
      %run_scoped3A = tpu.sem_alloc : memref<!tpu.dma_semaphore, #tpu.memory_space<semaphore_mem>>
      %dma_start3A_537 = arith.constant 0 : i32
      %dma_start3A_538 = tpu.memref_slice %arg4[%arg0, %add3A_516, %dma_start3A_537] : memref<2x10240x128xf32, #tpu.memory_space<hbm>> -> memref<1x80x128xf32, #tpu.memory_space<hbm>>
      %dma_start3A_539 = tpu.memref_squeeze %dma_start3A_538 : memref<1x80x128xf32, #tpu.memory_space<hbm>> -> memref<80x128xf32, #tpu.memory_space<hbm>>
      %dma_start3A_540 = arith.constant 0 : i32
      %dma_start3A_541 = tpu.memref_slice %arg8[%add3A_516, %dma_start3A_540] : memref<10240x128xf32, #tpu.memory_space<vmem_shared>> -> memref<80x128xf32, #tpu.memory_space<vmem_shared>>
      tpu.enqueue_dma source(%dma_start3A_541 : memref<80x128xf32, #tpu.memory_space<vmem_shared>>) target(%dma_start3A_539 : memref<80x128xf32, #tpu.memory_space<hbm>>) target_semaphore(%run_scoped3A : memref<!tpu.dma_semaphore, #tpu.memory_space<semaphore_mem>>)
      %dma_wait3A_542 = arith.constant 0 : i32
      %dma_wait3A_543 = tpu.memref_slice %arg4[%arg0, %add3A_516, %dma_wait3A_542] : memref<2x10240x128xf32, #tpu.memory_space<hbm>> -> memref<1x80x128xf32, #tpu.memory_space<hbm>>
      %dma_wait3A_544 = tpu.memref_squeeze %dma_wait3A_543 : memref<1x80x128xf32, #tpu.memory_space<hbm>> -> memref<80x128xf32, #tpu.memory_space<hbm>>
      %dma_wait3A_545 = arith.constant 0 : i32
      %dma_wait3A_546 = tpu.memref_slice %arg8[%add3A_516, %dma_wait3A_545] : memref<10240x128xf32, #tpu.memory_space<vmem_shared>> -> memref<80x128xf32, #tpu.memory_space<vmem_shared>>
      tpu.wait_dma2 semaphore(%run_scoped3A : memref<!tpu.dma_semaphore, #tpu.memory_space<semaphore_mem>>) src(%dma_wait3A_546 : memref<80x128xf32, #tpu.memory_space<vmem_shared>>) dst(%dma_wait3A_544 : memref<80x128xf32, #tpu.memory_space<hbm>>)
      tpu.yield
    }) : () -> ()
    %mul3A_517 = arith.constant 640 : i32
    %mul3A_518 = arith.muli %arg1, %mul3A_517 : i32
    %add3A_519 = arith.constant 240 : i32
    %add3A_520 = arith.addi %mul3A_518, %add3A_519 : i32
    "tpu.region"() ({
      %run_scoped3A = tpu.sem_alloc : memref<!tpu.dma_semaphore, #tpu.memory_space<semaphore_mem>>
      %dma_start3A_537 = arith.constant 0 : i32
      %dma_start3A_538 = tpu.memref_slice %arg4[%arg0, %add3A_520, %dma_start3A_537] : memref<2x10240x128xf32, #tpu.memory_space<hbm>> -> memref<1x80x128xf32, #tpu.memory_space<hbm>>
      %dma_start3A_539 = tpu.memref_squeeze %dma_start3A_538 : memref<1x80x128xf32, #tpu.memory_space<hbm>> -> memref<80x128xf32, #tpu.memory_space<hbm>>
      %dma_start3A_540 = arith.constant 0 : i32
      %dma_start3A_541 = tpu.memref_slice %arg8[%add3A_520, %dma_start3A_540] : memref<10240x128xf32, #tpu.memory_space<vmem_shared>> -> memref<80x128xf32, #tpu.memory_space<vmem_shared>>
      tpu.enqueue_dma source(%dma_start3A_541 : memref<80x128xf32, #tpu.memory_space<vmem_shared>>) target(%dma_start3A_539 : memref<80x128xf32, #tpu.memory_space<hbm>>) target_semaphore(%run_scoped3A : memref<!tpu.dma_semaphore, #tpu.memory_space<semaphore_mem>>)
      %dma_wait3A_542 = arith.constant 0 : i32
      %dma_wait3A_543 = tpu.memref_slice %arg4[%arg0, %add3A_520, %dma_wait3A_542] : memref<2x10240x128xf32, #tpu.memory_space<hbm>> -> memref<1x80x128xf32, #tpu.memory_space<hbm>>
      %dma_wait3A_544 = tpu.memref_squeeze %dma_wait3A_543 : memref<1x80x128xf32, #tpu.memory_space<hbm>> -> memref<80x128xf32, #tpu.memory_space<hbm>>
      %dma_wait3A_545 = arith.constant 0 : i32
      %dma_wait3A_546 = tpu.memref_slice %arg8[%add3A_520, %dma_wait3A_545] : memref<10240x128xf32, #tpu.memory_space<vmem_shared>> -> memref<80x128xf32, #tpu.memory_space<vmem_shared>>
      tpu.wait_dma2 semaphore(%run_scoped3A : memref<!tpu.dma_semaphore, #tpu.memory_space<semaphore_mem>>) src(%dma_wait3A_546 : memref<80x128xf32, #tpu.memory_space<vmem_shared>>) dst(%dma_wait3A_544 : memref<80x128xf32, #tpu.memory_space<hbm>>)
      tpu.yield
    }) : () -> ()
    %mul3A_521 = arith.constant 640 : i32
    %mul3A_522 = arith.muli %arg1, %mul3A_521 : i32
    %add3A_523 = arith.constant 320 : i32
    %add3A_524 = arith.addi %mul3A_522, %add3A_523 : i32
    "tpu.region"() ({
      %run_scoped3A = tpu.sem_alloc : memref<!tpu.dma_semaphore, #tpu.memory_space<semaphore_mem>>
      %dma_start3A_537 = arith.constant 0 : i32
      %dma_start3A_538 = tpu.memref_slice %arg4[%arg0, %add3A_524, %dma_start3A_537] : memref<2x10240x128xf32, #tpu.memory_space<hbm>> -> memref<1x80x128xf32, #tpu.memory_space<hbm>>
      %dma_start3A_539 = tpu.memref_squeeze %dma_start3A_538 : memref<1x80x128xf32, #tpu.memory_space<hbm>> -> memref<80x128xf32, #tpu.memory_space<hbm>>
      %dma_start3A_540 = arith.constant 0 : i32
      %dma_start3A_541 = tpu.memref_slice %arg8[%add3A_524, %dma_start3A_540] : memref<10240x128xf32, #tpu.memory_space<vmem_shared>> -> memref<80x128xf32, #tpu.memory_space<vmem_shared>>
      tpu.enqueue_dma source(%dma_start3A_541 : memref<80x128xf32, #tpu.memory_space<vmem_shared>>) target(%dma_start3A_539 : memref<80x128xf32, #tpu.memory_space<hbm>>) target_semaphore(%run_scoped3A : memref<!tpu.dma_semaphore, #tpu.memory_space<semaphore_mem>>)
      %dma_wait3A_542 = arith.constant 0 : i32
      %dma_wait3A_543 = tpu.memref_slice %arg4[%arg0, %add3A_524, %dma_wait3A_542] : memref<2x10240x128xf32, #tpu.memory_space<hbm>> -> memref<1x80x128xf32, #tpu.memory_space<hbm>>
      %dma_wait3A_544 = tpu.memref_squeeze %dma_wait3A_543 : memref<1x80x128xf32, #tpu.memory_space<hbm>> -> memref<80x128xf32, #tpu.memory_space<hbm>>
      %dma_wait3A_545 = arith.constant 0 : i32
      %dma_wait3A_546 = tpu.memref_slice %arg8[%add3A_524, %dma_wait3A_545] : memref<10240x128xf32, #tpu.memory_space<vmem_shared>> -> memref<80x128xf32, #tpu.memory_space<vmem_shared>>
      tpu.wait_dma2 semaphore(%run_scoped3A : memref<!tpu.dma_semaphore, #tpu.memory_space<semaphore_mem>>) src(%dma_wait3A_546 : memref<80x128xf32, #tpu.memory_space<vmem_shared>>) dst(%dma_wait3A_544 : memref<80x128xf32, #tpu.memory_space<hbm>>)
      tpu.yield
    }) : () -> ()
    %mul3A_525 = arith.constant 640 : i32
    %mul3A_526 = arith.muli %arg1, %mul3A_525 : i32
    %add3A_527 = arith.constant 400 : i32
    %add3A_528 = arith.addi %mul3A_526, %add3A_527 : i32
    "tpu.region"() ({
      %run_scoped3A = tpu.sem_alloc : memref<!tpu.dma_semaphore, #tpu.memory_space<semaphore_mem>>
      %dma_start3A_537 = arith.constant 0 : i32
      %dma_start3A_538 = tpu.memref_slice %arg4[%arg0, %add3A_528, %dma_start3A_537] : memref<2x10240x128xf32, #tpu.memory_space<hbm>> -> memref<1x80x128xf32, #tpu.memory_space<hbm>>
      %dma_start3A_539 = tpu.memref_squeeze %dma_start3A_538 : memref<1x80x128xf32, #tpu.memory_space<hbm>> -> memref<80x128xf32, #tpu.memory_space<hbm>>
      %dma_start3A_540 = arith.constant 0 : i32
      %dma_start3A_541 = tpu.memref_slice %arg8[%add3A_528, %dma_start3A_540] : memref<10240x128xf32, #tpu.memory_space<vmem_shared>> -> memref<80x128xf32, #tpu.memory_space<vmem_shared>>
      tpu.enqueue_dma source(%dma_start3A_541 : memref<80x128xf32, #tpu.memory_space<vmem_shared>>) target(%dma_start3A_539 : memref<80x128xf32, #tpu.memory_space<hbm>>) target_semaphore(%run_scoped3A : memref<!tpu.dma_semaphore, #tpu.memory_space<semaphore_mem>>)
      %dma_wait3A_542 = arith.constant 0 : i32
      %dma_wait3A_543 = tpu.memref_slice %arg4[%arg0, %add3A_528, %dma_wait3A_542] : memref<2x10240x128xf32, #tpu.memory_space<hbm>> -> memref<1x80x128xf32, #tpu.memory_space<hbm>>
      %dma_wait3A_544 = tpu.memref_squeeze %dma_wait3A_543 : memref<1x80x128xf32, #tpu.memory_space<hbm>> -> memref<80x128xf32, #tpu.memory_space<hbm>>
      %dma_wait3A_545 = arith.constant 0 : i32
      %dma_wait3A_546 = tpu.memref_slice %arg8[%add3A_528, %dma_wait3A_545] : memref<10240x128xf32, #tpu.memory_space<vmem_shared>> -> memref<80x128xf32, #tpu.memory_space<vmem_shared>>
      tpu.wait_dma2 semaphore(%run_scoped3A : memref<!tpu.dma_semaphore, #tpu.memory_space<semaphore_mem>>) src(%dma_wait3A_546 : memref<80x128xf32, #tpu.memory_space<vmem_shared>>) dst(%dma_wait3A_544 : memref<80x128xf32, #tpu.memory_space<hbm>>)
      tpu.yield
    }) : () -> ()
    %mul3A_529 = arith.constant 640 : i32
    %mul3A_530 = arith.muli %arg1, %mul3A_529 : i32
    %add3A_531 = arith.constant 480 : i32
    %add3A_532 = arith.addi %mul3A_530, %add3A_531 : i32
    "tpu.region"() ({
      %run_scoped3A = tpu.sem_alloc : memref<!tpu.dma_semaphore, #tpu.memory_space<semaphore_mem>>
      %dma_start3A_537 = arith.constant 0 : i32
      %dma_start3A_538 = tpu.memref_slice %arg4[%arg0, %add3A_532, %dma_start3A_537] : memref<2x10240x128xf32, #tpu.memory_space<hbm>> -> memref<1x80x128xf32, #tpu.memory_space<hbm>>
      %dma_start3A_539 = tpu.memref_squeeze %dma_start3A_538 : memref<1x80x128xf32, #tpu.memory_space<hbm>> -> memref<80x128xf32, #tpu.memory_space<hbm>>
      %dma_start3A_540 = arith.constant 0 : i32
      %dma_start3A_541 = tpu.memref_slice %arg8[%add3A_532, %dma_start3A_540] : memref<10240x128xf32, #tpu.memory_space<vmem_shared>> -> memref<80x128xf32, #tpu.memory_space<vmem_shared>>
      tpu.enqueue_dma source(%dma_start3A_541 : memref<80x128xf32, #tpu.memory_space<vmem_shared>>) target(%dma_start3A_539 : memref<80x128xf32, #tpu.memory_space<hbm>>) target_semaphore(%run_scoped3A : memref<!tpu.dma_semaphore, #tpu.memory_space<semaphore_mem>>)
      %dma_wait3A_542 = arith.constant 0 : i32
      %dma_wait3A_543 = tpu.memref_slice %arg4[%arg0, %add3A_532, %dma_wait3A_542] : memref<2x10240x128xf32, #tpu.memory_space<hbm>> -> memref<1x80x128xf32, #tpu.memory_space<hbm>>
      %dma_wait3A_544 = tpu.memref_squeeze %dma_wait3A_543 : memref<1x80x128xf32, #tpu.memory_space<hbm>> -> memref<80x128xf32, #tpu.memory_space<hbm>>
      %dma_wait3A_545 = arith.constant 0 : i32
      %dma_wait3A_546 = tpu.memref_slice %arg8[%add3A_532, %dma_wait3A_545] : memref<10240x128xf32, #tpu.memory_space<vmem_shared>> -> memref<80x128xf32, #tpu.memory_space<vmem_shared>>
      tpu.wait_dma2 semaphore(%run_scoped3A : memref<!tpu.dma_semaphore, #tpu.memory_space<semaphore_mem>>) src(%dma_wait3A_546 : memref<80x128xf32, #tpu.memory_space<vmem_shared>>) dst(%dma_wait3A_544 : memref<80x128xf32, #tpu.memory_space<hbm>>)
      tpu.yield
    }) : () -> ()
    %mul3A_533 = arith.constant 640 : i32
    %mul3A_534 = arith.muli %arg1, %mul3A_533 : i32
    %add3A_535 = arith.constant 560 : i32
    %add3A_536 = arith.addi %mul3A_534, %add3A_535 : i32
    "tpu.region"() ({
      %run_scoped3A = tpu.sem_alloc : memref<!tpu.dma_semaphore, #tpu.memory_space<semaphore_mem>>
      %dma_start3A_537 = arith.constant 0 : i32
      %dma_start3A_538 = tpu.memref_slice %arg4[%arg0, %add3A_536, %dma_start3A_537] : memref<2x10240x128xf32, #tpu.memory_space<hbm>> -> memref<1x80x128xf32, #tpu.memory_space<hbm>>
      %dma_start3A_539 = tpu.memref_squeeze %dma_start3A_538 : memref<1x80x128xf32, #tpu.memory_space<hbm>> -> memref<80x128xf32, #tpu.memory_space<hbm>>
      %dma_start3A_540 = arith.constant 0 : i32
      %dma_start3A_541 = tpu.memref_slice %arg8[%add3A_536, %dma_start3A_540] : memref<10240x128xf32, #tpu.memory_space<vmem_shared>> -> memref<80x128xf32, #tpu.memory_space<vmem_shared>>
      tpu.enqueue_dma source(%dma_start3A_541 : memref<80x128xf32, #tpu.memory_space<vmem_shared>>) target(%dma_start3A_539 : memref<80x128xf32, #tpu.memory_space<hbm>>) target_semaphore(%run_scoped3A : memref<!tpu.dma_semaphore, #tpu.memory_space<semaphore_mem>>)
      %dma_wait3A_542 = arith.constant 0 : i32
      %dma_wait3A_543 = tpu.memref_slice %arg4[%arg0, %add3A_536, %dma_wait3A_542] : memref<2x10240x128xf32, #tpu.memory_space<hbm>> -> memref<1x80x128xf32, #tpu.memory_space<hbm>>
      %dma_wait3A_544 = tpu.memref_squeeze %dma_wait3A_543 : memref<1x80x128xf32, #tpu.memory_space<hbm>> -> memref<80x128xf32, #tpu.memory_space<hbm>>
      %dma_wait3A_545 = arith.constant 0 : i32
      %dma_wait3A_546 = tpu.memref_slice %arg8[%add3A_536, %dma_wait3A_545] : memref<10240x128xf32, #tpu.memory_space<vmem_shared>> -> memref<80x128xf32, #tpu.memory_space<vmem_shared>>
      tpu.wait_dma2 semaphore(%run_scoped3A : memref<!tpu.dma_semaphore, #tpu.memory_space<semaphore_mem>>) src(%dma_wait3A_546 : memref<80x128xf32, #tpu.memory_space<vmem_shared>>) dst(%dma_wait3A_544 : memref<80x128xf32, #tpu.memory_space<hbm>>)
      tpu.yield
    }) : () -> ()
    return
  }
}

module attributes {stable_mosaic.version = 14 : i64} {
  func.func @_edge_mlp_body(%arg0: i32, %arg1: memref<144x2560xf32, #tpu.memory_space<vmem>>, %arg2: memref<128x144xbf16, #tpu.memory_space<vmem>>, %arg3: memref<1x128xf32, #tpu.memory_space<vmem>>, %arg4: memref<128x128xbf16, #tpu.memory_space<vmem>>, %arg5: memref<1x128xf32, #tpu.memory_space<vmem>>, %arg6: memref<128x128xbf16, #tpu.memory_space<vmem>>, %arg7: memref<1x128xf32, #tpu.memory_space<vmem>>, %arg8: memref<2560x128xf32, #tpu.memory_space<vmem>>) attributes {dimension_semantics = [#tpu.dimension_semantics<arbitrary>], iteration_bounds = array<i64: 125>, scalar_prefetch = 0 : i64, scratch_operands = 0 : i64, tpu.core_type = #tpu.core_type<tc>, window_params = [{transform_indices = @transform_0, window_bounds = array<i64: 144, 2560>}, {pipeline_mode = #tpu.pipeline_mode<synchronous>, transform_indices = @transform_1, window_bounds = array<i64: 128, 144>}, {pipeline_mode = #tpu.pipeline_mode<synchronous>, transform_indices = @transform_2, window_bounds = array<i64: 1, 128>}, {pipeline_mode = #tpu.pipeline_mode<synchronous>, transform_indices = @transform_3, window_bounds = array<i64: 128, 128>}, {pipeline_mode = #tpu.pipeline_mode<synchronous>, transform_indices = @transform_4, window_bounds = array<i64: 1, 128>}, {pipeline_mode = #tpu.pipeline_mode<synchronous>, transform_indices = @transform_5, window_bounds = array<i64: 128, 128>}, {pipeline_mode = #tpu.pipeline_mode<synchronous>, transform_indices = @transform_6, window_bounds = array<i64: 1, 128>}, {transform_indices = @transform_7, window_bounds = array<i64: 2560, 128>}]} {
    %get3A = arith.constant 0 : index
    %get3A_0 = arith.constant 0 : index
    %get3A_1 = vector.load %arg1[%get3A, %get3A_0] : memref<144x2560xf32, #tpu.memory_space<vmem>>, vector<144x2560xf32>
    %convert_element_type3A = arith.truncf %get3A_1 : vector<144x2560xf32> to vector<144x2560xbf16>
    %get3A_2 = arith.constant 0 : index
    %get3A_3 = arith.constant 0 : index
    %get3A_4 = vector.load %arg2[%get3A_2, %get3A_3] : memref<128x144xbf16, #tpu.memory_space<vmem>>, vector<128x144xbf16>
    %dot_general3A = arith.constant dense<0.000000e+00> : vector<2560x128xf32>
    %dot_general3A_5 = tpu.matmul %convert_element_type3A, %get3A_4, %dot_general3A {dimension_numbers = #tpu.dot_dimension_numbers<[0], [1], [1], [0], [0, 1, 1, 0], [], []>, transpose_lhs_hint = false} : vector<144x2560xbf16>, vector<128x144xbf16>, vector<2560x128xf32> -> vector<2560x128xf32>
    %get3A_6 = arith.constant 0 : index
    %get3A_7 = arith.constant 0 : index
    %get3A_8 = vector.load %arg3[%get3A_6, %get3A_7] : memref<1x128xf32, #tpu.memory_space<vmem>>, vector<1x128xf32>
    %add3A = vector.broadcast %get3A_8 : vector<1x128xf32> to vector<2560x128xf32>
    %add3A_9 = arith.addf %dot_general3A_5, %add3A : vector<2560x128xf32>
    %max3A = arith.constant 0.000000e+00 : f32
    %max3A_10 = vector.broadcast %max3A : f32 to vector<2560x128xf32>
    %max3A_11 = arith.maximumf %add3A_9, %max3A_10 : vector<2560x128xf32>
    %convert_element_type3A_12 = arith.truncf %max3A_11 : vector<2560x128xf32> to vector<2560x128xbf16>
    %get3A_13 = arith.constant 0 : index
    %get3A_14 = arith.constant 0 : index
    %get3A_15 = vector.load %arg4[%get3A_13, %get3A_14] : memref<128x128xbf16, #tpu.memory_space<vmem>>, vector<128x128xbf16>
    %dot_general3A_16 = arith.constant dense<0.000000e+00> : vector<2560x128xf32>
    %dot_general3A_17 = tpu.matmul %convert_element_type3A_12, %get3A_15, %dot_general3A_16 {dimension_numbers = #tpu.dot_dimension_numbers<[1], [1], [0], [0], [0, 0, 1, 0], [], []>, transpose_lhs_hint = false} : vector<2560x128xbf16>, vector<128x128xbf16>, vector<2560x128xf32> -> vector<2560x128xf32>
    %get3A_18 = arith.constant 0 : index
    %get3A_19 = arith.constant 0 : index
    %get3A_20 = vector.load %arg5[%get3A_18, %get3A_19] : memref<1x128xf32, #tpu.memory_space<vmem>>, vector<1x128xf32>
    %add3A_21 = vector.broadcast %get3A_20 : vector<1x128xf32> to vector<2560x128xf32>
    %add3A_22 = arith.addf %dot_general3A_17, %add3A_21 : vector<2560x128xf32>
    %max3A_23 = arith.constant 0.000000e+00 : f32
    %max3A_24 = vector.broadcast %max3A_23 : f32 to vector<2560x128xf32>
    %max3A_25 = arith.maximumf %add3A_22, %max3A_24 : vector<2560x128xf32>
    %convert_element_type3A_26 = arith.truncf %max3A_25 : vector<2560x128xf32> to vector<2560x128xbf16>
    %get3A_27 = arith.constant 0 : index
    %get3A_28 = arith.constant 0 : index
    %get3A_29 = vector.load %arg6[%get3A_27, %get3A_28] : memref<128x128xbf16, #tpu.memory_space<vmem>>, vector<128x128xbf16>
    %dot_general3A_30 = arith.constant dense<0.000000e+00> : vector<2560x128xf32>
    %dot_general3A_31 = tpu.matmul %convert_element_type3A_26, %get3A_29, %dot_general3A_30 {dimension_numbers = #tpu.dot_dimension_numbers<[1], [1], [0], [0], [0, 0, 1, 0], [], []>, transpose_lhs_hint = false} : vector<2560x128xbf16>, vector<128x128xbf16>, vector<2560x128xf32> -> vector<2560x128xf32>
    %get3A_32 = arith.constant 0 : index
    %get3A_33 = arith.constant 0 : index
    %get3A_34 = vector.load %arg7[%get3A_32, %get3A_33] : memref<1x128xf32, #tpu.memory_space<vmem>>, vector<1x128xf32>
    %add3A_35 = vector.broadcast %get3A_34 : vector<1x128xf32> to vector<2560x128xf32>
    %add3A_36 = arith.addf %dot_general3A_31, %add3A_35 : vector<2560x128xf32>
    %swap3A = arith.constant 0 : index
    %swap3A_37 = arith.constant 0 : index
    %swap3A_38 = vector.load %arg8[%swap3A, %swap3A_37] : memref<2560x128xf32, #tpu.memory_space<vmem>>, vector<2560x128xf32>
    tpu.vector_store %arg8[%swap3A, %swap3A_37], %add3A_36 {strides = array<i32>} : memref<2560x128xf32, #tpu.memory_space<vmem>>, vector<2560x128xf32>,
    return
  }
  func.func @transform_0(%arg0: i32) -> (i32, i32) {
    %c0_i32 = arith.constant 0 : i32
    %c0_i32_0 = arith.constant 0 : i32
    return %c0_i32, %arg0 : i32, i32
  }
  func.func @transform_1(%arg0: i32) -> (i32, i32) {
    %c0_i32 = arith.constant 0 : i32
    %c0_i32_0 = arith.constant 0 : i32
    %c0_i32_1 = arith.constant 0 : i32
    return %c0_i32, %c0_i32_0 : i32, i32
  }
  func.func @transform_2(%arg0: i32) -> (i32, i32) {
    %c0_i32 = arith.constant 0 : i32
    %c0_i32_0 = arith.constant 0 : i32
    %c0_i32_1 = arith.constant 0 : i32
    return %c0_i32, %c0_i32_0 : i32, i32
  }
  func.func @transform_3(%arg0: i32) -> (i32, i32) {
    %c0_i32 = arith.constant 0 : i32
    %c0_i32_0 = arith.constant 0 : i32
    %c0_i32_1 = arith.constant 0 : i32
    return %c0_i32, %c0_i32_0 : i32, i32
  }
  func.func @transform_4(%arg0: i32) -> (i32, i32) {
    %c0_i32 = arith.constant 0 : i32
    %c0_i32_0 = arith.constant 0 : i32
    %c0_i32_1 = arith.constant 0 : i32
    return %c0_i32, %c0_i32_0 : i32, i32
  }
  func.func @transform_5(%arg0: i32) -> (i32, i32) {
    %c0_i32 = arith.constant 0 : i32
    %c0_i32_0 = arith.constant 0 : i32
    %c0_i32_1 = arith.constant 0 : i32
    return %c0_i32, %c0_i32_0 : i32, i32
  }
  func.func @transform_6(%arg0: i32) -> (i32, i32) {
    %c0_i32 = arith.constant 0 : i32
    %c0_i32_0 = arith.constant 0 : i32
    %c0_i32_1 = arith.constant 0 : i32
    return %c0_i32, %c0_i32_0 : i32, i32
  }
  func.func @transform_7(%arg0: i32) -> (i32, i32) {
    %c0_i32 = arith.constant 0 : i32
    %c0_i32_0 = arith.constant 0 : i32
    return %arg0, %c0_i32 : i32, i32
  }
}

module attributes {stable_mosaic.version = 14 : i64} {
  func.func @_node_body(%arg0: i32, %arg1: memref<2x2000x128xf32, #tpu.memory_space<vmem>>, %arg2: memref<2000x128xf32, #tpu.memory_space<vmem>>, %arg3: memref<512x128xf32, #tpu.memory_space<vmem>>, %arg4: memref<1x512xf32, #tpu.memory_space<vmem>>, %arg5: memref<128x512xf32, #tpu.memory_space<vmem>>, %arg6: memref<1x128xf32, #tpu.memory_space<vmem>>, %arg7: memref<1x128xf32, #tpu.memory_space<vmem>>, %arg8: memref<1x128xf32, #tpu.memory_space<vmem>>, %arg9: memref<1x128xf32, #tpu.memory_space<vmem>>, %arg10: memref<1x128xf32, #tpu.memory_space<vmem>>, %arg11: memref<2000x128xf32, #tpu.memory_space<vmem>>) attributes {dimension_semantics = [#tpu.dimension_semantics<arbitrary>], iteration_bounds = array<i64: 5>, scalar_prefetch = 0 : i64, scratch_operands = 0 : i64, tpu.core_type = #tpu.core_type<tc>, window_params = [{transform_indices = @transform_0, window_bounds = array<i64: 2, 2000, 128>}, {transform_indices = @transform_1, window_bounds = array<i64: 2000, 128>}, {pipeline_mode = #tpu.pipeline_mode<synchronous>, transform_indices = @transform_2, window_bounds = array<i64: 512, 128>}, {pipeline_mode = #tpu.pipeline_mode<synchronous>, transform_indices = @transform_3, window_bounds = array<i64: 1, 512>}, {pipeline_mode = #tpu.pipeline_mode<synchronous>, transform_indices = @transform_4, window_bounds = array<i64: 128, 512>}, {pipeline_mode = #tpu.pipeline_mode<synchronous>, transform_indices = @transform_5, window_bounds = array<i64: 1, 128>}, {pipeline_mode = #tpu.pipeline_mode<synchronous>, transform_indices = @transform_6, window_bounds = array<i64: 1, 128>}, {pipeline_mode = #tpu.pipeline_mode<synchronous>, transform_indices = @transform_7, window_bounds = array<i64: 1, 128>}, {pipeline_mode = #tpu.pipeline_mode<synchronous>, transform_indices = @transform_8, window_bounds = array<i64: 1, 128>}, {pipeline_mode = #tpu.pipeline_mode<synchronous>, transform_indices = @transform_9, window_bounds = array<i64: 1, 128>}, {transform_indices = @transform_10, window_bounds = array<i64: 2000, 128>}]} {
    %get3A = arith.constant 0 : index
    %get3A_0 = arith.constant 0 : index
    %get3A_1 = arith.constant 0 : index
    %get3A_2 = vector.load %arg1[%get3A, %get3A_0, %get3A_1] : memref<2x2000x128xf32, #tpu.memory_space<vmem>>, vector<1x2000x128xf32>
    %get3A_3 = vector.shape_cast %get3A_2 : vector<1x2000x128xf32> to vector<2000x128xf32>
    %get3A_4 = arith.constant 1 : index
    %get3A_5 = arith.constant 0 : index
    %get3A_6 = arith.constant 0 : index
    %get3A_7 = vector.load %arg1[%get3A_4, %get3A_5, %get3A_6] : memref<2x2000x128xf32, #tpu.memory_space<vmem>>, vector<1x2000x128xf32>
    %get3A_8 = vector.shape_cast %get3A_7 : vector<1x2000x128xf32> to vector<2000x128xf32>
    %add3A = arith.addf %get3A_3, %get3A_8 : vector<2000x128xf32>
    %mul3A = arith.constant 0.0333333351 : f32
    %mul3A_9 = vector.broadcast %mul3A : f32 to vector<2000x128xf32>
    %mul3A_10 = arith.mulf %add3A, %mul3A_9 : vector<2000x128xf32>
    %get3A_11 = arith.constant 0 : index
    %get3A_12 = arith.constant 0 : index
    %get3A_13 = vector.load %arg2[%get3A_11, %get3A_12] : memref<2000x128xf32, #tpu.memory_space<vmem>>, vector<2000x128xf32>
    %add3A_14 = arith.addf %get3A_13, %mul3A_10 : vector<2000x128xf32>
    %get3A_15 = arith.constant 0 : index
    %get3A_16 = arith.constant 0 : index
    %get3A_17 = vector.load %arg7[%get3A_15, %get3A_16] : memref<1x128xf32, #tpu.memory_space<vmem>>, vector<1x128xf32>
    %get3A_18 = arith.constant 0 : index
    %get3A_19 = arith.constant 0 : index
    %get3A_20 = vector.load %arg8[%get3A_18, %get3A_19] : memref<1x128xf32, #tpu.memory_space<vmem>>, vector<1x128xf32>
    %reduce_sum3A = arith.constant dense<0.000000e+00> : vector<2000xf32>
    %reduce_sum3A_21 = vector.multi_reduction <add>, %add3A_14, %reduce_sum3A [1] : vector<2000x128xf32> to vector<2000xf32>
    %broadcast_in_dim3A = vector.shape_cast %reduce_sum3A_21 : vector<2000xf32> to vector<2000x1xf32>
    %div3A = arith.constant 1.280000e+02 : f32
    %div3A_22 = vector.broadcast %div3A : f32 to vector<2000x1xf32>
    %div3A_23 = arith.divf %broadcast_in_dim3A, %div3A_22 : vector<2000x1xf32>
    %sub3A = vector.broadcast %div3A_23 : vector<2000x1xf32> to vector<2000x128xf32>
    %sub3A_24 = arith.subf %add3A_14, %sub3A : vector<2000x128xf32>
    %mul3A_25 = arith.mulf %sub3A_24, %sub3A_24 : vector<2000x128xf32>
    %reduce_sum3A_26 = arith.constant dense<0.000000e+00> : vector<2000xf32>
    %reduce_sum3A_27 = vector.multi_reduction <add>, %mul3A_25, %reduce_sum3A_26 [1] : vector<2000x128xf32> to vector<2000xf32>
    %broadcast_in_dim3A_28 = vector.shape_cast %reduce_sum3A_27 : vector<2000xf32> to vector<2000x1xf32>
    %div3A_29 = arith.constant 1.280000e+02 : f32
    %div3A_30 = vector.broadcast %div3A_29 : f32 to vector<2000x1xf32>
    %div3A_31 = arith.divf %broadcast_in_dim3A_28, %div3A_30 : vector<2000x1xf32>
    %add3A_32 = arith.constant 9.99999974E-6 : f32
    %add3A_33 = vector.broadcast %add3A_32 : f32 to vector<2000x1xf32>
    %add3A_34 = arith.addf %div3A_31, %add3A_33 : vector<2000x1xf32>
    %rsqrt3A = math.rsqrt %add3A_34 : vector<2000x1xf32>
    %mul3A_35 = vector.broadcast %rsqrt3A : vector<2000x1xf32> to vector<2000x128xf32>
    %mul3A_36 = arith.mulf %sub3A_24, %mul3A_35 : vector<2000x128xf32>
    %mul3A_37 = vector.broadcast %get3A_17 : vector<1x128xf32> to vector<2000x128xf32>
    %mul3A_38 = arith.mulf %mul3A_36, %mul3A_37 : vector<2000x128xf32>
    %add3A_39 = vector.broadcast %get3A_20 : vector<1x128xf32> to vector<2000x128xf32>
    %add3A_40 = arith.addf %mul3A_38, %add3A_39 : vector<2000x128xf32>
    %get3A_41 = arith.constant 0 : index
    %get3A_42 = arith.constant 0 : index
    %get3A_43 = vector.load %arg3[%get3A_41, %get3A_42] : memref<512x128xf32, #tpu.memory_space<vmem>>, vector<512x128xf32>
    %dot_general3A = arith.constant dense<0.000000e+00> : vector<2000x512xf32>
    %dot_general3A_44 = tpu.matmul %add3A_40, %get3A_43, %dot_general3A {dimension_numbers = #tpu.dot_dimension_numbers<[1], [1], [0], [0], [0, 0, 1, 0], [], []>, transpose_lhs_hint = false} : vector<2000x128xf32>, vector<512x128xf32>, vector<2000x512xf32> -> vector<2000x512xf32>
    %get3A_45 = arith.constant 0 : index
    %get3A_46 = arith.constant 0 : index
    %get3A_47 = vector.load %arg4[%get3A_45, %get3A_46] : memref<1x512xf32, #tpu.memory_space<vmem>>, vector<1x512xf32>
    %add3A_48 = vector.broadcast %get3A_47 : vector<1x512xf32> to vector<2000x512xf32>
    %add3A_49 = arith.addf %dot_general3A_44, %add3A_48 : vector<2000x512xf32>
    %max3A = arith.constant 0.000000e+00 : f32
    %max3A_50 = vector.broadcast %max3A : f32 to vector<2000x512xf32>
    %max3A_51 = arith.maximumf %add3A_49, %max3A_50 : vector<2000x512xf32>
    %get3A_52 = arith.constant 0 : index
    %get3A_53 = arith.constant 0 : index
    %get3A_54 = vector.load %arg5[%get3A_52, %get3A_53] : memref<128x512xf32, #tpu.memory_space<vmem>>, vector<128x512xf32>
    %dot_general3A_55 = arith.constant dense<0.000000e+00> : vector<2000x128xf32>
    %dot_general3A_56 = tpu.matmul %max3A_51, %get3A_54, %dot_general3A_55 {dimension_numbers = #tpu.dot_dimension_numbers<[1], [1], [0], [0], [0, 0, 1, 0], [], []>, transpose_lhs_hint = false} : vector<2000x512xf32>, vector<128x512xf32>, vector<2000x128xf32> -> vector<2000x128xf32>
    %add3A_57 = arith.addf %add3A_40, %dot_general3A_56 : vector<2000x128xf32>
    %get3A_58 = arith.constant 0 : index
    %get3A_59 = arith.constant 0 : index
    %get3A_60 = vector.load %arg6[%get3A_58, %get3A_59] : memref<1x128xf32, #tpu.memory_space<vmem>>, vector<1x128xf32>
    %add3A_61 = vector.broadcast %get3A_60 : vector<1x128xf32> to vector<2000x128xf32>
    %add3A_62 = arith.addf %add3A_57, %add3A_61 : vector<2000x128xf32>
    %get3A_63 = arith.constant 0 : index
    %get3A_64 = arith.constant 0 : index
    %get3A_65 = vector.load %arg9[%get3A_63, %get3A_64] : memref<1x128xf32, #tpu.memory_space<vmem>>, vector<1x128xf32>
    %get3A_66 = arith.constant 0 : index
    %get3A_67 = arith.constant 0 : index
    %get3A_68 = vector.load %arg10[%get3A_66, %get3A_67] : memref<1x128xf32, #tpu.memory_space<vmem>>, vector<1x128xf32>
    %reduce_sum3A_69 = arith.constant dense<0.000000e+00> : vector<2000xf32>
    %reduce_sum3A_70 = vector.multi_reduction <add>, %add3A_62, %reduce_sum3A_69 [1] : vector<2000x128xf32> to vector<2000xf32>
    %broadcast_in_dim3A_71 = vector.shape_cast %reduce_sum3A_70 : vector<2000xf32> to vector<2000x1xf32>
    %div3A_72 = arith.constant 1.280000e+02 : f32
    %div3A_73 = vector.broadcast %div3A_72 : f32 to vector<2000x1xf32>
    %div3A_74 = arith.divf %broadcast_in_dim3A_71, %div3A_73 : vector<2000x1xf32>
    %sub3A_75 = vector.broadcast %div3A_74 : vector<2000x1xf32> to vector<2000x128xf32>
    %sub3A_76 = arith.subf %add3A_62, %sub3A_75 : vector<2000x128xf32>
    %mul3A_77 = arith.mulf %sub3A_76, %sub3A_76 : vector<2000x128xf32>
    %reduce_sum3A_78 = arith.constant dense<0.000000e+00> : vector<2000xf32>
    %reduce_sum3A_79 = vector.multi_reduction <add>, %mul3A_77, %reduce_sum3A_78 [1] : vector<2000x128xf32> to vector<2000xf32>
    %broadcast_in_dim3A_80 = vector.shape_cast %reduce_sum3A_79 : vector<2000xf32> to vector<2000x1xf32>
    %div3A_81 = arith.constant 1.280000e+02 : f32
    %div3A_82 = vector.broadcast %div3A_81 : f32 to vector<2000x1xf32>
    %div3A_83 = arith.divf %broadcast_in_dim3A_80, %div3A_82 : vector<2000x1xf32>
    %add3A_84 = arith.constant 9.99999974E-6 : f32
    %add3A_85 = vector.broadcast %add3A_84 : f32 to vector<2000x1xf32>
    %add3A_86 = arith.addf %div3A_83, %add3A_85 : vector<2000x1xf32>
    %rsqrt3A_87 = math.rsqrt %add3A_86 : vector<2000x1xf32>
    %mul3A_88 = vector.broadcast %rsqrt3A_87 : vector<2000x1xf32> to vector<2000x128xf32>
    %mul3A_89 = arith.mulf %sub3A_76, %mul3A_88 : vector<2000x128xf32>
    %mul3A_90 = vector.broadcast %get3A_65 : vector<1x128xf32> to vector<2000x128xf32>
    %mul3A_91 = arith.mulf %mul3A_89, %mul3A_90 : vector<2000x128xf32>
    %add3A_92 = vector.broadcast %get3A_68 : vector<1x128xf32> to vector<2000x128xf32>
    %add3A_93 = arith.addf %mul3A_91, %add3A_92 : vector<2000x128xf32>
    %swap3A = arith.constant 0 : index
    %swap3A_94 = arith.constant 0 : index
    %swap3A_95 = vector.load %arg11[%swap3A, %swap3A_94] : memref<2000x128xf32, #tpu.memory_space<vmem>>, vector<2000x128xf32>
    tpu.vector_store %arg11[%swap3A, %swap3A_94], %add3A_93 {strides = array<i32>} : memref<2000x128xf32, #tpu.memory_space<vmem>>, vector<2000x128xf32>,
    return
  }
  func.func @transform_0(%arg0: i32) -> (i32, i32, i32) {
    %c0_i32 = arith.constant 0 : i32
    %c0_i32_0 = arith.constant 0 : i32
    %c0_i32_1 = arith.constant 0 : i32
    return %c0_i32, %arg0, %c0_i32_0 : i32, i32, i32
  }
  func.func @transform_1(%arg0: i32) -> (i32, i32) {
    %c0_i32 = arith.constant 0 : i32
    %c0_i32_0 = arith.constant 0 : i32
    return %arg0, %c0_i32 : i32, i32
  }
  func.func @transform_2(%arg0: i32) -> (i32, i32) {
    %c0_i32 = arith.constant 0 : i32
    %c0_i32_0 = arith.constant 0 : i32
    %c0_i32_1 = arith.constant 0 : i32
    return %c0_i32, %c0_i32_0 : i32, i32
  }
  func.func @transform_3(%arg0: i32) -> (i32, i32) {
    %c0_i32 = arith.constant 0 : i32
    %c0_i32_0 = arith.constant 0 : i32
    %c0_i32_1 = arith.constant 0 : i32
    return %c0_i32, %c0_i32_0 : i32, i32
  }
  func.func @transform_4(%arg0: i32) -> (i32, i32) {
    %c0_i32 = arith.constant 0 : i32
    %c0_i32_0 = arith.constant 0 : i32
    %c0_i32_1 = arith.constant 0 : i32
    return %c0_i32, %c0_i32_0 : i32, i32
  }
  func.func @transform_5(%arg0: i32) -> (i32, i32) {
    %c0_i32 = arith.constant 0 : i32
    %c0_i32_0 = arith.constant 0 : i32
    %c0_i32_1 = arith.constant 0 : i32
    return %c0_i32, %c0_i32_0 : i32, i32
  }
  func.func @transform_6(%arg0: i32) -> (i32, i32) {
    %c0_i32 = arith.constant 0 : i32
    %c0_i32_0 = arith.constant 0 : i32
    %c0_i32_1 = arith.constant 0 : i32
    return %c0_i32, %c0_i32_0 : i32, i32
  }
  func.func @transform_7(%arg0: i32) -> (i32, i32) {
    %c0_i32 = arith.constant 0 : i32
    %c0_i32_0 = arith.constant 0 : i32
    %c0_i32_1 = arith.constant 0 : i32
    return %c0_i32, %c0_i32_0 : i32, i32
  }
  func.func @transform_8(%arg0: i32) -> (i32, i32) {
    %c0_i32 = arith.constant 0 : i32
    %c0_i32_0 = arith.constant 0 : i32
    %c0_i32_1 = arith.constant 0 : i32
    return %c0_i32, %c0_i32_0 : i32, i32
  }
  func.func @transform_9(%arg0: i32) -> (i32, i32) {
    %c0_i32 = arith.constant 0 : i32
    %c0_i32_0 = arith.constant 0 : i32
    %c0_i32_1 = arith.constant 0 : i32
    return %c0_i32, %c0_i32_0 : i32, i32
  }
  func.func @transform_10(%arg0: i32) -> (i32, i32) {
    %c0_i32 = arith.constant 0 : i32
    %c0_i32_0 = arith.constant 0 : i32
    return %arg0, %c0_i32 : i32, i32
  }
}

</mosaic_0001>

<sc_bundles>
// kernel: kernel.5.cloned.1.call-start
scs
__scs_entry_jumppad:
0x0: {  	(pc) =	sbr.rel $0x88, $3  }
0x1: {  	(tag) =	ssettag $0x0;
	lr =	simm.s32 $0x1  }
0x2: {  	[smem:$0x3F90] =	sst lr;
	_ =	strace $0xD0000000  }
0x3: {  	_ = 	snop  }
0x4: {  	_ = 	snop  }
0x5: {  	_ = 	snop  }
0x6: {  	_ = 	snop  }
0x7: {  	_ = 	snop  }
__scs_overlays_trampoline_lowered:
0x8: {  	[smem:$0x3F9F] =	sst s0  }
0x9: {  	[smem:$0x3FA0] =	sst s1  }
0xa: {  	[smem:$0x3FA1] =	sst s2  }
0xb: {  	[smem:$0x3FA2] =	sst s3  }
0xc: {  	[smem:$0x3FA3] =	sst s4  }
0xd: {  	[smem:$0x3FA4] =	sst s5  }
0xe: {  	[smem:$0x3FA5] =	sst s6  }
0xf: {  	[smem:$0x3FA6] =	sst s7  }
0x10: {  	[smem:$0x3FA7] =	sst s8  }
0x11: {  	[smem:$0x3FA8] =	sst s9;
	s0 =	simm.s32 @!p0 $0x0  }
0x12: {  	s1 =	sld [smem:$0x3F8E];
	s0 =	simm.s32 @p0 $0x1  }
0x13: {  	[smem:$0x3FA9] =	sst s0;
	s0 =	simm.s32 @!p1 $0x0  }
0x14: {  	s2 =	sld [smem:$0x3F8D];
	s0 =	simm.s32 @p1 $0x1  }
0x15: {  	[smem:$0x3FAA] =	sst s0;
	s0 =	simm.s32 @!p2 $0x0  }
0x16: {  	s3 =	sld [smem:$0x3FDB];
	s0 =	simm.s32 @p2 $0x1  }
0x17: {  	s4 =	simm.s32 $0x1BF5;
	[smem:$0x3FAC] =	sst s0  }
0x18: {  	s0 =	sld [smem:$0x3F8F];
	_ =	swait.ge [sflag:s4], $0x0  }
0x19: {  	s7 =	sld [smem:$0x3F90]  }
0x1a: {  	s8 =	sadd.s32 $0xFFFFE003, lr  }
0x1b: {  	s9 =	sadd.s32 $0xFFFFFEF7, lr;
	s5 =	simm.s32 $0xFFFFFFFF;
	p2 =	slt.u32 s8, $0xFFFFF086  }
0x1c: {  	p1 =	slt.u32 s9, $0xF7A;
	s5 =	simm.s32 @!p2 $0x0  }
0x1d: {  	s5 =	simm.s32 @p1 $0x1;
	p0 =	seq.s32 s7, s2  }
0x1e: {  	s7 =	smul.u32 @!p0 $0xF7A, s2;
	p2 =	seq.s32 @!p0 s5, $0x0  }
0x1f: {  	s9 =	smul.u32 $0xF7A, s1;
	s8 =	simm.s32 @!p0 $0x1BF5;
	p2 =	por !p2, p0  }
0x20: {  	[sflag:s8] =	ssyncset.s32 @!p0 $0xFFFFF086;
	s6 =	sadd.s32 @!p0 s3, s7;
	s7 =	simm.s32 @!p0 $0x108  }
0x21: {  	s3 =	sadd.s32 s3, s9;
	s6 =	sadd.s32 @!p0 $0x88, s6;
	s7 =	simm.s32 @p2 $0x1082  }
0x22: {  	[simem:s7], [sflag:s8] =	dma.local @!p0 [hbm:s6], $0xF7A  }
0x23: {  	s9 =	sor.u32 $0xD0000000, s2;
	s6 =	simm.s32 $0x108;
	_ =	swait.ge @!p0 [sflag:s8], $0x0  }
0x24: {  	s3 =	sadd.s32 $0x88, s3;
	s6 =	simm.s32 @!p1 $0x1082;
	[sflag:s4] =	ssyncset.s32 $0xFFFFF086  }
0x25: {  	[simem:s6], [sflag:s4] =	dma.local [hbm:s3], $0xF7A  }
0x26: {  	[smem:$0x3F90] =	sst s1;
	(tag) =	ssettag s2;
	_ =	strace s9  }
0x27: {  	s1 =	sld [smem:$0x3FA0]  }
0x28: {  	s2 =	sld [smem:$0x3FA1]  }
0x29: {  	s4 =	sld [smem:$0x3FA3]  }
0x2a: {  	p0 =	seq.s32 s5, $0x0;
	s5 =	sld [smem:$0x3FA4]  }
0x2b: {  	s6 =	sld [smem:$0x3FA5]  }
0x2c: {  	s7 =	sld [smem:$0x3FA6]  }
0x2d: {  	s3 =	simm.s32 $0x108;
	s8 =	sld [smem:$0x3FA7]  }
0x2e: {  	s3 =	simm.s32 @!p0 $0x1082;
	s9 =	sld [smem:$0x3FA8]  }
0x2f: {  	lr =	sadd.s32 s0, s3;
	s0 =	sld [smem:$0x3F9F]  }
0x30: {  	s3 =	sld [smem:$0x3FA2]  }
0x31: {  	[smem:$0x3FAB] =	sst s10  }
0x32: {  	s10 =	sld [smem:$0x3FA9];
	_ =	sdelay $0x3  }
0x33: {  	p0 =	seq.s32 s10, $0x1;
	s10 =	sld [smem:$0x3FAB];
	_ =	sdelay $0x3  }
0x34: {  	[smem:$0x3FAB] =	sst s10  }
0x35: {  	s10 =	sld [smem:$0x3FAA];
	_ =	sdelay $0x3  }
0x36: {  	p1 =	seq.s32 s10, $0x1;
	s10 =	sld [smem:$0x3FAB];
	_ =	sdelay $0x3  }
0x37: {  	[smem:$0x3FAB] =	sst s10  }
0x38: {  	s10 =	sld [smem:$0x3FAC]  }
0x39: {  	_ = 	snop;
	(pc) =	sbr.ind lr, $3  }
0x3a: {  	_ = 	snop  }
0x3b: {  	_ = 	snop  }
0x3c: {  	p2 =	seq.s32 s10, $0x1;
	s10 =	sld [smem:$0x3FAB]  }
0x3d: {  	_ =	shalt  }
0x3e: {  	_ =	shalt  }
0x3f: {  	_ =	shalt  }
0x40: {  	_ =	shalt  }
0x41: {  	_ =	shalt  }
0x42: {  	_ =	shalt  }
0x43: {  	_ =	shalt  }
0x44: {  	_ =	shalt  }
0x45: {  	_ =	shalt  }
0x46: {  	_ =	shalt  }
0x47: {  	_ =	shalt  }
0x48: {  	_ =	shalt  }
0x49: {  	_ =	shalt  }
0x4a: {  	_ =	shalt  }
0x4b: {  	_ =	shalt  }
0x4c: {  	_ =	shalt  }
0x4d: {  	_ =	shalt  }
0x4e: {  	_ =	shalt  }
0x4f: {  	_ =	shalt  }
0x50: {  	_ =	shalt  }
0x51: {  	_ =	shalt  }
0x52: {  	_ =	shalt  }
0x53: {  	_ =	shalt  }
0x54: {  	_ =	shalt  }
0x55: {  	_ =	shalt  }
0x56: {  	_ =	shalt  }
0x57: {  	_ =	shalt  }
0x58: {  	_ =	shalt  }
0x59: {  	_ =	shalt  }
0x5a: {  	_ =	shalt  }
0x5b: {  	_ =	shalt  }
0x5c: {  	_ =	shalt  }
0x5d: {  	_ =	shalt  }
0x5e: {  	_ =	shalt  }
0x5f: {  	_ =	shalt  }
0x60: {  	_ =	shalt  }
0x61: {  	_ =	shalt  }
0x62: {  	_ =	shalt  }
0x63: {  	_ =	shalt  }
0x64: {  	_ =	shalt  }
0x65: {  	_ =	shalt  }
0x66: {  	_ =	shalt  }
0x67: {  	_ =	shalt  }
0x68: {  	_ =	shalt  }
0x69: {  	_ =	shalt  }
0x6a: {  	_ =	shalt  }
0x6b: {  	_ =	shalt  }
0x6c: {  	_ =	shalt  }
0x6d: {  	_ =	shalt  }
0x6e: {  	_ =	shalt  }
0x6f: {  	_ =	shalt  }
0x70: {  	_ =	shalt  }
0x71: {  	_ =	shalt  }
0x72: {  	_ =	shalt  }
0x73: {  	_ =	shalt  }
0x74: {  	_ =	shalt  }
0x75: {  	_ =	shalt  }
0x76: {  	_ =	shalt  }
0x77: {  	_ =	shalt  }
0x78: {  	_ =	shalt  }
0x79: {  	_ =	shalt  }
0x7a: {  	_ =	shalt  }
0x7b: {  	_ =	shalt  }
0x7c: {  	_ =	shalt  }
0x7d: {  	_ =	shalt  }
0x7e: {  	_ =	shalt  }
0x7f: {  	_ =	shalt  }
0x80: {  	_ =	shalt  }
0x81: {  	_ =	shalt  }
0x82: {  	_ =	shalt  }
0x83: {  	_ =	shalt  }
0x84: {  	_ =	shalt  }
0x85: {  	_ =	shalt  }
0x86: {  	_ =	shalt  }
0x87: {  	_ =	shalt  }
.Lfunc_end0:
.L_simem_size_0:
called_computation_lowered:
.L_overlay_start_0:
0x88: {  	s2 =	sld [smem:$0x3FD9]  }
0x89: {  	s3 =	sld [smem:$0x3FFE];
	_ =	sdelay $0x1  }
0x8a: {  	s1 =	srdreg.scid  }
0x8b: {  	s0 =	sand.u32 $0x1, s1  }
0x8c: {  	s17 =	sshll.u32 s0, $0xA;
	s2 =	sadd.s32 s3, s2  }
0x8d: {  	s2 =	sadd.s32 s2, s17  }
0x8e: {  	[smem:$0x3FB7] =	sst s2  }
0x8f: {  	_ = 	snop  }
0x90: {  	s2 =	sld [smem:$0x3FD0];
	(tm) =	ssettm $0x1  }
0x91: {  	s18 =	sld [smem:$0x3FFB];
	_ =	sdelay $0x3  }
0x92: {  	_ =	strace s18  }
0x93: {  	s3 =	sld [smem:$0x3FFC];
	_ =	sdelay $0x3  }
0x94: {  	_ =	strace s3  }
0x95: {  	s3 =	sld [smem:$0x3FFD];
	_ =	sdelay $0x3  }
0x96: {  	_ =	strace s3  }
0x97: {  	_ =	strace $0x8FFFFFFF  }
0x98: {  	s19 =	sld [smem:$0x3FDB];
	_ =	sdelay $0x1  }
0x99: {  	s4 =	simm.s32 $_scs_section_size  }
0x9a: {  	s5 =	simm.s32 $_size__tile_overlayer_lowered;
	s6 =	simm.s32 $_tile_overlayer_lowered  }
0x9b: {  	s22 =	simm.s32 $0x1BFF;
	s21 =	sshll.u32 s6, $0x1;
	s3 =	sadd.s32 s4, s19  }
0x9c: {  	s7 =	simm.s32 $0x0;
	s20 =	sshll.u32 s5, $0x1;
	s5 =	sadd.s32 s21, s3  }
0x9d: {  	[timem:s7], [sflag:s22] =	dma.local [hbm:s5], s20  }
0x9e: {  	_ =	swait.ge [sflag:s22], s20  }
0x9f: {  	s4 =	ssub.s32 $0x0, s20;
	[sflag:s22] =	ssyncset.done $0x0  }
0xa0: {  	[sflag:s22] =	ssyncadd.s32 s4;
	_ =	sdelay $0x1  }
0xa1: {  	s23 =	simm.s32 $0x1B8B  }
0xa2: {  	_ =	swait.ge [sflag:s23], $0x1  }
0xa3: {  	[sflag:s23] =	ssyncset.done $0x0  }
0xa4: {  	s25 =	simm.s32 $0x1B8E;
	s24 =	sld [smem:$0x3FFE];
	[sflag:s23] =	ssyncadd.s32 $0xFFFFFFFF  }
0xa5: {  	s26 =	simm.s32 $execute0_lowered;
	[smem:$0x3FD2] =	sst s25  }
0xa6: {  	s5 =	sshll.u32 s26, $0x1;
	_ =	strace $0x80000046;
	[dreg:$0x1] =	wrdreg $0xFFFFFFFF  }
0xa7: {  	s28 =	simm.s32 $_size_execute0_lowered;
	s3 =	sadd.s32 s3, s5;
	[dreg:$0x0] =	wrdreg $0x0  }
0xa8: {  	s5 =	sshll.u32 s28, $0x1;
	[dreg:$0x2] =	wrdreg s3  }
0xa9: {  	[dreg:$0x3] =	wrdreg s5  }
0xaa: {  	[dreg:$0x4] =	wrdreg $0xC0  }
0xab: {  	_ =	task [dreg:s7], $0x5FFFF  }
0xac: {  	[dreg:$0x1] =	wrdreg $0xFFFFFFFF  }
0xad: {  	[dreg:$0x0] =	wrdreg $0x60  }
0xae: {  	[dreg:$0x2] =	wrdreg s24  }
0xaf: {  	[dreg:$0x3] =	wrdreg s2  }
0xb0: {  	[dreg:$0x4] =	wrdreg $0x90000  }
0xb1: {  	[dreg:$0x5] =	wrdreg $0x9  }
0xb2: {  	_ =	task.clear_ibuf [dreg:s7], $0x6FFFF;
	_ =	strace $0x90000046  }
0xb3: {  	s29 =	simm.s32 $0x9;
	_ =	strace $0x80000048  }
0xb4: {  	_ =	swait.ge [sflag:s29], $0x1  }
0xb5: {  	[sflag:s29] =	ssyncadd.s32 $0xFFFFFFFF  }
0xb6: {  	_ =	strace $0x90000048  }
0xb7: {  	_ =	sfence  }
0xb8: {  	s30 =	sld [smem:$0x0];
	_ =	sdelay $0x2  }
0xb9: {  	s31 =	sshll.u32 s1, $0xD;
	s1 =	sshrl.u32 s1, $0x2  }
0xba: {  	s3 =	sand.u32 $0x4000, s31;
	s1 =	sadd.s32 s1, s30  }
0xbb: {  	s0 =	sor.u32 s3, s0;
	s1 =	sshll.u32 s1, $0x11  }
0xbc: {  	s0 =	sor.u32 s1, s0  }
0xbd: {  	s0 =	sadd.s32 $0x8F2B, s0  }
0xbe: {  	[sflag:s0] =	ssyncadd.remote.s32 $0x1  }
0xbf: {  	_ =	sfence.sel $0xFFFF  }
0xc0: {  	[dreg:$0x0] =	wrdreg $0xFFFFFFFF;
	(pc) =	sbr.abs _section_cstart, $3  }
0xc1: {  	[dreg:$0x1] =	wrdreg $0xFFFFFFFF  }
0xc2: {  	_ =	task.clear_ibuf [dreg:s7], $0x2FFFF;
	_ =	strace $0x9FFFFFFF  }
0xc3: {  	(tm) =	ssettm $0x7FFFFFFF  }
tec
execute0_lowered:
.L_overlay_start_1:
0x0: {  	(tag) =	ssettag $0x1  }
0x1: {  	s0 =	rddreg [dreg:$0x0]  }
0x2: {  	s1 =	rddreg [dreg:$0x1]  }
0x3: {  	s2 =	rddreg [dreg:$0x2];
	s3 =	srdreg.scid  }
0x4: {  	s4 =	simm.s32 $0x0;
	s23 =	stileid.u32;
	s28 =	simm.s32 $0x8  }
0x5: {  	s29 =	simm.s32 $0x9;
	s30 =	simm.s32 $0xA;
	s3 =	sand.u32 $0x1, s3  }
0x6: {  	[smem:$0x7FF] =	sst s4;
	s7 =	sadd.s32 $0x1A00, s0;
	s14 =	smul.u32 $0x14000, s23  }
0x7: {  	s8 =	sadd.s32 $0x4E3A00, s0;
	s16 =	smul.u32 $0x27100, s23;
	s5 =	sshll.u32 s3, $0x4  }
0x8: {  	s17 =	ssub.s32 $0x2, s3;
	s22 =	smul.u32 $0x271000, s3;
	s5 =	sor.u32 s23, s5  }
0x9: {  	_ =	strace $0x80000047;
	s9 =	sshrl.u32 s17, $0x1;
	s6 =	smul.u32 $0x2710, s5  }
0xa: {  	s15 =	sadd.s32 $0x5000, s14;
	s5 =	smul.u32 $0x27100, s5;
	s0 =	ssub.s32 s17, s9  }
0xb: {  	s17 =	sadd.s32 $0x7800, s14;
	s31 =	sadd.s32 s15, s2;
	s0 =	smax.u32 s0, $0x1  }
0xc: {  	[dreg:$0x19] =	wrdreg s31;
	s10 =	sadd.s32 $0x28, s6;
	s11 =	sadd.s32 $0x50, s6  }
0xd: {  	s5 =	sadd.s32 s7, s5;
	s9 =	sadd.s32 $0xA0, s6;
	[dreg:$0x1f] =	wrdreg s0  }
0xe: {  	s18 =	sshll.u32 s10, $0x4;
	[dreg:$0x5] =	wrdreg s5;
	s20 =	sshll.u32 s11, $0x4  }
0xf: {  	s13 =	sshll.u32 s9, $0x4;
	s9 =	sshrl.u32 s9, $0x3;
	s19 =	sadd.s32 s7, s18  }
0x10: {  	s5 =	sadd.s32 s7, s20;
	s21 =	sadd.s32 s7, s13;
	s13 =	sor.u32 $0x2800, s14  }
0x11: {  	s18 =	smul.u32 $0x140000, s3;
	s20 =	sadd.s32 $0x11800, s14;
	[dreg:$0x6] =	wrdreg s19  }
0x12: {  	s3 =	smul.u32 $0x27100, s3;
	[dreg:$0x7] =	wrdreg s5;
	s5 =	sadd.s32 $0x78, s6  }
0x13: {  	[dreg:$0x9] =	wrdreg s21;
	s19 =	sadd.s32 $0xF000, s14;
	s6 =	sshrl.u32 s6, $0x3  }
0x14: {  	s12 =	sshll.u32 s5, $0x4;
	s21 =	sadd.s32 s18, s13;
	s6 =	sadd.s32 s1, s6  }
0x15: {  	s5 =	sshrl.u32 s5, $0x3;
	s12 =	sadd.s32 s7, s12;
	s7 =	sadd.s32 s22, s7  }
0x16: {  	s22 =	sadd.s32 s18, s15;
	s24 =	sshrl.u32 s21, $0x3;
	[dreg:$0x12] =	wrdreg s6  }
0x17: {  	s21 =	sadd.s32 s18, s17;
	s5 =	sadd.s32 s1, s5;
	[dreg:$0x8] =	wrdreg s12  }
0x18: {  	s12 =	sadd.s32 $0xA000, s14;
	s7 =	sadd.s32 s16, s7;
	s16 =	sadd.s32 $0xC800, s14  }
0x19: {  	s14 =	sadd.s32 s14, s18;
	s25 =	sshrl.u32 s22, $0x3;
	[dreg:$0x15] =	wrdreg s5  }
0x1a: {  	s14 =	sshrl.u32 s14, $0x3;
	s26 =	sadd.s32 s8, s25;
	[dreg:$0x4] =	wrdreg s7  }
0x1b: {  	s22 =	sadd.s32 s18, s12;
	s14 =	sadd.s32 s8, s14;
	[dreg:$0xc] =	wrdreg s26  }
0x1c: {  	s25 =	sshrl.u32 s22, $0x3;
	s22 =	sadd.s32 s18, s19;
	s19 =	sadd.s32 s19, s2  }
0x1d: {  	[dreg:$0xa] =	wrdreg s14;
	s14 =	sadd.s32 s8, s24;
	s24 =	sadd.s32 s18, s16  }
0x1e: {  	s18 =	sadd.s32 s18, s20;
	s16 =	sadd.s32 s16, s2;
	[dreg:$0x1d] =	wrdreg s19  }
0x1f: {  	[dreg:$0xb] =	wrdreg s14;
	s26 =	sshrl.u32 s24, $0x3;
	s24 =	sshrl.u32 s18, $0x3  }
0x20: {  	s18 =	sadd.s32 s13, s2;
	s13 =	sadd.s32 s17, s2;
	[dreg:$0x1c] =	wrdreg s16  }
0x21: {  	s7 =	sshrl.u32 s11, $0x3;
	s17 =	sadd.s32 s20, s2;
	[dreg:$0x1a] =	wrdreg s13  }
0x22: {  	s14 =	sshrl.u32 s21, $0x3;
	s16 =	simm.s32 $0x200;
	[dreg:$0x1e] =	wrdreg s17  }
0x23: {  	s14 =	sadd.s32 s8, s14;
	s21 =	sadd.s32 s8, s26;
	[dreg:$0x18] =	wrdreg s18  }
0x24: {  	s26 =	sshrl.u32 s10, $0x3;
	s10 =	sadd.s32 s1, s9;
	[dreg:$0xd] =	wrdreg s14  }
0x25: {  	s9 =	simm.s32 $0x1800;
	s13 =	simm.s32 $0x2C00;
	[dreg:$0xf] =	wrdreg s21  }
0x26: {  	s17 =	simm.s32 $0x5400;
	s14 =	sadd.s32 s8, s25;
	[dreg:$0x16] =	wrdreg s10  }
0x27: {  	s25 =	smul.u32 $0x2710, s23;
	s6 =	sadd.s32 s1, s26;
	[dreg:$0xe] =	wrdreg s14  }
0x28: {  	s14 =	sshrl.u32 s22, $0x3;
	[dreg:$0x13] =	wrdreg s6;
	s6 =	sadd.s32 s1, s7  }
0x29: {  	s10 =	simm.s32 $0xB;
	s14 =	sadd.s32 s8, s14;
	[dreg:$0x14] =	wrdreg s6  }
0x2a: {  	s8 =	sadd.s32 s8, s24;
	s3 =	sadd.s32 s25, s3;
	[dreg:$0x10] =	wrdreg s14  }
0x2b: {  	[dreg:$0x11] =	wrdreg s8;
	s8 =	smul.u32 $0x50000, s23;
	s14 =	sadd.s32 s12, s2  }
0x2c: {  	s15 =	sadd.s32 $0x168, s3;
	s21 =	sadd.s32 $0x140, s3;
	s22 =	sadd.s32 $0x118, s3  }
0x2d: {  	s23 =	sadd.s32 $0xF0, s3;
	s26 =	sadd.s32 $0xC8, s3;
	s12 =	simm.s32 $0x100  }
0x2e: {  	s3 =	simm.s32 $0x0;
	[dreg:$0x1b] =	wrdreg s14;
	s5 =	sshrl.u32 s15, $0x3  }
0x2f: {  	s0 =	sshrl.u32 s21, $0x3;
	s6 =	sshrl.u32 s23, $0x3;
	[smem:$0x7FD] =	sst s26  }
0x30: {  	s14 =	simm.s32 $0x180;
	s15 =	simm.s32 $0x4000;
	s21 =	simm.s32 $0x28  }
0x31: {  	s23 =	simm.s32 $0x4;
	s26 =	simm.s32 $0x7;
	s11 =	sshrl.u32 s8, $0x2  }
0x32: {  	s20 =	sadd.s32 s5, s1;
	s5 =	sshrl.u32 s22, $0x3;
	s0 =	sadd.s32 s0, s1  }
0x33: {  	s25 =	sadd.s32 s6, s1;
	s6 =	simm.s32 $0x80;
	[smem:$0x7F9] =	sst s20  }
0x34: {  	s22 =	simm.s32 $0x2;
	s8 =	sadd.s32 s11, s2;
	[smem:$0x7FA] =	sst s0  }
0x35: {  	s24 =	sadd.s32 s5, s1;
	[smem:$0x7FC] =	sst s25;
	s5 =	simm.s32 $0x400  }
0x36: {  	s20 =	simm.s32 $0x1;
	s0 =	simm.s32 $0x3;
	[smem:$0x7FB] =	sst s24  }
0x37: {  	v0 =	vimm.f32 $0.0e+00;
	s25 =	simm.s32 $0x6;
	s24 =	simm.s32 $0x5;
	[dreg:$0x17] =	wrdreg s8  }
.LBB2_1:
0x38: {  	[smem:$0x7F8] =	sst s3  }
0x39: {  	s2 =	rddreg [dreg:$0x12]  }
0x3a: {  	[tilespmem:s4], [sflag:$0x1] =	stream.linear.gather [hbm4b:s2+s4], $0x28, $0x38;
	[tilespmem:$0x1D000] =	vst v63  }
0x3b: {  	s7 =	rddreg [dreg:$0x5]  }
0x3c: {  	[tilespmem:s5], [sflag:$0x1] =	stream.linear.gather [hbm4b:s7+s4], $0x1400, $0x38;
	[tilespmem:$0x1D000] =	vst v63  }
0x3d: {  	s11 =	rddreg [dreg:$0x13]  }
0x3e: {  	[tilespmem:s6], [sflag:$0x2] =	stream.linear.gather [hbm4b:s11+s4], $0x28, $0x38;
	[tilespmem:$0x1D000] =	vst v63  }
0x3f: {  	s2 =	rddreg [dreg:$0x6]  }
0x40: {  	[tilespmem:s9], [sflag:$0x2] =	stream.linear.gather [hbm4b:s2+s4], $0x1400, $0x38;
	[tilespmem:$0x1D000] =	vst v63  }
0x41: {  	s5 =	rddreg [dreg:$0x14]  }
0x42: {  	[tilespmem:s12], [sflag:$0x3] =	stream.linear.gather [hbm4b:s5+s4], $0x28, $0x38;
	[tilespmem:$0x1D000] =	vst v63  }
0x43: {  	s6 =	rddreg [dreg:$0x7]  }
0x44: {  	[tilespmem:s13], [sflag:$0x3] =	stream.linear.gather [hbm4b:s6+s4], $0x1400, $0x38;
	[tilespmem:$0x1D000] =	vst v63  }
0x45: {  	s7 =	rddreg [dreg:$0x15]  }
0x46: {  	[tilespmem:s14], [sflag:$0x4] =	stream.linear.gather [hbm4b:s7+s4], $0x28, $0x38;
	[tilespmem:$0x1D000] =	vst v63  }
0x47: {  	s11 =	rddreg [dreg:$0x8]  }
0x48: {  	[tilespmem:s15], [sflag:$0x4] =	stream.linear.gather [hbm4b:s11+s4], $0x1400, $0x38;
	[tilespmem:$0x1D000] =	vst v63  }
0x49: {  	s2 =	rddreg [dreg:$0x16];
	s6 =	sand.u32 $0xFE00, s4  }
0x4a: {  	[tilespmem:s16], [sflag:$0x5] =	stream.linear.gather [hbm4b:s2+s4], $0x28, $0x38;
	[tilespmem:$0x1D000] =	vst v63  }
0x4b: {  	s5 =	rddreg [dreg:$0x9];
	s7 =	sand.u32 $0x70, s4;
	s11 =	sshrl.u32 s6, $0x2  }
0x4c: {  	[tilespmem:s17], [sflag:$0x5] =	stream.linear.gather [hbm4b:s5+s4], $0x1400, $0x38;
	[tilespmem:$0x1D000] =	vst v63  }
0x4d: {  	s3 =	simm.s32 $0x40;
	s6 =	sor.u32 s7, s11;
	s5 =	simm.s32 $0x0  }
.LBB2_2:
0x4e: {  	p0 =	sne.s32 s3, $0x9FC0  }
0x4f: {  	[tilespmem:s6+$0x6800] =	vst v0;
	s5 =	sadd.s32 $0x10, s5;
	s6 =	smov.u32 s3;
	s3 =	sadd.s32 $0x40, s3  }
.Ltmp0:
0x50: {  	(pc) =	sbr.rel @p0 .LBB2_2-.Ltmp0, $4  }
0x51: {  	_ = 	snop  }
0x52: {  	s6 =	sand.u32 $0xFE00, s6  }
0x53: {  	s7 =	sand.u32 $0x70, s5;
	s6 =	sshrl.u32 s6, $0x2  }
0x54: {  	s6 =	sor.u32 s7, s6  }
0x55: {  	[tilespmem:s6+$0x6800] =	vst v0;
	s5 =	simm.s32 $0x6800  }
0x56: {  	[spmem:s8] =	stream.linear.scatter [tilespmem:s5], [sflag:$0xB], $0x2800, $0x38;
	[tilespmem:$0x1D000] =	vst v63  }
0x57: {  	_ =	swait.ge [sflag:s10], $0x2800  }
0x58: {  	[sflag:s10] =	ssyncset.done $0x0  }
0x59: {  	[sflag:s10] =	ssyncadd.s32 $0xFFFFD800  }
0x5a: {  	[spmem:s18] =	stream.linear.scatter [tilespmem:s5], [sflag:$0xB], $0x2800, $0x38;
	[tilespmem:$0x1D000] =	vst v63  }
0x5b: {  	_ =	swait.ge [sflag:s10], $0x2800  }
0x5c: {  	[sflag:s10] =	ssyncset.done $0x0  }
0x5d: {  	[sflag:s10] =	ssyncadd.s32 $0xFFFFD800  }
0x5e: {  	[spmem:s31] =	stream.linear.scatter [tilespmem:s5], [sflag:$0xB], $0x2800, $0x38;
	[tilespmem:$0x1D000] =	vst v63  }
0x5f: {  	_ =	swait.ge [sflag:s10], $0x2800  }
0x60: {  	[sflag:s10] =	ssyncset.done $0x0  }
0x61: {  	s3 =	rddreg [dreg:$0x1a];
	[sflag:s10] =	ssyncadd.s32 $0xFFFFD800  }
0x62: {  	[spmem:s3] =	stream.linear.scatter [tilespmem:s5], [sflag:$0xB], $0x2800, $0x38;
	[tilespmem:$0x1D000] =	vst v63  }
0x63: {  	_ =	swait.ge [sflag:s10], $0x2800  }
0x64: {  	[sflag:s10] =	ssyncset.done $0x0  }
0x65: {  	s18 =	rddreg [dreg:$0x1b];
	[sflag:s10] =	ssyncadd.s32 $0xFFFFD800  }
0x66: {  	[spmem:s18] =	stream.linear.scatter [tilespmem:s5], [sflag:$0xB], $0x2800, $0x38;
	[tilespmem:$0x1D000] =	vst v63  }
0x67: {  	_ =	swait.ge [sflag:s10], $0x2800  }
0x68: {  	[sflag:s10] =	ssyncset.done $0x0  }
0x69: {  	s2 =	rddreg [dreg:$0x1c];
	[sflag:s10] =	ssyncadd.s32 $0xFFFFD800  }
0x6a: {  	[spmem:s2] =	stream.linear.scatter [tilespmem:s5], [sflag:$0xB], $0x2800, $0x38;
	[tilespmem:$0x1D000] =	vst v63  }
0x6b: {  	_ =	swait.ge [sflag:s10], $0x2800  }
0x6c: {  	[sflag:s10] =	ssyncset.done $0x0  }
0x6d: {  	[sflag:s10] =	ssyncadd.s32 $0xFFFFD800  }
0x6e: {  	[spmem:s19] =	stream.linear.scatter [tilespmem:s5], [sflag:$0xB], $0x2800, $0x38;
	[tilespmem:$0x1D000] =	vst v63  }
0x6f: {  	_ =	swait.ge [sflag:s10], $0x2800  }
0x70: {  	[sflag:s10] =	ssyncset.done $0x0  }
0x71: {  	s6 =	rddreg [dreg:$0x1e];
	[sflag:s10] =	ssyncadd.s32 $0xFFFFD800  }
0x72: {  	[spmem:s6] =	stream.linear.scatter [tilespmem:s5], [sflag:$0xB], $0x2800, $0x38;
	[tilespmem:$0x1D000] =	vst v63  }
0x73: {  	_ =	swait.ge [sflag:s10], $0x2800  }
0x74: {  	[sflag:s10] =	ssyncset.done $0x0  }
0x75: {  	[sflag:s10] =	ssyncadd.s32 $0xFFFFD800  }
0x76: {  	[bflag:$0x0] =	sbarrier.arrive $0xFFFF  }
0x77: {  	_ =	swait.ge [sflag:s20], $0x28  }
0x78: {  	[sflag:s20] =	ssyncset.done $0x0  }
0x79: {  	[sflag:s20] =	ssyncadd.s32 $0xFFFFFFD8  }
0x7a: {  	_ =	swait.ge [sflag:s20], $0x1400  }
0x7b: {  	[sflag:s20] =	ssyncset.done $0x0  }
0x7c: {  	[sflag:s20] =	ssyncadd.s32 $0xFFFFEC00  }
0x7d: {  	s7 =	simm.s32 $0x400;
	s19 =	rddreg [dreg:$0x2]  }
0x7e: {  	[spmem:s19] =	stream.indirect.scatter.add.f32 [tilespmem:s7], [sflag:$0x6], $0x80, s4, s21, $0xb8;
	[tilespmem:$0x1D000] =	vst v63  }
0x7f: {  	_ =	swait.ge [sflag:s22], $0x28  }
0x80: {  	[sflag:s22] =	ssyncset.done $0x0  }
0x81: {  	[sflag:s22] =	ssyncadd.s32 $0xFFFFFFD8  }
0x82: {  	_ =	swait.ge [sflag:s22], $0x1400  }
0x83: {  	[sflag:s22] =	ssyncset.done $0x0  }
0x84: {  	s2 =	simm.s32 $0x80;
	[sflag:s22] =	ssyncadd.s32 $0xFFFFEC00  }
0x85: {  	[spmem:s19] =	stream.indirect.scatter.add.f32 [tilespmem:s9], [sflag:$0x7], $0x80, s2, s21, $0xb8;
	[tilespmem:$0x1D000] =	vst v63  }
0x86: {  	_ =	swait.ge [sflag:s0], $0x28  }
0x87: {  	[sflag:s0] =	ssyncset.done $0x0  }
0x88: {  	[sflag:s0] =	ssyncadd.s32 $0xFFFFFFD8  }
0x89: {  	_ =	swait.ge [sflag:s0], $0x1400  }
0x8a: {  	[sflag:s0] =	ssyncset.done $0x0  }
0x8b: {  	[sflag:s0] =	ssyncadd.s32 $0xFFFFEC00  }
0x8c: {  	[spmem:s19] =	stream.indirect.scatter.add.f32 [tilespmem:s13], [sflag:$0x8], $0x80, s12, s21, $0xb8;
	[tilespmem:$0x1D000] =	vst v63  }
0x8d: {  	_ =	swait.ge [sflag:s23], $0x28  }
0x8e: {  	[sflag:s23] =	ssyncset.done $0x0  }
0x8f: {  	[sflag:s23] =	ssyncadd.s32 $0xFFFFFFD8  }
0x90: {  	_ =	swait.ge [sflag:s23], $0x1400  }
0x91: {  	[sflag:s23] =	ssyncset.done $0x0  }
0x92: {  	[sflag:s23] =	ssyncadd.s32 $0xFFFFEC00  }
0x93: {  	[spmem:s19] =	stream.indirect.scatter.add.f32 [tilespmem:s15], [sflag:$0x9], $0x80, s14, s21, $0xb8;
	[tilespmem:$0x1D000] =	vst v63  }
0x94: {  	_ =	swait.ge [sflag:s24], $0x28  }
0x95: {  	[sflag:s24] =	ssyncset.done $0x0  }
0x96: {  	[sflag:s24] =	ssyncadd.s32 $0xFFFFFFD8  }
0x97: {  	_ =	swait.ge [sflag:s24], $0x1400  }
0x98: {  	[sflag:s24] =	ssyncset.done $0x0  }
0x99: {  	[sflag:s24] =	ssyncadd.s32 $0xFFFFEC00  }
0x9a: {  	[spmem:s19] =	stream.indirect.scatter.add.f32 [tilespmem:s17], [sflag:$0xA], $0x80, s16, s21, $0xb8;
	[tilespmem:$0x1D000] =	vst v63  }
0x9b: {  	_ =	swait.ge [sflag:s25], $0x1400  }
0x9c: {  	s31 =	sld [smem:$0x7FD];
	_ =	sdelay $0x2  }
0x9d: {  	[sflag:s25] =	ssyncset.done $0x0;
	s11 =	rddreg [dreg:$0x4];
	s10 =	sshrl.u32 s31, $0x3  }
0x9e: {  	[sflag:s25] =	ssyncadd.s32 $0xFFFFEC00;
	s8 =	sadd.s32 $0x0, s11;
	s3 =	sadd.s32 s1, s10  }
0x9f: {  	[tilespmem:s4], [sflag:$0x1] =	stream.linear.gather [hbm4b:s3+s4], $0x28, $0x38;
	[tilespmem:$0x1D000] =	vst v63  }
0xa0: {  	s16 =	sadd.s32 $0xC80, s8  }
0xa1: {  	[tilespmem:s7], [sflag:$0x1] =	stream.linear.gather [hbm4b:s16+s4], $0x1400, $0x38;
	[tilespmem:$0x1D000] =	vst v63  }
0xa2: {  	_ =	swait.ge [sflag:s26], $0x1400  }
0xa3: {  	s7 =	sld [smem:$0x7FC]  }
0xa4: {  	[sflag:s26] =	ssyncset.done $0x0  }
0xa5: {  	[sflag:s26] =	ssyncadd.s32 $0xFFFFEC00  }
0xa6: {  	[tilespmem:s2], [sflag:$0x2] =	stream.linear.gather [hbm4b:s7+s4], $0x28, $0x38;
	[tilespmem:$0x1D000] =	vst v63  }
0xa7: {  	s17 =	sadd.s32 $0xF00, s8  }
0xa8: {  	[tilespmem:s9], [sflag:$0x2] =	stream.linear.gather [hbm4b:s17+s4], $0x1400, $0x38;
	[tilespmem:$0x1D000] =	vst v63  }
0xa9: {  	_ =	swait.ge [sflag:s28], $0x1400  }
0xaa: {  	s18 =	sld [smem:$0x7FB]  }
0xab: {  	[sflag:s28] =	ssyncset.done $0x0  }
0xac: {  	[sflag:s28] =	ssyncadd.s32 $0xFFFFEC00  }
0xad: {  	[tilespmem:s12], [sflag:$0x3] =	stream.linear.gather [hbm4b:s18+s4], $0x28, $0x38;
	[tilespmem:$0x1D000] =	vst v63  }
0xae: {  	s1 =	sadd.s32 $0x1180, s8  }
0xaf: {  	[tilespmem:s13], [sflag:$0x3] =	stream.linear.gather [hbm4b:s1+s4], $0x1400, $0x38;
	[tilespmem:$0x1D000] =	vst v63  }
0xb0: {  	_ =	swait.ge [sflag:s29], $0x1400  }
0xb1: {  	s25 =	simm.s32 $0x5400;
	s5 =	sadd.s32 $0xC8, s31;
	s2 =	sld [smem:$0x7FA]  }
0xb2: {  	s31 =	sadd.s32 $0x1680, s8;
	s10 =	sadd.s32 $0x1400, s8;
	[sflag:s29] =	ssyncset.done $0x0  }
0xb3: {  	s3 =	simm.s32 $0xC80;
	s16 =	simm.s32 $0x4000;
	[sflag:s29] =	ssyncadd.s32 $0xFFFFEC00  }
0xb4: {  	[tilespmem:s14], [sflag:$0x4] =	stream.linear.gather [hbm4b:s2+s4], $0x28, $0x38;
	[tilespmem:$0x1D000] =	vst v63  }
0xb5: {  	s26 =	simm.s32 $0x6;
	s7 =	sadd.s32 $0x19, s7;
	s9 =	simm.s32 $0xA  }
0xb6: {  	[tilespmem:s15], [sflag:$0x4] =	stream.linear.gather [hbm4b:s10+s4], $0x1400, $0x38;
	[tilespmem:$0x1D000] =	vst v63  }
0xb7: {  	s17 =	simm.s32 $0x200;
	s28 =	simm.s32 $0x7;
	_ =	swait.ge [sflag:s30], $0x1400  }
0xb8: {  	s12 =	simm.s32 $0x1800;
	s6 =	sadd.s32 $0x19, s18;
	s11 =	sld [smem:$0x7F9]  }
0xb9: {  	s13 =	simm.s32 $0x100;
	s29 =	simm.s32 $0x8;
	[sflag:s30] =	ssyncset.done $0x0  }
0xba: {  	s14 =	simm.s32 $0x2C00;
	s18 =	sadd.s32 $0x19, s2;
	[sflag:s30] =	ssyncadd.s32 $0xFFFFEC00  }
0xbb: {  	[tilespmem:s17], [sflag:$0x5] =	stream.linear.gather [hbm4b:s11+s4], $0x28, $0x38;
	[tilespmem:$0x1D000] =	vst v63  }
0xbc: {  	s15 =	simm.s32 $0x180;
	s30 =	simm.s32 $0x9;
	s8 =	sadd.s32 $0x19, s11  }
.LBB2_4:
0xbd: {  	[tilespmem:s25], [sflag:$0x5] =	stream.linear.gather [hbm4b:s31+s4], $0x1400, $0x38;
	[tilespmem:$0x1D000] =	vst v63  }
0xbe: {  	_ =	swait.ge [sflag:s20], $0x28  }
0xbf: {  	[sflag:s20] =	ssyncset.done $0x0  }
0xc0: {  	[sflag:s20] =	ssyncadd.s32 $0xFFFFFFD8  }
0xc1: {  	_ =	swait.ge [sflag:s20], $0x1400  }
0xc2: {  	[sflag:s20] =	ssyncset.done $0x0  }
0xc3: {  	s11 =	simm.s32 $0x400;
	[sflag:s20] =	ssyncadd.s32 $0xFFFFEC00  }
0xc4: {  	[spmem:s19] =	stream.indirect.scatter.add.f32 [tilespmem:s11], [sflag:$0x6], $0x80, s4, s21, $0xb8;
	[tilespmem:$0x1D000] =	vst v63  }
0xc5: {  	_ =	swait.ge [sflag:s22], $0x28  }
0xc6: {  	[sflag:s22] =	ssyncset.done $0x0  }
0xc7: {  	[sflag:s22] =	ssyncadd.s32 $0xFFFFFFD8  }
0xc8: {  	_ =	swait.ge [sflag:s22], $0x1400  }
0xc9: {  	[sflag:s22] =	ssyncset.done $0x0  }
0xca: {  	s2 =	simm.s32 $0x80;
	[sflag:s22] =	ssyncadd.s32 $0xFFFFEC00  }
0xcb: {  	[spmem:s19] =	stream.indirect.scatter.add.f32 [tilespmem:s12], [sflag:$0x7], $0x80, s2, s21, $0xb8;
	[tilespmem:$0x1D000] =	vst v63  }
0xcc: {  	_ =	swait.ge [sflag:s0], $0x28  }
0xcd: {  	[sflag:s0] =	ssyncset.done $0x0  }
0xce: {  	[sflag:s0] =	ssyncadd.s32 $0xFFFFFFD8  }
0xcf: {  	_ =	swait.ge [sflag:s0], $0x1400  }
0xd0: {  	[sflag:s0] =	ssyncset.done $0x0  }
0xd1: {  	[sflag:s0] =	ssyncadd.s32 $0xFFFFEC00  }
0xd2: {  	[spmem:s19] =	stream.indirect.scatter.add.f32 [tilespmem:s14], [sflag:$0x8], $0x80, s13, s21, $0xb8;
	[tilespmem:$0x1D000] =	vst v63  }
0xd3: {  	_ =	swait.ge [sflag:s23], $0x28  }
0xd4: {  	[sflag:s23] =	ssyncset.done $0x0  }
0xd5: {  	[sflag:s23] =	ssyncadd.s32 $0xFFFFFFD8  }
0xd6: {  	_ =	swait.ge [sflag:s23], $0x1400  }
0xd7: {  	[sflag:s23] =	ssyncset.done $0x0  }
0xd8: {  	[sflag:s23] =	ssyncadd.s32 $0xFFFFEC00  }
0xd9: {  	[spmem:s19] =	stream.indirect.scatter.add.f32 [tilespmem:s16], [sflag:$0x9], $0x80, s15, s21, $0xb8;
	[tilespmem:$0x1D000] =	vst v63  }
0xda: {  	_ =	swait.ge [sflag:s24], $0x28  }
0xdb: {  	[sflag:s24] =	ssyncset.done $0x0  }
0xdc: {  	[sflag:s24] =	ssyncadd.s32 $0xFFFFFFD8  }
0xdd: {  	_ =	swait.ge [sflag:s24], $0x1400  }
0xde: {  	[sflag:s24] =	ssyncset.done $0x0  }
0xdf: {  	[sflag:s24] =	ssyncadd.s32 $0xFFFFEC00  }
0xe0: {  	[spmem:s19] =	stream.indirect.scatter.add.f32 [tilespmem:s25], [sflag:$0xA], $0x80, s17, s21, $0xb8;
	[tilespmem:$0x1D000] =	vst v63  }
0xe1: {  	_ =	swait.ge [sflag:s26], $0x1400  }
0xe2: {  	[sflag:s26] =	ssyncset.done $0x0  }
0xe3: {  	s1 =	rddreg [dreg:$0x4];
	[sflag:s26] =	ssyncadd.s32 $0xFFFFEC00  }
0xe4: {  	s31 =	smov.u32 s3;
	s19 =	sshrl.u32 s5, $0x3;
	s10 =	rddreg [dreg:$0x1]  }
0xe5: {  	s1 =	sadd.s32 s31, s1;
	s19 =	sadd.s32 s10, s19  }
0xe6: {  	[tilespmem:s4], [sflag:$0x1] =	stream.linear.gather [hbm4b:s19+s4], $0x28, $0x38;
	[tilespmem:$0x1D000] =	vst v63  }
0xe7: {  	s19 =	sadd.s32 $0xC80, s1  }
0xe8: {  	[tilespmem:s11], [sflag:$0x1] =	stream.linear.gather [hbm4b:s19+s4], $0x1400, $0x38;
	[tilespmem:$0x1D000] =	vst v63  }
0xe9: {  	_ =	swait.ge [sflag:s28], $0x1400  }
0xea: {  	[sflag:s28] =	ssyncset.done $0x0  }
0xeb: {  	[sflag:s28] =	ssyncadd.s32 $0xFFFFEC00  }
0xec: {  	[tilespmem:s2], [sflag:$0x2] =	stream.linear.gather [hbm4b:s7+s4], $0x28, $0x38;
	[tilespmem:$0x1D000] =	vst v63  }
0xed: {  	s2 =	sadd.s32 $0xF00, s1  }
0xee: {  	[tilespmem:s12], [sflag:$0x2] =	stream.linear.gather [hbm4b:s2+s4], $0x1400, $0x38;
	[tilespmem:$0x1D000] =	vst v63  }
0xef: {  	_ =	swait.ge [sflag:s29], $0x1400  }
0xf0: {  	[sflag:s29] =	ssyncset.done $0x0  }
0xf1: {  	[sflag:s29] =	ssyncadd.s32 $0xFFFFEC00  }
0xf2: {  	[tilespmem:s13], [sflag:$0x3] =	stream.linear.gather [hbm4b:s6+s4], $0x28, $0x38;
	[tilespmem:$0x1D000] =	vst v63  }
0xf3: {  	s2 =	sadd.s32 $0x1180, s1  }
0xf4: {  	[tilespmem:s14], [sflag:$0x3] =	stream.linear.gather [hbm4b:s2+s4], $0x1400, $0x38;
	[tilespmem:$0x1D000] =	vst v63  }
0xf5: {  	_ =	swait.ge [sflag:s30], $0x1400  }
0xf6: {  	[sflag:s30] =	ssyncset.done $0x0  }
0xf7: {  	p0 =	sne.s32 s3, $0x25800;
	[sflag:s30] =	ssyncadd.s32 $0xFFFFEC00  }
0xf8: {  	[tilespmem:s15], [sflag:$0x4] =	stream.linear.gather [hbm4b:s18+s4], $0x28, $0x38;
	[tilespmem:$0x1D000] =	vst v63  }
0xf9: {  	s3 =	sadd.s32 $0xC80, s3;
	s5 =	sadd.s32 $0xC8, s5;
	s2 =	sadd.s32 $0x1400, s1  }
0xfa: {  	[tilespmem:s16], [sflag:$0x4] =	stream.linear.gather [hbm4b:s2+s4], $0x1400, $0x38;
	[tilespmem:$0x1D000] =	vst v63  }
.Ltmp1:
0xfb: {  	s19 =	rddreg [dreg:$0x2];
	_ =	swait.ge [sflag:s9], $0x1400;
	(pc) =	sbr.rel @p0 .LBB2_4-.Ltmp1, $4  }
0xfc: {  	s31 =	sadd.s32 $0x1680, s1;
	s10 =	simm.s32 $0x400;
	[sflag:s9] =	ssyncset.done $0x0  }
0xfd: {  	s11 =	simm.s32 $0x80;
	s7 =	sadd.s32 $0x19, s7;
	[sflag:s9] =	ssyncadd.s32 $0xFFFFEC00  }
0xfe: {  	[tilespmem:s17], [sflag:$0x5] =	stream.linear.gather [hbm4b:s8+s4], $0x28, $0x38;
	[tilespmem:$0x1D000] =	vst v63  }
0xff: {  	s6 =	sadd.s32 $0x19, s6;
	s18 =	sadd.s32 $0x19, s18;
	s8 =	sadd.s32 $0x19, s8  }
0x100: {  	[tilespmem:s25], [sflag:$0x5] =	stream.linear.gather [hbm4b:s31+s4], $0x1400, $0x38;
	[tilespmem:$0x1D000] =	vst v63  }
0x101: {  	_ =	swait.ge [sflag:s20], $0x28  }
0x102: {  	[sflag:s20] =	ssyncset.done $0x0  }
0x103: {  	[sflag:s20] =	ssyncadd.s32 $0xFFFFFFD8  }
0x104: {  	_ =	swait.ge [sflag:s20], $0x1400  }
0x105: {  	[sflag:s20] =	ssyncset.done $0x0  }
0x106: {  	[sflag:s20] =	ssyncadd.s32 $0xFFFFEC00  }
0x107: {  	[spmem:s19] =	stream.indirect.scatter.add.f32 [tilespmem:s10], [sflag:$0x6], $0x80, s4, s21, $0xb8;
	[tilespmem:$0x1D000] =	vst v63  }
0x108: {  	_ =	swait.ge [sflag:s22], $0x28  }
0x109: {  	[sflag:s22] =	ssyncset.done $0x0  }
0x10a: {  	[sflag:s22] =	ssyncadd.s32 $0xFFFFFFD8  }
0x10b: {  	_ =	swait.ge [sflag:s22], $0x1400  }
0x10c: {  	[sflag:s22] =	ssyncset.done $0x0  }
0x10d: {  	[sflag:s22] =	ssyncadd.s32 $0xFFFFEC00  }
0x10e: {  	[spmem:s19] =	stream.indirect.scatter.add.f32 [tilespmem:s12], [sflag:$0x7], $0x80, s11, s21, $0xb8;
	[tilespmem:$0x1D000] =	vst v63  }
0x10f: {  	_ =	swait.ge [sflag:s0], $0x28  }
0x110: {  	[sflag:s0] =	ssyncset.done $0x0  }
0x111: {  	[sflag:s0] =	ssyncadd.s32 $0xFFFFFFD8  }
0x112: {  	_ =	swait.ge [sflag:s0], $0x1400  }
0x113: {  	[sflag:s0] =	ssyncset.done $0x0  }
0x114: {  	[sflag:s0] =	ssyncadd.s32 $0xFFFFEC00  }
0x115: {  	[spmem:s19] =	stream.indirect.scatter.add.f32 [tilespmem:s14], [sflag:$0x8], $0x80, s13, s21, $0xb8;
	[tilespmem:$0x1D000] =	vst v63  }
0x116: {  	_ =	swait.ge [sflag:s23], $0x28  }
0x117: {  	[sflag:s23] =	ssyncset.done $0x0  }
0x118: {  	[sflag:s23] =	ssyncadd.s32 $0xFFFFFFD8  }
0x119: {  	_ =	swait.ge [sflag:s23], $0x1400  }
0x11a: {  	[sflag:s23] =	ssyncset.done $0x0  }
0x11b: {  	[sflag:s23] =	ssyncadd.s32 $0xFFFFEC00  }
0x11c: {  	[spmem:s19] =	stream.indirect.scatter.add.f32 [tilespmem:s16], [sflag:$0x9], $0x80, s15, s21, $0xb8;
	[tilespmem:$0x1D000] =	vst v63  }
0x11d: {  	_ =	swait.ge [sflag:s24], $0x28  }
0x11e: {  	[sflag:s24] =	ssyncset.done $0x0  }
0x11f: {  	[sflag:s24] =	ssyncadd.s32 $0xFFFFFFD8  }
0x120: {  	_ =	swait.ge [sflag:s24], $0x1400  }
0x121: {  	[sflag:s24] =	ssyncset.done $0x0  }
0x122: {  	[sflag:s24] =	ssyncadd.s32 $0xFFFFEC00  }
0x123: {  	[spmem:s19] =	stream.indirect.scatter.add.f32 [tilespmem:s25], [sflag:$0xA], $0x80, s17, s21, $0xb8;
	[tilespmem:$0x1D000] =	vst v63  }
0x124: {  	_ =	swait.ge [sflag:s26], $0x1400  }
0x125: {  	[sflag:s26] =	ssyncset.done $0x0  }
0x126: {  	[sflag:s26] =	ssyncadd.s32 $0xFFFFEC00  }
0x127: {  	_ =	swait.ge [sflag:s28], $0x1400  }
0x128: {  	[sflag:s28] =	ssyncset.done $0x0  }
0x129: {  	[sflag:s28] =	ssyncadd.s32 $0xFFFFEC00  }
0x12a: {  	_ =	swait.ge [sflag:s29], $0x1400  }
0x12b: {  	[sflag:s29] =	ssyncset.done $0x0  }
0x12c: {  	[sflag:s29] =	ssyncadd.s32 $0xFFFFEC00  }
0x12d: {  	_ =	swait.ge [sflag:s30], $0x1400  }
0x12e: {  	[sflag:s30] =	ssyncset.done $0x0  }
0x12f: {  	[sflag:s30] =	ssyncadd.s32 $0xFFFFEC00  }
0x130: {  	_ =	swait.ge [sflag:s9], $0x1400  }
0x131: {  	[sflag:s9] =	ssyncset.done $0x0  }
0x132: {  	s1 =	stileid.u32;
	[sflag:s9] =	ssyncadd.s32 $0xFFFFEC00  }
0x133: {  	s1 =	sshll.u32 s1, $0x6;
	[bflag:$0x0] =	sbarrier.arrive $0xFFFF  }
0x134: {  	s1 =	sor.u32 $0x1C0B, s1;
	s8 =	rddreg [dreg:$0x17]  }
0x135: {  	s10 =	simm.s32 $0xB;
	s5 =	rddreg [dreg:$0xa];
	s3 =	sshrl.u32 s8, $0x3  }
0x136: {  	[hbm:s5], [sflag:s1] =	dma.local [spmem:s3], $0x500  }
0x137: {  	_ =	swait.ge [sflag:s10], $0x500  }
0x138: {  	[sflag:s10] =	ssyncset.done $0x0;
	s18 =	rddreg [dreg:$0x18]  }
0x139: {  	s25 =	rddreg [dreg:$0xb];
	[sflag:s10] =	ssyncadd.s32 $0xFFFFFB00;
	s19 =	sshrl.u32 s18, $0x3  }
0x13a: {  	[hbm:s25], [sflag:s1] =	dma.local [spmem:s19], $0x500  }
0x13b: {  	_ =	swait.ge [sflag:s10], $0x500  }
0x13c: {  	[sflag:s10] =	ssyncset.done $0x0;
	s31 =	rddreg [dreg:$0x19]  }
0x13d: {  	s2 =	rddreg [dreg:$0xc];
	[sflag:s10] =	ssyncadd.s32 $0xFFFFFB00;
	s26 =	sshrl.u32 s31, $0x3  }
0x13e: {  	[hbm:s2], [sflag:s1] =	dma.local [spmem:s26], $0x500  }
0x13f: {  	_ =	swait.ge [sflag:s10], $0x500  }
0x140: {  	[sflag:s10] =	ssyncset.done $0x0;
	s6 =	rddreg [dreg:$0x1a]  }
0x141: {  	s7 =	rddreg [dreg:$0xd];
	[sflag:s10] =	ssyncadd.s32 $0xFFFFFB00;
	s3 =	sshrl.u32 s6, $0x3  }
0x142: {  	[hbm:s7], [sflag:s1] =	dma.local [spmem:s3], $0x500  }
0x143: {  	_ =	swait.ge [sflag:s10], $0x500  }
0x144: {  	[sflag:s10] =	ssyncset.done $0x0;
	s9 =	rddreg [dreg:$0x1b]  }
0x145: {  	s11 =	rddreg [dreg:$0xe];
	[sflag:s10] =	ssyncadd.s32 $0xFFFFFB00;
	s3 =	sshrl.u32 s9, $0x3  }
0x146: {  	[hbm:s11], [sflag:s1] =	dma.local [spmem:s3], $0x500  }
0x147: {  	_ =	swait.ge [sflag:s10], $0x500  }
0x148: {  	[sflag:s10] =	ssyncset.done $0x0;
	s12 =	rddreg [dreg:$0x1c]  }
0x149: {  	s13 =	rddreg [dreg:$0xf];
	[sflag:s10] =	ssyncadd.s32 $0xFFFFFB00;
	s3 =	sshrl.u32 s12, $0x3  }
0x14a: {  	[hbm:s13], [sflag:s1] =	dma.local [spmem:s3], $0x500  }
0x14b: {  	_ =	swait.ge [sflag:s10], $0x500  }
0x14c: {  	[sflag:s10] =	ssyncset.done $0x0;
	s19 =	rddreg [dreg:$0x1d]  }
0x14d: {  	s15 =	rddreg [dreg:$0x10];
	[sflag:s10] =	ssyncadd.s32 $0xFFFFFB00;
	s14 =	sshrl.u32 s19, $0x3  }
0x14e: {  	[hbm:s15], [sflag:s1] =	dma.local [spmem:s14], $0x500  }
0x14f: {  	_ =	swait.ge [sflag:s10], $0x500  }
0x150: {  	[sflag:s10] =	ssyncset.done $0x0;
	s16 =	rddreg [dreg:$0x1e]  }
0x151: {  	s17 =	rddreg [dreg:$0x11];
	[sflag:s10] =	ssyncadd.s32 $0xFFFFFB00;
	s3 =	sshrl.u32 s16, $0x3  }
0x152: {  	[hbm:s17], [sflag:s1] =	dma.local [spmem:s3], $0x500  }
0x153: {  	_ =	swait.ge [sflag:s10], $0x500  }
0x154: {  	s25 =	sld [smem:$0x7F8];
	_ =	sdelay $0x2  }
0x155: {  	s28 =	simm.s32 $0x8;
	s26 =	rddreg [dreg:$0x1f];
	s3 =	sadd.s32 $0x1, s25  }
0x156: {  	s29 =	simm.s32 $0x9;
	s30 =	simm.s32 $0xA;
	p0 =	sne.s32 s3, s26  }
.Ltmp2:
0x157: {  	s5 =	simm.s32 $0x400;
	s6 =	simm.s32 $0x80;
	(pc) =	sbr.rel @p0 .LBB2_1-.Ltmp2, $4  }
0x158: {  	s9 =	simm.s32 $0x1800;
	s12 =	simm.s32 $0x100;
	s13 =	simm.s32 $0x2C00  }
0x159: {  	s14 =	simm.s32 $0x180;
	s15 =	simm.s32 $0x4000;
	[sflag:s10] =	ssyncset.done $0x0  }
0x15a: {  	s16 =	simm.s32 $0x200;
	s17 =	simm.s32 $0x5400;
	[sflag:s10] =	ssyncadd.s32 $0xFFFFFB00  }
0x15b: {  	s1 =	rddreg [dreg:$0x1];
	s25 =	simm.s32 $0x6;
	s26 =	simm.s32 $0x7  }
0x15c: {  	_ =	sfence.sel $0x180000  }
0x15d: {  	[bflag:$0x0] =	sbarrier.arrive $0xFFFF  }
0x15e: {  	_ =	strace $0x90000047  }
0x15f: {  	s0 =	stileid.u32;
	[bflag:$0x2] =	sbarrier.arrive $0xFFFF  }
0x160: {  	p0 =	sne.s32 s0, $0x0;
	s0 =	rddreg [dreg:$0x3]  }
0x161: {  	s0 =	sadd.s32 @!p0 $0x100000, s0  }
0x162: {  	[sflag:s0] =	ssyncadd.tile.s32 @!p0 $0x1;
	_ =	shalt  }
.Lfunc_end2:
_tile_overlayer_lowered:
.L_overlay_start_2:
0x163: {  	(tag) =	ssettag $0x2  }
0x164: {  	s0 =	rddreg [dreg:$0x0];
	s2 =	stileid.u32  }
0x165: {  	s1 =	rddreg [dreg:$0x1];
	p0 =	sne.s32 s2, $0x0  }
0x166: {  	s3 =	rddreg [dreg:$0x2];
	[bflag:$0x3] =	sbarrier.arrive $0xFFFF;
	s2 =	simm.s32 @!p0 $0x1C0B  }
0x167: {  	[timem:s3], [sflag:s2] =	dma.local @!p0 [hbm:s0], s1  }
0x168: {  	s0 =	simm.s32 @!p0 $0xB  }
0x169: {  	_ =	swait.ge @!p0 [sflag:s0], s1  }
0x16a: {  	s1 =	ssub.s32 @!p0 $0x0, s1;
	[sflag:s0] =	ssyncset.done @!p0 $0x0  }
0x16b: {  	[sflag:s0] =	ssyncadd.s32 @!p0 s1  }
0x16c: {  	[bflag:$0x3] =	sbarrier.arrive $0xFFFF  }
0x16d: {  	_ =	shalt  }

</sc_bundles>
